<compile_context>
chip_gen: v7x
topology: tpu7x:2x2x1
jax: 0.10.2.dev20260603
libtpu: 0.0.44.dev20260713+nightly
codegen_flags: <defaults>
</compile_context>

<pallas_src>
import functools
import math

import jax
import jax.numpy as jnp
from jax import lax
from jax.experimental import pallas as pl
from jax.experimental.pallas import tpu as pltpu
from jax.experimental.pallas import tpu_sc as plsc

K = 16
H = 4
RADIUS = 50.0

BM_A = 512
BM_C = 256
CH = 128


def _kernel_a(feats, crow, ccol, wfp_t, wq_t, wkt_t, wvt_t, wqp,
              bfp, bq, bkt, bvt,
              bf_o, q_o, qp_o, comb_o, idx_o, knn_o, val_o):
    i = pl.program_id(0)
    n_total = crow.shape[2]

    x = feats[0]
    bf = jnp.dot(x, wfp_t[...], preferred_element_type=jnp.float32) + bfp[...]
    q = jnp.dot(bf, wq_t[...], preferred_element_type=jnp.float32) + bq[...]
    kt = jnp.dot(bf, wkt_t[...], preferred_element_type=jnp.float32) + bkt[...]
    vt = jnp.dot(bf, wvt_t[...], preferred_element_type=jnp.float32) + bvt[...]
    qp = jnp.dot(q, wqp[...], preferred_element_type=jnp.float32)
    bf_o[0] = bf
    q_o[0] = q
    qp_o[0] = qp

    cr = crow[0]
    cc = ccol[0]
    comb_o[0] = jnp.concatenate(
        [kt, vt, cc, jnp.zeros((cc.shape[0], 120), jnp.float32)], axis=1)
    xr = cr[0:1, :]
    yr = cr[1:2, :]
    zr = cr[2:3, :]
    xc = cc[:, 0:1]
    yc = cc[:, 1:2]
    zc = cc[:, 2:3]
    dx = xc - xr
    dy = yc - yr
    dz = zc - zr
    sq = dx * dx + dy * dy
    pos = sq > 0.0
    spatial = jnp.where(pos, jnp.sqrt(jnp.where(pos, sq, 1.0)), 0.0)
    dist = spatial + 0.3 * jnp.abs(dz)

    jj = lax.broadcasted_iota(jnp.int32, dist.shape, 1)
    nn = lax.broadcasted_iota(jnp.int32, dist.shape, 0) + i * BM_A
    inf = jnp.float32(jnp.inf)
    masked = (jj == nn) | (zr > zc) | (spatial > RADIUS)
    d = jnp.where(masked, inf, dist)

    idx_cols = []
    knn_cols = []
    val_cols = []
    for _ in range(K):
        m = jnp.min(d, axis=1, keepdims=True)
        eq = d == m
        cand = jnp.where(eq, jj, n_total)
        sel = jnp.min(cand, axis=1, keepdims=True)
        valid = m < inf
        idx_cols.append(sel)
        knn_cols.append(jnp.where(valid, m, 0.0))
        val_cols.append(valid.astype(jnp.float32))
        d = jnp.where(jj == sel, inf, d)
    idx_o[0] = jnp.concatenate(idx_cols, axis=1)
    knn_o[0] = jnp.concatenate(knn_cols, axis=1)
    val_o[0] = jnp.concatenate(val_cols, axis=1)


def _kernel_c(q_r, qp_r, bf_r, g_r, own_r,
              knn_r, val_r,
              wpe1_t, bpe1, wv2bd, wout_t, bout, gamma, beta, out_r):
    e = q_r.shape[2]
    head = e // H
    q = q_r[0]
    qp = qp_r[0]
    bf = bf_r[0]
    g = g_r[0]
    ktg = g[:, :, 0:e]
    vtg = g[:, :, e:2 * e]
    own = own_r[0]
    knn = knn_r[0]
    val = val_r[0]

    relx = g[:, :, 2 * e:2 * e + 1] - own[:, None, 0:1]
    rely = g[:, :, 2 * e + 1:2 * e + 2] - own[:, None, 1:2]
    relz = g[:, :, 2 * e + 2:2 * e + 3] - own[:, None, 2:3]
    acc = jnp.broadcast_to(jnp.reshape(bpe1[...], (1, 1, 2 * head)),
                           (q.shape[0], K, 2 * head))
    feats4 = [relx, rely, relz, knn[:, :, None]]
    for f in range(4):
        acc = acc + feats4[f] * jnp.reshape(wpe1_t[f:f + 1, :], (1, 1, 2 * head))
    hrel = jnp.maximum(acc, 0.0)

    validb = val > 0.5
    scale = jnp.float32(1.0 / math.sqrt(head))
    agg_parts = []
    aw_parts = []
    for h in range(H):
        hs = slice(h * head, (h + 1) * head)
        qph = qp[:, h * 2 * head:(h + 1) * 2 * head]
        s2 = jnp.sum(hrel * qph[:, None, :], axis=2)
        s1 = jnp.sum(ktg[:, :, hs] * q[:, None, hs], axis=2)
        s = (s1 + s2) * scale
        s = jnp.where(validb, s, -1e9)
        mx = jnp.max(s, axis=1, keepdims=True)
        ex = jnp.exp(s - mx)
        attn = ex / jnp.sum(ex, axis=1, keepdims=True)
        agg_parts.append(jnp.sum(vtg[:, :, hs] * attn[:, :, None], axis=1))
        aw_parts.append(jnp.sum(hrel * attn[:, :, None], axis=1))
    agg1 = jnp.concatenate(agg_parts, axis=1)
    aw = jnp.concatenate(aw_parts, axis=1)
    agg = agg1 + jnp.dot(aw, wv2bd[...], preferred_element_type=jnp.float32)
    outp = jnp.dot(agg, wout_t[...], preferred_element_type=jnp.float32) + bout[...]
    has_nb = jnp.max(val, axis=1, keepdims=True) > 0.5
    enh = jnp.where(has_nb, bf + outp, bf)
    mu = jnp.mean(enh, axis=1, keepdims=True)
    var = jnp.mean((enh - mu) ** 2, axis=1, keepdims=True)
    out_r[0] = gamma[...] * (enh - mu) / jnp.sqrt(var + 1e-5) + beta[...]


def _make_sc_gather(rows, width, nw):
    per_w = rows // nw
    nch = per_w // CH
    mesh = plsc.VectorSubcoreMesh(core_axis_name="c", subcore_axis_name="s")

    @functools.partial(
        pl.kernel, mesh=mesh,
        out_type=jax.ShapeDtypeStruct((rows, width), jnp.float32),
        scratch_types=[pltpu.VMEM((nch, CH), jnp.int32),
                       pltpu.VMEM((CH, width), jnp.float32),
                       pltpu.SemaphoreType.DMA],
    )
    def sc_gather(idx2_hbm, tab_hbm, out_hbm, idx_v, buf, s1):
        nc = 2
        wid = lax.axis_index("s") * nc + lax.axis_index("c")
        base = wid * per_w
        pltpu.sync_copy(idx2_hbm.at[pl.ds(wid * nch, nch)], idx_v)

        def body(j, carry):
            off = base + j * CH
            pltpu.async_copy(tab_hbm.at[idx_v.at[j]], buf, s1).wait()
            pltpu.sync_copy(buf, out_hbm.at[pl.ds(off, CH)])
            return carry

        lax.fori_loop(0, nch, body, 0)

    return sc_gather


def kernel(features, coords, W_fp, b_fp, W_pe1, b_pe1, W_pe2, b_pe2,
           W_in, b_in, W_out, b_out, gamma, beta):
    B, N, IN_DIM = features.shape
    E = W_fp.shape[0]
    head = E // H
    f32 = jnp.float32

    Wq = W_in[:E]
    Wk = W_in[E:2 * E]
    Wv = W_in[2 * E:]
    bq = b_in[:E]
    bk = b_in[E:2 * E]
    bv = b_in[2 * E:]
    Wk2 = Wk @ W_pe2
    Wv2 = Wv @ W_pe2
    ktb = bk + b_pe2 @ Wk.T
    vtb = bv + b_pe2 @ Wv.T
    Wqp = jnp.zeros((E, 2 * E), f32)
    Wv2bd = jnp.zeros((2 * E, E), f32)
    for h in range(H):
        hs = slice(h * head, (h + 1) * head)
        ps = slice(h * 2 * head, (h + 1) * 2 * head)
        Wqp = Wqp.at[hs, ps].set(Wk2[hs, :])
        Wv2bd = Wv2bd.at[ps, hs].set(Wv2[hs, :].T)

    cds8 = jnp.concatenate([coords, jnp.zeros((B, N, 5), f32)], axis=-1)
    crow = jnp.swapaxes(cds8, 1, 2)

    nb_a = N // BM_A
    width = 2 * E + 128
    rowa = lambda i: (0, i, 0)
    wa = lambda i: (0, 0)
    a_call = pl.pallas_call(
        _kernel_a,
        grid=(nb_a,),
        in_specs=[
            pl.BlockSpec((1, BM_A, IN_DIM), rowa),
            pl.BlockSpec((1, 8, N), lambda i: (0, 0, 0)),
            pl.BlockSpec((1, BM_A, 8), rowa),
            pl.BlockSpec((IN_DIM, E), wa),
            pl.BlockSpec((E, E), wa),
            pl.BlockSpec((E, E), wa),
            pl.BlockSpec((E, E), wa),
            pl.BlockSpec((E, 2 * E), wa),
            pl.BlockSpec((1, E), wa),
            pl.BlockSpec((1, E), wa),
            pl.BlockSpec((1, E), wa),
            pl.BlockSpec((1, E), wa),
        ],
        out_specs=[
            pl.BlockSpec((1, BM_A, E), rowa),
            pl.BlockSpec((1, BM_A, E), rowa),
            pl.BlockSpec((1, BM_A, 2 * E), rowa),
            pl.BlockSpec((1, BM_A, width), rowa),
            pl.BlockSpec((1, BM_A, K), rowa),
            pl.BlockSpec((1, BM_A, K), rowa),
            pl.BlockSpec((1, BM_A, K), rowa),
        ],
        out_shape=[
            jax.ShapeDtypeStruct((1, N, E), f32),
            jax.ShapeDtypeStruct((1, N, E), f32),
            jax.ShapeDtypeStruct((1, N, 2 * E), f32),
            jax.ShapeDtypeStruct((1, N, width), f32),
            jax.ShapeDtypeStruct((1, N, K), jnp.int32),
            jax.ShapeDtypeStruct((1, N, K), f32),
            jax.ShapeDtypeStruct((1, N, K), f32),
        ],
    )
    wfp_t = W_fp.T
    wq_t = Wq.T
    wkt_t = Wk.T
    wvt_t = Wv.T
    bfp2 = b_fp[None, :]
    bq2 = bq[None, :]
    ktb2 = ktb[None, :]
    vtb2 = vtb[None, :]

    rows_b = N * K
    sc_gather = _make_sc_gather(rows_b, width, 32)
    nb_c = N // BM_C
    wc = lambda i: (0, 0)
    kernel_c_call = pl.pallas_call(
        _kernel_c,
        grid=(nb_c,),
        in_specs=[
            pl.BlockSpec((1, BM_C, E), lambda i: (0, i, 0)),
            pl.BlockSpec((1, BM_C, 2 * E), lambda i: (0, i, 0)),
            pl.BlockSpec((1, BM_C, E), lambda i: (0, i, 0)),
            pl.BlockSpec((1, BM_C, K, 2 * E + 128), lambda i: (0, i, 0, 0)),
            pl.BlockSpec((1, BM_C, 8), lambda i: (0, i, 0)),
            pl.BlockSpec((1, BM_C, K), lambda i: (0, i, 0)),
            pl.BlockSpec((1, BM_C, K), lambda i: (0, i, 0)),
            pl.BlockSpec((4, 2 * head), wc),
            pl.BlockSpec((1, 2 * head), wc),
            pl.BlockSpec((2 * E, E), wc),
            pl.BlockSpec((E, E), wc),
            pl.BlockSpec((1, E), wc),
            pl.BlockSpec((1, E), wc),
            pl.BlockSpec((1, E), wc),
        ],
        out_specs=pl.BlockSpec((1, BM_C, E), lambda i: (0, i, 0)),
        out_shape=jax.ShapeDtypeStruct((1, N, E), f32),
    )
    per_batch = []
    for bb in range(B):
        bf_b, q_b, qp_b, comb_b, idx_b, knn_b, val_b = a_call(
            features[bb:bb + 1], crow[bb:bb + 1], cds8[bb:bb + 1],
            wfp_t, wq_t, wkt_t, wvt_t, Wqp, bfp2, bq2, ktb2, vtb2)
        g_b = sc_gather(idx_b.reshape(rows_b // CH, CH), comb_b[0])
        per_batch.append((bf_b, q_b, qp_b, g_b, knn_b, val_b))
    outs = []
    for bb in range(B):
        bf_b, q_b, qp_b, g_b, knn_b, val_b = per_batch[bb]
        out_b = kernel_c_call(
            q_b, qp_b, bf_b,
            g_b.reshape(1, N, K, width), cds8[bb:bb + 1],
            knn_b, val_b,
            W_pe1.T, b_pe1[None, :], Wv2bd, W_out.T, b_out[None, :],
            gamma[None, :], beta[None, :])
        outs.append(out_b)
    return jnp.concatenate(outs, axis=0)

# --- scband reference (transcript-rebuilt; emitter-appended) ---
"""Pipeline reference for scband-spatial-knnencoder-5540507812264 (READ-ONLY COPY).

The authoritative reference and input builder live on the scoring server;
editing this copy changes nothing except your own understanding.
"""

import jax, jax.numpy as jnp
import numpy as np

B, N, IN_DIM, E, H, K = 4, 2048, 256, 256, 4, 16
RADIUS = 50.0
HEAD = E // H

def setup_inputs(seed: int = 0) -> dict:
    key = jax.random.key(seed)
    ks = jax.random.split(key, 8)
    s = 0.05
    return {
        "features": jax.random.normal(ks[0], (B, N, IN_DIM), jnp.float32),
        "coords": jax.random.normal(ks[1], (B, N, 3), jnp.float32),
        "W_fp": jax.random.normal(ks[2], (E, IN_DIM), jnp.float32) * s,
        "b_fp": jnp.zeros((E,), jnp.float32),
        "W_pe1": jax.random.normal(ks[3], (E // 2, 4), jnp.float32) * s,
        "b_pe1": jnp.zeros((E // 2,), jnp.float32),
        "W_pe2": jax.random.normal(ks[4], (E, E // 2), jnp.float32) * s,
        "b_pe2": jnp.zeros((E,), jnp.float32),
        "W_in": jax.random.normal(ks[5], (3 * E, E), jnp.float32) * s,
        "b_in": jnp.zeros((3 * E,), jnp.float32),
        "W_out": jax.random.normal(ks[6], (E, E), jnp.float32) * s,
        "b_out": jnp.zeros((E,), jnp.float32),
        "gamma": jnp.ones((E,), jnp.float32),
        "beta": jnp.zeros((E,), jnp.float32),
    }

def reference(features, coords, W_fp, b_fp, W_pe1, b_pe1, W_pe2, b_pe2, W_in, b_in, W_out, b_out, gamma, beta):
    fp = features @ W_fp.T + b_fp
    outs = []
    for b in range(B):
        bf = fp[b]
        cds = coords[b]
        diff = cds[:, None, :] - cds[None, :, :]
        sq = jnp.sum(diff[..., :2] ** 2, axis=-1)
        spatial = jnp.where(sq > 0, jnp.sqrt(jnp.where(sq > 0, sq, 1.0)), 0.0)
        dist = spatial + jnp.abs(diff[..., 2]) * 0.3
        eye = jnp.eye(N, dtype=bool)
        dist = jnp.where(eye, jnp.inf, dist)
        t = cds[:, 2]
        # causal: mask strictly-future neighbors
        dist = jnp.where(t[None, :] > t[:, None], jnp.inf, dist)
        # spatial radius filter
        dist = jnp.where(spatial <= RADIUS, dist, jnp.inf)
        neg_vals, idx = jax.lax.top_k(-dist, K)
        knn_dist = -neg_vals
        valid = jnp.isfinite(knn_dist)
        knn_dist = jnp.where(valid, knn_dist, 0.0)
        rel_pos = cds[idx] - cds[:, None, :]
        rel_enc = jnp.concatenate([rel_pos, knn_dist[..., None]], axis=-1)
        pe = jax.nn.relu(rel_enc @ W_pe1.T + b_pe1) @ W_pe2.T + b_pe2
        nb = bf[idx] + pe
        # multi-head attention: q = center feature (len 1), k/v = K neighbors
        qh = (bf @ W_in[:E].T + b_in[:E]).reshape(N, H, HEAD)
        kh = (nb @ W_in[E:2 * E].T + b_in[E:2 * E]).reshape(N, K, H, HEAD)
        vh = (nb @ W_in[2 * E:].T + b_in[2 * E:]).reshape(N, K, H, HEAD)
        scores = jnp.einsum('nhd,nkhd->nhk', qh, kh) / np.sqrt(HEAD)
        scores = jnp.where((~valid)[:, None, :], -1e9, scores)
        attn = jax.nn.softmax(scores, axis=-1)
        agg = jnp.einsum('nhk,nkhd->nhd', attn, vh).reshape(N, E)
        agg = agg @ W_out.T + b_out
        has_nb = valid.any(axis=1)
        enhanced = jnp.where(has_nb[:, None], bf + agg, bf)
        mu = enhanced.mean(axis=-1, keepdims=True)
        var = ((enhanced - mu) ** 2).mean(axis=-1, keepdims=True)
        outs.append(gamma * (enhanced - mu) / jnp.sqrt(var + 1e-5) + beta)
    return jnp.stack(outs, axis=0)

if __name__ == "__main__":
    import jax
    _d = setup_inputs()
    print(jax.jit(kernel)(*tuple(_d.values())))

</pallas_src>

<mosaic_0001>
#map = affine_map<(d0, d1) -> (0, 0)>
module attributes {stable_mosaic.version = 14 : i64} {
  func.func @sc_gather(%arg0: i32, %arg1: i32, %arg2: memref<256x128xi32, #tpu.memory_space<hbm>>, %arg3: memref<2048x640xf32, #tpu.memory_space<hbm>>, %arg4: memref<32768x640xf32, #tpu.memory_space<hbm>>, %arg5: memref<8x128xi32, #tpu.memory_space<vmem>>, %arg6: memref<128x640xf32, #tpu.memory_space<vmem>>, %arg7: memref<!tpu.dma_semaphore, #tpu.memory_space<semaphore_mem>>) attributes {dimension_semantics = [#tpu.dimension_semantics<core_parallel>, #tpu.dimension_semantics<subcore_parallel>], iteration_bounds = array<i64: 2, 16>, scalar_prefetch = 0 : i64, scratch_operands = 3 : i64, tpu.core_type = #tpu.core_type<sc_vector_subcore>, window_params = [{transform_indices = #map}, {transform_indices = #map}, {transform_indices = #map}]} {
    %mul3A = arith.constant 2 : i32
    %mul3A_0 = arith.muli %arg1, %mul3A : i32
    %add3A = arith.addi %mul3A_0, %arg0 : i32
    %mul3A_1 = arith.constant 1024 : i32
    %mul3A_2 = arith.muli %add3A, %mul3A_1 : i32
    %mul3A_3 = arith.constant 8 : i32
    %mul3A_4 = arith.muli %add3A, %mul3A_3 : i32
    "tpu.region"() ({
      %run_scoped3A = tpu.sem_alloc : memref<!tpu.dma_semaphore, #tpu.memory_space<semaphore_mem>>
      %dma_start3A = arith.constant 0 : i32
      %dma_start3A_10 = tpu.memref_slice %arg2[%mul3A_4, %dma_start3A] : memref<256x128xi32, #tpu.memory_space<hbm>> -> memref<8x128xi32, #tpu.memory_space<hbm>>
      %dma_start3A_11 = arith.constant 0 : i32
      %dma_start3A_12 = tpu.memref_slice %arg2[%mul3A_4, %dma_start3A_11] : memref<256x128xi32, #tpu.memory_space<hbm>> -> memref<8x128xi32, #tpu.memory_space<hbm>>
      tpu.enqueue_dma source(%dma_start3A_12 : memref<8x128xi32, #tpu.memory_space<hbm>>) target(%arg5 : memref<8x128xi32, #tpu.memory_space<vmem>>) target_semaphore(%run_scoped3A : memref<!tpu.dma_semaphore, #tpu.memory_space<semaphore_mem>>)
      %dma_wait3A = arith.constant 0 : i32
      %dma_wait3A_13 = tpu.memref_slice %arg2[%mul3A_4, %dma_wait3A] : memref<256x128xi32, #tpu.memory_space<hbm>> -> memref<8x128xi32, #tpu.memory_space<hbm>>
      %dma_wait3A_14 = arith.constant 0 : i32
      %dma_wait3A_15 = tpu.memref_slice %arg2[%mul3A_4, %dma_wait3A_14] : memref<256x128xi32, #tpu.memory_space<hbm>> -> memref<8x128xi32, #tpu.memory_space<hbm>>
      tpu.wait_dma2 semaphore(%run_scoped3A : memref<!tpu.dma_semaphore, #tpu.memory_space<semaphore_mem>>) src(%dma_wait3A_15 : memref<8x128xi32, #tpu.memory_space<hbm>>) dst(%arg5 : memref<8x128xi32, #tpu.memory_space<vmem>>)
      tpu.yield
    }) : () -> ()
    %scan3A = arith.constant 0 : i32
    %scan3A_5 = arith.constant 0 : i32
    %scan3A_6 = arith.constant 8 : i32
    %scan3A_7 = arith.addi %scan3A_5, %scan3A_6 : i32
    %scan3A_8 = arith.constant 1 : i32
    scf.for %scan3A_10 = %scan3A_5 to %scan3A_7 step %scan3A_8  : i32 {
      %mul3A_11 = arith.constant 128 : i32
      %mul3A_12 = arith.muli %scan3A_10, %mul3A_11 : i32
      %add3A_13 = arith.addi %mul3A_2, %mul3A_12 : i32
      %dma_start3A = arith.constant 0 : i32
      %dma_start3A_14 = tpu.memref_slice %arg5[%scan3A_10, %dma_start3A] : memref<8x128xi32, #tpu.memory_space<vmem>> -> memref<1x128xi32, #tpu.memory_space<vmem>>
      %dma_start3A_15 = tpu.memref_squeeze %dma_start3A_14 : memref<1x128xi32, #tpu.memory_space<vmem>> -> memref<128xi32, #tpu.memory_space<vmem>>
      %dma_start3A_16 = arith.constant 0 : i32
      %dma_start3A_17 = arith.constant 0 : i32
      %dma_start3A_18 = tpu.memref_slice %arg3[%dma_start3A_16, %dma_start3A_17] : memref<2048x640xf32, #tpu.memory_space<hbm>> -> memref<2048x640xf32, #tpu.memory_space<hbm>>
      tpu.enqueue_indirect_dma source(%dma_start3A_18 : memref<2048x640xf32, #tpu.memory_space<hbm>>) target(%arg6 : memref<128x640xf32, #tpu.memory_space<vmem>>) offsets(%dma_start3A_15 : memref<128xi32, #tpu.memory_space<vmem>>) semaphore(%arg7 : memref<!tpu.dma_semaphore, #tpu.memory_space<semaphore_mem>>)
      %dma_wait3A = arith.constant 0 : i32
      %dma_wait3A_19 = tpu.memref_slice %arg5[%scan3A_10, %dma_wait3A] : memref<8x128xi32, #tpu.memory_space<vmem>> -> memref<1x128xi32, #tpu.memory_space<vmem>>
      %dma_wait3A_20 = tpu.memref_squeeze %dma_wait3A_19 : memref<1x128xi32, #tpu.memory_space<vmem>> -> memref<128xi32, #tpu.memory_space<vmem>>
      %dma_wait3A_21 = arith.constant 0 : i32
      %dma_wait3A_22 = arith.constant 0 : i32
      %dma_wait3A_23 = tpu.memref_slice %arg3[%dma_wait3A_21, %dma_wait3A_22] : memref<2048x640xf32, #tpu.memory_space<hbm>> -> memref<2048x640xf32, #tpu.memory_space<hbm>>
      tpu.wait_indirect_dma semaphore(%arg7 : memref<!tpu.dma_semaphore, #tpu.memory_space<semaphore_mem>>) src(%dma_wait3A_23 : memref<2048x640xf32, #tpu.memory_space<hbm>>) dst(%arg6 : memref<128x640xf32, #tpu.memory_space<vmem>>)
      "tpu.region"() ({
        %run_scoped3A = tpu.sem_alloc : memref<!tpu.dma_semaphore, #tpu.memory_space<semaphore_mem>>
        %dma_start3A_24 = arith.constant 0 : i32
        %dma_start3A_25 = tpu.memref_slice %arg4[%add3A_13, %dma_start3A_24] : memref<32768x640xf32, #tpu.memory_space<hbm>> -> memref<128x640xf32, #tpu.memory_space<hbm>>
        %dma_start3A_26 = arith.constant 0 : i32
        %dma_start3A_27 = tpu.memref_slice %arg4[%add3A_13, %dma_start3A_26] : memref<32768x640xf32, #tpu.memory_space<hbm>> -> memref<128x640xf32, #tpu.memory_space<hbm>>
        tpu.enqueue_dma source(%arg6 : memref<128x640xf32, #tpu.memory_space<vmem>>) target(%dma_start3A_27 : memref<128x640xf32, #tpu.memory_space<hbm>>) target_semaphore(%run_scoped3A : memref<!tpu.dma_semaphore, #tpu.memory_space<semaphore_mem>>)
        %dma_wait3A_28 = arith.constant 0 : i32
        %dma_wait3A_29 = tpu.memref_slice %arg4[%add3A_13, %dma_wait3A_28] : memref<32768x640xf32, #tpu.memory_space<hbm>> -> memref<128x640xf32, #tpu.memory_space<hbm>>
        %dma_wait3A_30 = arith.constant 0 : i32
        %dma_wait3A_31 = tpu.memref_slice %arg4[%add3A_13, %dma_wait3A_30] : memref<32768x640xf32, #tpu.memory_space<hbm>> -> memref<128x640xf32, #tpu.memory_space<hbm>>
        tpu.wait_dma2 semaphore(%run_scoped3A : memref<!tpu.dma_semaphore, #tpu.memory_space<semaphore_mem>>) src(%arg6 : memref<128x640xf32, #tpu.memory_space<vmem>>) dst(%dma_wait3A_31 : memref<128x640xf32, #tpu.memory_space<hbm>>)
        tpu.yield
      }) : () -> ()
    }
    %scan3A_9 = arith.constant 8 : i32
    return
  }
}

#map = affine_map<(d0, d1) -> (0, 0)>
module attributes {stable_mosaic.version = 14 : i64} {
  func.func @sc_gather(%arg0: i32, %arg1: i32, %arg2: memref<256x128xi32, #tpu.memory_space<hbm>>, %arg3: memref<2048x640xf32, #tpu.memory_space<hbm>>, %arg4: memref<32768x640xf32, #tpu.memory_space<hbm>>, %arg5: memref<8x128xi32, #tpu.memory_space<vmem>>, %arg6: memref<128x640xf32, #tpu.memory_space<vmem>>, %arg7: memref<!tpu.dma_semaphore, #tpu.memory_space<semaphore_mem>>) attributes {dimension_semantics = [#tpu.dimension_semantics<core_parallel>, #tpu.dimension_semantics<subcore_parallel>], iteration_bounds = array<i64: 2, 16>, scalar_prefetch = 0 : i64, scratch_operands = 3 : i64, tpu.core_type = #tpu.core_type<sc_vector_subcore>, window_params = [{transform_indices = #map}, {transform_indices = #map}, {transform_indices = #map}]} {
    %mul3A = arith.constant 2 : i32
    %mul3A_0 = arith.muli %arg1, %mul3A : i32
    %add3A = arith.addi %mul3A_0, %arg0 : i32
    %mul3A_1 = arith.constant 1024 : i32
    %mul3A_2 = arith.muli %add3A, %mul3A_1 : i32
    %mul3A_3 = arith.constant 8 : i32
    %mul3A_4 = arith.muli %add3A, %mul3A_3 : i32
    "tpu.region"() ({
      %run_scoped3A = tpu.sem_alloc : memref<!tpu.dma_semaphore, #tpu.memory_space<semaphore_mem>>
      %dma_start3A = arith.constant 0 : i32
      %dma_start3A_10 = tpu.memref_slice %arg2[%mul3A_4, %dma_start3A] : memref<256x128xi32, #tpu.memory_space<hbm>> -> memref<8x128xi32, #tpu.memory_space<hbm>>
      %dma_start3A_11 = arith.constant 0 : i32
      %dma_start3A_12 = tpu.memref_slice %arg2[%mul3A_4, %dma_start3A_11] : memref<256x128xi32, #tpu.memory_space<hbm>> -> memref<8x128xi32, #tpu.memory_space<hbm>>
      tpu.enqueue_dma source(%dma_start3A_12 : memref<8x128xi32, #tpu.memory_space<hbm>>) target(%arg5 : memref<8x128xi32, #tpu.memory_space<vmem>>) target_semaphore(%run_scoped3A : memref<!tpu.dma_semaphore, #tpu.memory_space<semaphore_mem>>)
      %dma_wait3A = arith.constant 0 : i32
      %dma_wait3A_13 = tpu.memref_slice %arg2[%mul3A_4, %dma_wait3A] : memref<256x128xi32, #tpu.memory_space<hbm>> -> memref<8x128xi32, #tpu.memory_space<hbm>>
      %dma_wait3A_14 = arith.constant 0 : i32
      %dma_wait3A_15 = tpu.memref_slice %arg2[%mul3A_4, %dma_wait3A_14] : memref<256x128xi32, #tpu.memory_space<hbm>> -> memref<8x128xi32, #tpu.memory_space<hbm>>
      tpu.wait_dma2 semaphore(%run_scoped3A : memref<!tpu.dma_semaphore, #tpu.memory_space<semaphore_mem>>) src(%dma_wait3A_15 : memref<8x128xi32, #tpu.memory_space<hbm>>) dst(%arg5 : memref<8x128xi32, #tpu.memory_space<vmem>>)
      tpu.yield
    }) : () -> ()
    %scan3A = arith.constant 0 : i32
    %scan3A_5 = arith.constant 0 : i32
    %scan3A_6 = arith.constant 8 : i32
    %scan3A_7 = arith.addi %scan3A_5, %scan3A_6 : i32
    %scan3A_8 = arith.constant 1 : i32
    scf.for %scan3A_10 = %scan3A_5 to %scan3A_7 step %scan3A_8  : i32 {
      %mul3A_11 = arith.constant 128 : i32
      %mul3A_12 = arith.muli %scan3A_10, %mul3A_11 : i32
      %add3A_13 = arith.addi %mul3A_2, %mul3A_12 : i32
      %dma_start3A = arith.constant 0 : i32
      %dma_start3A_14 = tpu.memref_slice %arg5[%scan3A_10, %dma_start3A] : memref<8x128xi32, #tpu.memory_space<vmem>> -> memref<1x128xi32, #tpu.memory_space<vmem>>
      %dma_start3A_15 = tpu.memref_squeeze %dma_start3A_14 : memref<1x128xi32, #tpu.memory_space<vmem>> -> memref<128xi32, #tpu.memory_space<vmem>>
      %dma_start3A_16 = arith.constant 0 : i32
      %dma_start3A_17 = arith.constant 0 : i32
      %dma_start3A_18 = tpu.memref_slice %arg3[%dma_start3A_16, %dma_start3A_17] : memref<2048x640xf32, #tpu.memory_space<hbm>> -> memref<2048x640xf32, #tpu.memory_space<hbm>>
      tpu.enqueue_indirect_dma source(%dma_start3A_18 : memref<2048x640xf32, #tpu.memory_space<hbm>>) target(%arg6 : memref<128x640xf32, #tpu.memory_space<vmem>>) offsets(%dma_start3A_15 : memref<128xi32, #tpu.memory_space<vmem>>) semaphore(%arg7 : memref<!tpu.dma_semaphore, #tpu.memory_space<semaphore_mem>>)
      %dma_wait3A = arith.constant 0 : i32
      %dma_wait3A_19 = tpu.memref_slice %arg5[%scan3A_10, %dma_wait3A] : memref<8x128xi32, #tpu.memory_space<vmem>> -> memref<1x128xi32, #tpu.memory_space<vmem>>
      %dma_wait3A_20 = tpu.memref_squeeze %dma_wait3A_19 : memref<1x128xi32, #tpu.memory_space<vmem>> -> memref<128xi32, #tpu.memory_space<vmem>>
      %dma_wait3A_21 = arith.constant 0 : i32
      %dma_wait3A_22 = arith.constant 0 : i32
      %dma_wait3A_23 = tpu.memref_slice %arg3[%dma_wait3A_21, %dma_wait3A_22] : memref<2048x640xf32, #tpu.memory_space<hbm>> -> memref<2048x640xf32, #tpu.memory_space<hbm>>
      tpu.wait_indirect_dma semaphore(%arg7 : memref<!tpu.dma_semaphore, #tpu.memory_space<semaphore_mem>>) src(%dma_wait3A_23 : memref<2048x640xf32, #tpu.memory_space<hbm>>) dst(%arg6 : memref<128x640xf32, #tpu.memory_space<vmem>>)
      "tpu.region"() ({
        %run_scoped3A = tpu.sem_alloc : memref<!tpu.dma_semaphore, #tpu.memory_space<semaphore_mem>>
        %dma_start3A_24 = arith.constant 0 : i32
        %dma_start3A_25 = tpu.memref_slice %arg4[%add3A_13, %dma_start3A_24] : memref<32768x640xf32, #tpu.memory_space<hbm>> -> memref<128x640xf32, #tpu.memory_space<hbm>>
        %dma_start3A_26 = arith.constant 0 : i32
        %dma_start3A_27 = tpu.memref_slice %arg4[%add3A_13, %dma_start3A_26] : memref<32768x640xf32, #tpu.memory_space<hbm>> -> memref<128x640xf32, #tpu.memory_space<hbm>>
        tpu.enqueue_dma source(%arg6 : memref<128x640xf32, #tpu.memory_space<vmem>>) target(%dma_start3A_27 : memref<128x640xf32, #tpu.memory_space<hbm>>) target_semaphore(%run_scoped3A : memref<!tpu.dma_semaphore, #tpu.memory_space<semaphore_mem>>)
        %dma_wait3A_28 = arith.constant 0 : i32
        %dma_wait3A_29 = tpu.memref_slice %arg4[%add3A_13, %dma_wait3A_28] : memref<32768x640xf32, #tpu.memory_space<hbm>> -> memref<128x640xf32, #tpu.memory_space<hbm>>
        %dma_wait3A_30 = arith.constant 0 : i32
        %dma_wait3A_31 = tpu.memref_slice %arg4[%add3A_13, %dma_wait3A_30] : memref<32768x640xf32, #tpu.memory_space<hbm>> -> memref<128x640xf32, #tpu.memory_space<hbm>>
        tpu.wait_dma2 semaphore(%run_scoped3A : memref<!tpu.dma_semaphore, #tpu.memory_space<semaphore_mem>>) src(%arg6 : memref<128x640xf32, #tpu.memory_space<vmem>>) dst(%dma_wait3A_31 : memref<128x640xf32, #tpu.memory_space<hbm>>)
        tpu.yield
      }) : () -> ()
    }
    %scan3A_9 = arith.constant 8 : i32
    return
  }
}

#map = affine_map<(d0, d1) -> (0, 0)>
module attributes {stable_mosaic.version = 14 : i64} {
  func.func @sc_gather(%arg0: i32, %arg1: i32, %arg2: memref<256x128xi32, #tpu.memory_space<hbm>>, %arg3: memref<2048x640xf32, #tpu.memory_space<hbm>>, %arg4: memref<32768x640xf32, #tpu.memory_space<hbm>>, %arg5: memref<8x128xi32, #tpu.memory_space<vmem>>, %arg6: memref<128x640xf32, #tpu.memory_space<vmem>>, %arg7: memref<!tpu.dma_semaphore, #tpu.memory_space<semaphore_mem>>) attributes {dimension_semantics = [#tpu.dimension_semantics<core_parallel>, #tpu.dimension_semantics<subcore_parallel>], iteration_bounds = array<i64: 2, 16>, scalar_prefetch = 0 : i64, scratch_operands = 3 : i64, tpu.core_type = #tpu.core_type<sc_vector_subcore>, window_params = [{transform_indices = #map}, {transform_indices = #map}, {transform_indices = #map}]} {
    %mul3A = arith.constant 2 : i32
    %mul3A_0 = arith.muli %arg1, %mul3A : i32
    %add3A = arith.addi %mul3A_0, %arg0 : i32
    %mul3A_1 = arith.constant 1024 : i32
    %mul3A_2 = arith.muli %add3A, %mul3A_1 : i32
    %mul3A_3 = arith.constant 8 : i32
    %mul3A_4 = arith.muli %add3A, %mul3A_3 : i32
    "tpu.region"() ({
      %run_scoped3A = tpu.sem_alloc : memref<!tpu.dma_semaphore, #tpu.memory_space<semaphore_mem>>
      %dma_start3A = arith.constant 0 : i32
      %dma_start3A_10 = tpu.memref_slice %arg2[%mul3A_4, %dma_start3A] : memref<256x128xi32, #tpu.memory_space<hbm>> -> memref<8x128xi32, #tpu.memory_space<hbm>>
      %dma_start3A_11 = arith.constant 0 : i32
      %dma_start3A_12 = tpu.memref_slice %arg2[%mul3A_4, %dma_start3A_11] : memref<256x128xi32, #tpu.memory_space<hbm>> -> memref<8x128xi32, #tpu.memory_space<hbm>>
      tpu.enqueue_dma source(%dma_start3A_12 : memref<8x128xi32, #tpu.memory_space<hbm>>) target(%arg5 : memref<8x128xi32, #tpu.memory_space<vmem>>) target_semaphore(%run_scoped3A : memref<!tpu.dma_semaphore, #tpu.memory_space<semaphore_mem>>)
      %dma_wait3A = arith.constant 0 : i32
      %dma_wait3A_13 = tpu.memref_slice %arg2[%mul3A_4, %dma_wait3A] : memref<256x128xi32, #tpu.memory_space<hbm>> -> memref<8x128xi32, #tpu.memory_space<hbm>>
      %dma_wait3A_14 = arith.constant 0 : i32
      %dma_wait3A_15 = tpu.memref_slice %arg2[%mul3A_4, %dma_wait3A_14] : memref<256x128xi32, #tpu.memory_space<hbm>> -> memref<8x128xi32, #tpu.memory_space<hbm>>
      tpu.wait_dma2 semaphore(%run_scoped3A : memref<!tpu.dma_semaphore, #tpu.memory_space<semaphore_mem>>) src(%dma_wait3A_15 : memref<8x128xi32, #tpu.memory_space<hbm>>) dst(%arg5 : memref<8x128xi32, #tpu.memory_space<vmem>>)
      tpu.yield
    }) : () -> ()
    %scan3A = arith.constant 0 : i32
    %scan3A_5 = arith.constant 0 : i32
    %scan3A_6 = arith.constant 8 : i32
    %scan3A_7 = arith.addi %scan3A_5, %scan3A_6 : i32
    %scan3A_8 = arith.constant 1 : i32
    scf.for %scan3A_10 = %scan3A_5 to %scan3A_7 step %scan3A_8  : i32 {
      %mul3A_11 = arith.constant 128 : i32
      %mul3A_12 = arith.muli %scan3A_10, %mul3A_11 : i32
      %add3A_13 = arith.addi %mul3A_2, %mul3A_12 : i32
      %dma_start3A = arith.constant 0 : i32
      %dma_start3A_14 = tpu.memref_slice %arg5[%scan3A_10, %dma_start3A] : memref<8x128xi32, #tpu.memory_space<vmem>> -> memref<1x128xi32, #tpu.memory_space<vmem>>
      %dma_start3A_15 = tpu.memref_squeeze %dma_start3A_14 : memref<1x128xi32, #tpu.memory_space<vmem>> -> memref<128xi32, #tpu.memory_space<vmem>>
      %dma_start3A_16 = arith.constant 0 : i32
      %dma_start3A_17 = arith.constant 0 : i32
      %dma_start3A_18 = tpu.memref_slice %arg3[%dma_start3A_16, %dma_start3A_17] : memref<2048x640xf32, #tpu.memory_space<hbm>> -> memref<2048x640xf32, #tpu.memory_space<hbm>>
      tpu.enqueue_indirect_dma source(%dma_start3A_18 : memref<2048x640xf32, #tpu.memory_space<hbm>>) target(%arg6 : memref<128x640xf32, #tpu.memory_space<vmem>>) offsets(%dma_start3A_15 : memref<128xi32, #tpu.memory_space<vmem>>) semaphore(%arg7 : memref<!tpu.dma_semaphore, #tpu.memory_space<semaphore_mem>>)
      %dma_wait3A = arith.constant 0 : i32
      %dma_wait3A_19 = tpu.memref_slice %arg5[%scan3A_10, %dma_wait3A] : memref<8x128xi32, #tpu.memory_space<vmem>> -> memref<1x128xi32, #tpu.memory_space<vmem>>
      %dma_wait3A_20 = tpu.memref_squeeze %dma_wait3A_19 : memref<1x128xi32, #tpu.memory_space<vmem>> -> memref<128xi32, #tpu.memory_space<vmem>>
      %dma_wait3A_21 = arith.constant 0 : i32
      %dma_wait3A_22 = arith.constant 0 : i32
      %dma_wait3A_23 = tpu.memref_slice %arg3[%dma_wait3A_21, %dma_wait3A_22] : memref<2048x640xf32, #tpu.memory_space<hbm>> -> memref<2048x640xf32, #tpu.memory_space<hbm>>
      tpu.wait_indirect_dma semaphore(%arg7 : memref<!tpu.dma_semaphore, #tpu.memory_space<semaphore_mem>>) src(%dma_wait3A_23 : memref<2048x640xf32, #tpu.memory_space<hbm>>) dst(%arg6 : memref<128x640xf32, #tpu.memory_space<vmem>>)
      "tpu.region"() ({
        %run_scoped3A = tpu.sem_alloc : memref<!tpu.dma_semaphore, #tpu.memory_space<semaphore_mem>>
        %dma_start3A_24 = arith.constant 0 : i32
        %dma_start3A_25 = tpu.memref_slice %arg4[%add3A_13, %dma_start3A_24] : memref<32768x640xf32, #tpu.memory_space<hbm>> -> memref<128x640xf32, #tpu.memory_space<hbm>>
        %dma_start3A_26 = arith.constant 0 : i32
        %dma_start3A_27 = tpu.memref_slice %arg4[%add3A_13, %dma_start3A_26] : memref<32768x640xf32, #tpu.memory_space<hbm>> -> memref<128x640xf32, #tpu.memory_space<hbm>>
        tpu.enqueue_dma source(%arg6 : memref<128x640xf32, #tpu.memory_space<vmem>>) target(%dma_start3A_27 : memref<128x640xf32, #tpu.memory_space<hbm>>) target_semaphore(%run_scoped3A : memref<!tpu.dma_semaphore, #tpu.memory_space<semaphore_mem>>)
        %dma_wait3A_28 = arith.constant 0 : i32
        %dma_wait3A_29 = tpu.memref_slice %arg4[%add3A_13, %dma_wait3A_28] : memref<32768x640xf32, #tpu.memory_space<hbm>> -> memref<128x640xf32, #tpu.memory_space<hbm>>
        %dma_wait3A_30 = arith.constant 0 : i32
        %dma_wait3A_31 = tpu.memref_slice %arg4[%add3A_13, %dma_wait3A_30] : memref<32768x640xf32, #tpu.memory_space<hbm>> -> memref<128x640xf32, #tpu.memory_space<hbm>>
        tpu.wait_dma2 semaphore(%run_scoped3A : memref<!tpu.dma_semaphore, #tpu.memory_space<semaphore_mem>>) src(%arg6 : memref<128x640xf32, #tpu.memory_space<vmem>>) dst(%dma_wait3A_31 : memref<128x640xf32, #tpu.memory_space<hbm>>)
        tpu.yield
      }) : () -> ()
    }
    %scan3A_9 = arith.constant 8 : i32
    return
  }
}

#map = affine_map<(d0, d1) -> (0, 0)>
module attributes {stable_mosaic.version = 14 : i64} {
  func.func @sc_gather(%arg0: i32, %arg1: i32, %arg2: memref<256x128xi32, #tpu.memory_space<hbm>>, %arg3: memref<2048x640xf32, #tpu.memory_space<hbm>>, %arg4: memref<32768x640xf32, #tpu.memory_space<hbm>>, %arg5: memref<8x128xi32, #tpu.memory_space<vmem>>, %arg6: memref<128x640xf32, #tpu.memory_space<vmem>>, %arg7: memref<!tpu.dma_semaphore, #tpu.memory_space<semaphore_mem>>) attributes {dimension_semantics = [#tpu.dimension_semantics<core_parallel>, #tpu.dimension_semantics<subcore_parallel>], iteration_bounds = array<i64: 2, 16>, scalar_prefetch = 0 : i64, scratch_operands = 3 : i64, tpu.core_type = #tpu.core_type<sc_vector_subcore>, window_params = [{transform_indices = #map}, {transform_indices = #map}, {transform_indices = #map}]} {
    %mul3A = arith.constant 2 : i32
    %mul3A_0 = arith.muli %arg1, %mul3A : i32
    %add3A = arith.addi %mul3A_0, %arg0 : i32
    %mul3A_1 = arith.constant 1024 : i32
    %mul3A_2 = arith.muli %add3A, %mul3A_1 : i32
    %mul3A_3 = arith.constant 8 : i32
    %mul3A_4 = arith.muli %add3A, %mul3A_3 : i32
    "tpu.region"() ({
      %run_scoped3A = tpu.sem_alloc : memref<!tpu.dma_semaphore, #tpu.memory_space<semaphore_mem>>
      %dma_start3A = arith.constant 0 : i32
      %dma_start3A_10 = tpu.memref_slice %arg2[%mul3A_4, %dma_start3A] : memref<256x128xi32, #tpu.memory_space<hbm>> -> memref<8x128xi32, #tpu.memory_space<hbm>>
      %dma_start3A_11 = arith.constant 0 : i32
      %dma_start3A_12 = tpu.memref_slice %arg2[%mul3A_4, %dma_start3A_11] : memref<256x128xi32, #tpu.memory_space<hbm>> -> memref<8x128xi32, #tpu.memory_space<hbm>>
      tpu.enqueue_dma source(%dma_start3A_12 : memref<8x128xi32, #tpu.memory_space<hbm>>) target(%arg5 : memref<8x128xi32, #tpu.memory_space<vmem>>) target_semaphore(%run_scoped3A : memref<!tpu.dma_semaphore, #tpu.memory_space<semaphore_mem>>)
      %dma_wait3A = arith.constant 0 : i32
      %dma_wait3A_13 = tpu.memref_slice %arg2[%mul3A_4, %dma_wait3A] : memref<256x128xi32, #tpu.memory_space<hbm>> -> memref<8x128xi32, #tpu.memory_space<hbm>>
      %dma_wait3A_14 = arith.constant 0 : i32
      %dma_wait3A_15 = tpu.memref_slice %arg2[%mul3A_4, %dma_wait3A_14] : memref<256x128xi32, #tpu.memory_space<hbm>> -> memref<8x128xi32, #tpu.memory_space<hbm>>
      tpu.wait_dma2 semaphore(%run_scoped3A : memref<!tpu.dma_semaphore, #tpu.memory_space<semaphore_mem>>) src(%dma_wait3A_15 : memref<8x128xi32, #tpu.memory_space<hbm>>) dst(%arg5 : memref<8x128xi32, #tpu.memory_space<vmem>>)
      tpu.yield
    }) : () -> ()
    %scan3A = arith.constant 0 : i32
    %scan3A_5 = arith.constant 0 : i32
    %scan3A_6 = arith.constant 8 : i32
    %scan3A_7 = arith.addi %scan3A_5, %scan3A_6 : i32
    %scan3A_8 = arith.constant 1 : i32
    scf.for %scan3A_10 = %scan3A_5 to %scan3A_7 step %scan3A_8  : i32 {
      %mul3A_11 = arith.constant 128 : i32
      %mul3A_12 = arith.muli %scan3A_10, %mul3A_11 : i32
      %add3A_13 = arith.addi %mul3A_2, %mul3A_12 : i32
      %dma_start3A = arith.constant 0 : i32
      %dma_start3A_14 = tpu.memref_slice %arg5[%scan3A_10, %dma_start3A] : memref<8x128xi32, #tpu.memory_space<vmem>> -> memref<1x128xi32, #tpu.memory_space<vmem>>
      %dma_start3A_15 = tpu.memref_squeeze %dma_start3A_14 : memref<1x128xi32, #tpu.memory_space<vmem>> -> memref<128xi32, #tpu.memory_space<vmem>>
      %dma_start3A_16 = arith.constant 0 : i32
      %dma_start3A_17 = arith.constant 0 : i32
      %dma_start3A_18 = tpu.memref_slice %arg3[%dma_start3A_16, %dma_start3A_17] : memref<2048x640xf32, #tpu.memory_space<hbm>> -> memref<2048x640xf32, #tpu.memory_space<hbm>>
      tpu.enqueue_indirect_dma source(%dma_start3A_18 : memref<2048x640xf32, #tpu.memory_space<hbm>>) target(%arg6 : memref<128x640xf32, #tpu.memory_space<vmem>>) offsets(%dma_start3A_15 : memref<128xi32, #tpu.memory_space<vmem>>) semaphore(%arg7 : memref<!tpu.dma_semaphore, #tpu.memory_space<semaphore_mem>>)
      %dma_wait3A = arith.constant 0 : i32
      %dma_wait3A_19 = tpu.memref_slice %arg5[%scan3A_10, %dma_wait3A] : memref<8x128xi32, #tpu.memory_space<vmem>> -> memref<1x128xi32, #tpu.memory_space<vmem>>
      %dma_wait3A_20 = tpu.memref_squeeze %dma_wait3A_19 : memref<1x128xi32, #tpu.memory_space<vmem>> -> memref<128xi32, #tpu.memory_space<vmem>>
      %dma_wait3A_21 = arith.constant 0 : i32
      %dma_wait3A_22 = arith.constant 0 : i32
      %dma_wait3A_23 = tpu.memref_slice %arg3[%dma_wait3A_21, %dma_wait3A_22] : memref<2048x640xf32, #tpu.memory_space<hbm>> -> memref<2048x640xf32, #tpu.memory_space<hbm>>
      tpu.wait_indirect_dma semaphore(%arg7 : memref<!tpu.dma_semaphore, #tpu.memory_space<semaphore_mem>>) src(%dma_wait3A_23 : memref<2048x640xf32, #tpu.memory_space<hbm>>) dst(%arg6 : memref<128x640xf32, #tpu.memory_space<vmem>>)
      "tpu.region"() ({
        %run_scoped3A = tpu.sem_alloc : memref<!tpu.dma_semaphore, #tpu.memory_space<semaphore_mem>>
        %dma_start3A_24 = arith.constant 0 : i32
        %dma_start3A_25 = tpu.memref_slice %arg4[%add3A_13, %dma_start3A_24] : memref<32768x640xf32, #tpu.memory_space<hbm>> -> memref<128x640xf32, #tpu.memory_space<hbm>>
        %dma_start3A_26 = arith.constant 0 : i32
        %dma_start3A_27 = tpu.memref_slice %arg4[%add3A_13, %dma_start3A_26] : memref<32768x640xf32, #tpu.memory_space<hbm>> -> memref<128x640xf32, #tpu.memory_space<hbm>>
        tpu.enqueue_dma source(%arg6 : memref<128x640xf32, #tpu.memory_space<vmem>>) target(%dma_start3A_27 : memref<128x640xf32, #tpu.memory_space<hbm>>) target_semaphore(%run_scoped3A : memref<!tpu.dma_semaphore, #tpu.memory_space<semaphore_mem>>)
        %dma_wait3A_28 = arith.constant 0 : i32
        %dma_wait3A_29 = tpu.memref_slice %arg4[%add3A_13, %dma_wait3A_28] : memref<32768x640xf32, #tpu.memory_space<hbm>> -> memref<128x640xf32, #tpu.memory_space<hbm>>
        %dma_wait3A_30 = arith.constant 0 : i32
        %dma_wait3A_31 = tpu.memref_slice %arg4[%add3A_13, %dma_wait3A_30] : memref<32768x640xf32, #tpu.memory_space<hbm>> -> memref<128x640xf32, #tpu.memory_space<hbm>>
        tpu.wait_dma2 semaphore(%run_scoped3A : memref<!tpu.dma_semaphore, #tpu.memory_space<semaphore_mem>>) src(%arg6 : memref<128x640xf32, #tpu.memory_space<vmem>>) dst(%dma_wait3A_31 : memref<128x640xf32, #tpu.memory_space<hbm>>)
        tpu.yield
      }) : () -> ()
    }
    %scan3A_9 = arith.constant 8 : i32
    return
  }
}

module attributes {stable_mosaic.version = 14 : i64} {
  func.func @_kernel_a(%arg0: i32, %arg1: memref<1x512x256xf32, #tpu.memory_space<vmem>>, %arg2: memref<1x8x2048xf32, #tpu.memory_space<vmem>>, %arg3: memref<1x512x8xf32, #tpu.memory_space<vmem>>, %arg4: memref<256x256xf32, #tpu.memory_space<vmem>>, %arg5: memref<256x256xf32, #tpu.memory_space<vmem>>, %arg6: memref<256x256xf32, #tpu.memory_space<vmem>>, %arg7: memref<256x256xf32, #tpu.memory_space<vmem>>, %arg8: memref<256x512xf32, #tpu.memory_space<vmem>>, %arg9: memref<1x256xf32, #tpu.memory_space<vmem>>, %arg10: memref<1x256xf32, #tpu.memory_space<vmem>>, %arg11: memref<1x256xf32, #tpu.memory_space<vmem>>, %arg12: memref<1x256xf32, #tpu.memory_space<vmem>>, %arg13: memref<1x512x256xf32, #tpu.memory_space<vmem>>, %arg14: memref<1x512x256xf32, #tpu.memory_space<vmem>>, %arg15: memref<1x512x512xf32, #tpu.memory_space<vmem>>, %arg16: memref<1x512x640xf32, #tpu.memory_space<vmem>>, %arg17: memref<1x512x16xi32, #tpu.memory_space<vmem>>, %arg18: memref<1x512x16xf32, #tpu.memory_space<vmem>>, %arg19: memref<1x512x16xf32, #tpu.memory_space<vmem>>) attributes {dimension_semantics = [#tpu.dimension_semantics<arbitrary>], iteration_bounds = array<i64: 4>, scalar_prefetch = 0 : i64, scratch_operands = 0 : i64, tpu.core_type = #tpu.core_type<tc>, window_params = [{transform_indices = @transform_0, window_bounds = array<i64: 1, 512, 256>}, {pipeline_mode = #tpu.pipeline_mode<synchronous>, transform_indices = @transform_1, window_bounds = array<i64: 1, 8, 2048>}, {transform_indices = @transform_2, window_bounds = array<i64: 1, 512, 8>}, {pipeline_mode = #tpu.pipeline_mode<synchronous>, transform_indices = @transform_3, window_bounds = array<i64: 256, 256>}, {pipeline_mode = #tpu.pipeline_mode<synchronous>, transform_indices = @transform_4, window_bounds = array<i64: 256, 256>}, {pipeline_mode = #tpu.pipeline_mode<synchronous>, transform_indices = @transform_5, window_bounds = array<i64: 256, 256>}, {pipeline_mode = #tpu.pipeline_mode<synchronous>, transform_indices = @transform_6, window_bounds = array<i64: 256, 256>}, {pipeline_mode = #tpu.pipeline_mode<synchronous>, transform_indices = @transform_7, window_bounds = array<i64: 256, 512>}, {pipeline_mode = #tpu.pipeline_mode<synchronous>, transform_indices = @transform_8, window_bounds = array<i64: 1, 256>}, {pipeline_mode = #tpu.pipeline_mode<synchronous>, transform_indices = @transform_9, window_bounds = array<i64: 1, 256>}, {pipeline_mode = #tpu.pipeline_mode<synchronous>, transform_indices = @transform_10, window_bounds = array<i64: 1, 256>}, {pipeline_mode = #tpu.pipeline_mode<synchronous>, transform_indices = @transform_11, window_bounds = array<i64: 1, 256>}, {transform_indices = @transform_12, window_bounds = array<i64: 1, 512, 256>}, {transform_indices = @transform_13, window_bounds = array<i64: 1, 512, 256>}, {transform_indices = @transform_14, window_bounds = array<i64: 1, 512, 512>}, {transform_indices = @transform_15, window_bounds = array<i64: 1, 512, 640>}, {transform_indices = @transform_16, window_bounds = array<i64: 1, 512, 16>}, {transform_indices = @transform_17, window_bounds = array<i64: 1, 512, 16>}, {transform_indices = @transform_18, window_bounds = array<i64: 1, 512, 16>}]} {
    %get3A = arith.constant 0 : index
    %get3A_0 = arith.constant 0 : index
    %get3A_1 = arith.constant 0 : index
    %get3A_2 = vector.load %arg1[%get3A, %get3A_0, %get3A_1] : memref<1x512x256xf32, #tpu.memory_space<vmem>>, vector<1x512x256xf32>
    %get3A_3 = vector.shape_cast %get3A_2 : vector<1x512x256xf32> to vector<512x256xf32>
    %get3A_4 = arith.constant 0 : index
    %get3A_5 = arith.constant 0 : index
    %get3A_6 = vector.load %arg4[%get3A_4, %get3A_5] : memref<256x256xf32, #tpu.memory_space<vmem>>, vector<256x256xf32>
    %dot_general3A = arith.constant dense<0.000000e+00> : vector<512x256xf32>
    %dot_general3A_7 = tpu.matmul %get3A_3, %get3A_6, %dot_general3A {dimension_numbers = #tpu.dot_dimension_numbers<[1], [0], [0], [1], [0, 0, 1, 1], [], []>, transpose_lhs_hint = false} : vector<512x256xf32>, vector<256x256xf32>, vector<512x256xf32> -> vector<512x256xf32>
    %get3A_8 = arith.constant 0 : index
    %get3A_9 = arith.constant 0 : index
    %get3A_10 = vector.load %arg9[%get3A_8, %get3A_9] : memref<1x256xf32, #tpu.memory_space<vmem>>, vector<1x256xf32>
    %add3A = vector.broadcast %get3A_10 : vector<1x256xf32> to vector<512x256xf32>
    %add3A_11 = arith.addf %dot_general3A_7, %add3A : vector<512x256xf32>
    %get3A_12 = arith.constant 0 : index
    %get3A_13 = arith.constant 0 : index
    %get3A_14 = vector.load %arg5[%get3A_12, %get3A_13] : memref<256x256xf32, #tpu.memory_space<vmem>>, vector<256x256xf32>
    %dot_general3A_15 = arith.constant dense<0.000000e+00> : vector<512x256xf32>
    %dot_general3A_16 = tpu.matmul %add3A_11, %get3A_14, %dot_general3A_15 {dimension_numbers = #tpu.dot_dimension_numbers<[1], [0], [0], [1], [0, 0, 1, 1], [], []>, transpose_lhs_hint = false} : vector<512x256xf32>, vector<256x256xf32>, vector<512x256xf32> -> vector<512x256xf32>
    %get3A_17 = arith.constant 0 : index
    %get3A_18 = arith.constant 0 : index
    %get3A_19 = vector.load %arg10[%get3A_17, %get3A_18] : memref<1x256xf32, #tpu.memory_space<vmem>>, vector<1x256xf32>
    %add3A_20 = vector.broadcast %get3A_19 : vector<1x256xf32> to vector<512x256xf32>
    %add3A_21 = arith.addf %dot_general3A_16, %add3A_20 : vector<512x256xf32>
    %get3A_22 = arith.constant 0 : index
    %get3A_23 = arith.constant 0 : index
    %get3A_24 = vector.load %arg6[%get3A_22, %get3A_23] : memref<256x256xf32, #tpu.memory_space<vmem>>, vector<256x256xf32>
    %dot_general3A_25 = arith.constant dense<0.000000e+00> : vector<512x256xf32>
    %dot_general3A_26 = tpu.matmul %add3A_11, %get3A_24, %dot_general3A_25 {dimension_numbers = #tpu.dot_dimension_numbers<[1], [0], [0], [1], [0, 0, 1, 1], [], []>, transpose_lhs_hint = false} : vector<512x256xf32>, vector<256x256xf32>, vector<512x256xf32> -> vector<512x256xf32>
    %get3A_27 = arith.constant 0 : index
    %get3A_28 = arith.constant 0 : index
    %get3A_29 = vector.load %arg11[%get3A_27, %get3A_28] : memref<1x256xf32, #tpu.memory_space<vmem>>, vector<1x256xf32>
    %add3A_30 = vector.broadcast %get3A_29 : vector<1x256xf32> to vector<512x256xf32>
    %add3A_31 = arith.addf %dot_general3A_26, %add3A_30 : vector<512x256xf32>
    %get3A_32 = arith.constant 0 : index
    %get3A_33 = arith.constant 0 : index
    %get3A_34 = vector.load %arg7[%get3A_32, %get3A_33] : memref<256x256xf32, #tpu.memory_space<vmem>>, vector<256x256xf32>
    %dot_general3A_35 = arith.constant dense<0.000000e+00> : vector<512x256xf32>
    %dot_general3A_36 = tpu.matmul %add3A_11, %get3A_34, %dot_general3A_35 {dimension_numbers = #tpu.dot_dimension_numbers<[1], [0], [0], [1], [0, 0, 1, 1], [], []>, transpose_lhs_hint = false} : vector<512x256xf32>, vector<256x256xf32>, vector<512x256xf32> -> vector<512x256xf32>
    %get3A_37 = arith.constant 0 : index
    %get3A_38 = arith.constant 0 : index
    %get3A_39 = vector.load %arg12[%get3A_37, %get3A_38] : memref<1x256xf32, #tpu.memory_space<vmem>>, vector<1x256xf32>
    %add3A_40 = vector.broadcast %get3A_39 : vector<1x256xf32> to vector<512x256xf32>
    %add3A_41 = arith.addf %dot_general3A_36, %add3A_40 : vector<512x256xf32>
    %get3A_42 = arith.constant 0 : index
    %get3A_43 = arith.constant 0 : index
    %get3A_44 = vector.load %arg8[%get3A_42, %get3A_43] : memref<256x512xf32, #tpu.memory_space<vmem>>, vector<256x512xf32>
    %dot_general3A_45 = arith.constant dense<0.000000e+00> : vector<512x512xf32>
    %dot_general3A_46 = tpu.matmul %add3A_21, %get3A_44, %dot_general3A_45 {dimension_numbers = #tpu.dot_dimension_numbers<[1], [0], [0], [1], [0, 0, 1, 1], [], []>, transpose_lhs_hint = false} : vector<512x256xf32>, vector<256x512xf32>, vector<512x512xf32> -> vector<512x512xf32>
    %swap3A = arith.constant 0 : index
    %swap3A_47 = arith.constant 0 : index
    %swap3A_48 = arith.constant 0 : index
    %swap3A_49 = vector.load %arg13[%swap3A, %swap3A_47, %swap3A_48] : memref<1x512x256xf32, #tpu.memory_space<vmem>>, vector<1x512x256xf32>
    %swap3A_50 = vector.shape_cast %swap3A_49 : vector<1x512x256xf32> to vector<512x256xf32>
    %swap3A_51 = vector.shape_cast %add3A_11 : vector<512x256xf32> to vector<1x512x256xf32>
    tpu.vector_store %arg13[%swap3A, %swap3A_47, %swap3A_48], %swap3A_51 {strides = array<i32>} : memref<1x512x256xf32, #tpu.memory_space<vmem>>, vector<1x512x256xf32>,
    %swap3A_52 = arith.constant 0 : index
    %swap3A_53 = arith.constant 0 : index
    %swap3A_54 = arith.constant 0 : index
    %swap3A_55 = vector.load %arg14[%swap3A_52, %swap3A_53, %swap3A_54] : memref<1x512x256xf32, #tpu.memory_space<vmem>>, vector<1x512x256xf32>
    %swap3A_56 = vector.shape_cast %swap3A_55 : vector<1x512x256xf32> to vector<512x256xf32>
    %swap3A_57 = vector.shape_cast %add3A_21 : vector<512x256xf32> to vector<1x512x256xf32>
    tpu.vector_store %arg14[%swap3A_52, %swap3A_53, %swap3A_54], %swap3A_57 {strides = array<i32>} : memref<1x512x256xf32, #tpu.memory_space<vmem>>, vector<1x512x256xf32>,
    %swap3A_58 = arith.constant 0 : index
    %swap3A_59 = arith.constant 0 : index
    %swap3A_60 = arith.constant 0 : index
    %swap3A_61 = vector.load %arg15[%swap3A_58, %swap3A_59, %swap3A_60] : memref<1x512x512xf32, #tpu.memory_space<vmem>>, vector<1x512x512xf32>
    %swap3A_62 = vector.shape_cast %swap3A_61 : vector<1x512x512xf32> to vector<512x512xf32>
    %swap3A_63 = vector.shape_cast %dot_general3A_46 : vector<512x512xf32> to vector<1x512x512xf32>
    tpu.vector_store %arg15[%swap3A_58, %swap3A_59, %swap3A_60], %swap3A_63 {strides = array<i32>} : memref<1x512x512xf32, #tpu.memory_space<vmem>>, vector<1x512x512xf32>,
    %get3A_64 = arith.constant 0 : index
    %get3A_65 = arith.constant 0 : index
    %get3A_66 = arith.constant 0 : index
    %get3A_67 = vector.load %arg2[%get3A_64, %get3A_65, %get3A_66] : memref<1x8x2048xf32, #tpu.memory_space<vmem>>, vector<1x8x2048xf32>
    %get3A_68 = vector.shape_cast %get3A_67 : vector<1x8x2048xf32> to vector<8x2048xf32>
    %get3A_69 = arith.constant 0 : index
    %get3A_70 = arith.constant 0 : index
    %get3A_71 = arith.constant 0 : index
    %get3A_72 = vector.load %arg3[%get3A_69, %get3A_70, %get3A_71] : memref<1x512x8xf32, #tpu.memory_space<vmem>>, vector<1x512x8xf32>
    %get3A_73 = vector.shape_cast %get3A_72 : vector<1x512x8xf32> to vector<512x8xf32>
    %broadcast_in_dim3A = arith.constant 0.000000e+00 : f32
    %broadcast_in_dim3A_74 = vector.broadcast %broadcast_in_dim3A : f32 to vector<512x120xf32>
    %concatenate3A = tpu.concatenate %add3A_31, %add3A_41, %get3A_73, %broadcast_in_dim3A_74 in 1 : vector<512x256xf32>, vector<512x256xf32>, vector<512x8xf32>, vector<512x120xf32> -> vector<512x640xf32>
    %swap3A_75 = arith.constant 0 : index
    %swap3A_76 = arith.constant 0 : index
    %swap3A_77 = arith.constant 0 : index
    %swap3A_78 = vector.load %arg16[%swap3A_75, %swap3A_76, %swap3A_77] : memref<1x512x640xf32, #tpu.memory_space<vmem>>, vector<1x512x640xf32>
    %swap3A_79 = vector.shape_cast %swap3A_78 : vector<1x512x640xf32> to vector<512x640xf32>
    %swap3A_80 = vector.shape_cast %concatenate3A : vector<512x640xf32> to vector<1x512x640xf32>
    tpu.vector_store %arg16[%swap3A_75, %swap3A_76, %swap3A_77], %swap3A_80 {strides = array<i32>} : memref<1x512x640xf32, #tpu.memory_space<vmem>>, vector<1x512x640xf32>,
    %slice3A = vector.extract_strided_slice %get3A_68 {offsets = [0, 0], sizes = [1, 2048], strides = [1, 1]} : vector<8x2048xf32> to vector<1x2048xf32>
    %slice3A_81 = vector.extract_strided_slice %get3A_68 {offsets = [1, 0], sizes = [1, 2048], strides = [1, 1]} : vector<8x2048xf32> to vector<1x2048xf32>
    %slice3A_82 = vector.extract_strided_slice %get3A_68 {offsets = [2, 0], sizes = [1, 2048], strides = [1, 1]} : vector<8x2048xf32> to vector<1x2048xf32>
    %slice3A_83 = vector.extract_strided_slice %get3A_73 {offsets = [0, 0], sizes = [512, 1], strides = [1, 1]} : vector<512x8xf32> to vector<512x1xf32>
    %slice3A_84 = vector.extract_strided_slice %get3A_73 {offsets = [0, 1], sizes = [512, 1], strides = [1, 1]} : vector<512x8xf32> to vector<512x1xf32>
    %slice3A_85 = vector.extract_strided_slice %get3A_73 {offsets = [0, 2], sizes = [512, 1], strides = [1, 1]} : vector<512x8xf32> to vector<512x1xf32>
    %sub3A = vector.broadcast %slice3A_83 : vector<512x1xf32> to vector<512x2048xf32>
    %sub3A_86 = vector.broadcast %slice3A : vector<1x2048xf32> to vector<512x2048xf32>
    %sub3A_87 = arith.subf %sub3A, %sub3A_86 : vector<512x2048xf32>
    %sub3A_88 = vector.broadcast %slice3A_84 : vector<512x1xf32> to vector<512x2048xf32>
    %sub3A_89 = vector.broadcast %slice3A_81 : vector<1x2048xf32> to vector<512x2048xf32>
    %sub3A_90 = arith.subf %sub3A_88, %sub3A_89 : vector<512x2048xf32>
    %sub3A_91 = vector.broadcast %slice3A_85 : vector<512x1xf32> to vector<512x2048xf32>
    %sub3A_92 = vector.broadcast %slice3A_82 : vector<1x2048xf32> to vector<512x2048xf32>
    %sub3A_93 = arith.subf %sub3A_91, %sub3A_92 : vector<512x2048xf32>
    %mul3A = arith.mulf %sub3A_87, %sub3A_87 : vector<512x2048xf32>
    %mul3A_94 = arith.mulf %sub3A_90, %sub3A_90 : vector<512x2048xf32>
    %add3A_95 = arith.addf %mul3A, %mul3A_94 : vector<512x2048xf32>
    %gt3A = arith.constant 0.000000e+00 : f32
    %gt3A_96 = vector.broadcast %gt3A : f32 to vector<512x2048xf32>
    %gt3A_97 = arith.cmpf ogt, %add3A_95, %gt3A_96 : vector<512x2048xf32>
    %jit3A = arith.constant 1.000000e+00 : f32
    %broadcast_in_dim3A_98 = vector.broadcast %jit3A : f32 to vector<512x2048xf32>
    %select_n3A = arith.select %gt3A_97, %add3A_95, %broadcast_in_dim3A_98 : vector<512x2048xi1>, vector<512x2048xf32>
    %sqrt3A = math.sqrt %select_n3A : vector<512x2048xf32>
    %jit3A_99 = arith.constant 0.000000e+00 : f32
    %broadcast_in_dim3A_100 = vector.broadcast %jit3A_99 : f32 to vector<512x2048xf32>
    %select_n3A_101 = arith.select %gt3A_97, %sqrt3A, %broadcast_in_dim3A_100 : vector<512x2048xi1>, vector<512x2048xf32>
    %abs3A = math.absf %sub3A_93 : vector<512x2048xf32>
    %mul3A_102 = arith.constant 3.000000e-01 : f32
    %mul3A_103 = vector.broadcast %mul3A_102 : f32 to vector<512x2048xf32>
    %mul3A_104 = arith.mulf %mul3A_103, %abs3A : vector<512x2048xf32>
    %add3A_105 = arith.addf %select_n3A_101, %mul3A_104 : vector<512x2048xf32>
    %iota3A = tpu.iota {dimensions = array<i32: 1>} : vector<512x2048xi32>
    %iota3A_106 = tpu.iota {dimensions = array<i32: 0>} : vector<512x2048xi32>
    %mul3A_107 = arith.constant 512 : i32
    %mul3A_108 = arith.muli %arg0, %mul3A_107 : i32
    %add3A_109 = vector.broadcast %mul3A_108 : i32 to vector<512x2048xi32>
    %add3A_110 = arith.addi %iota3A_106, %add3A_109 : vector<512x2048xi32>
    %eq3A = arith.cmpi eq, %iota3A, %add3A_110 : vector<512x2048xi32>
    %gt3A_111 = vector.broadcast %slice3A_82 : vector<1x2048xf32> to vector<512x2048xf32>
    %gt3A_112 = vector.broadcast %slice3A_85 : vector<512x1xf32> to vector<512x2048xf32>
    %gt3A_113 = arith.cmpf ogt, %gt3A_111, %gt3A_112 : vector<512x2048xf32>
    %or3A = arith.ori %eq3A, %gt3A_113 : vector<512x2048xi1>
    %gt3A_114 = arith.constant 5.000000e+01 : f32
    %gt3A_115 = vector.broadcast %gt3A_114 : f32 to vector<512x2048xf32>
    %gt3A_116 = arith.cmpf ogt, %select_n3A_101, %gt3A_115 : vector<512x2048xf32>
    %or3A_117 = arith.ori %or3A, %gt3A_116 : vector<512x2048xi1>
    %jit3A_118 = arith.constant 0x7F800000 : f32
    %broadcast_in_dim3A_119 = vector.broadcast %jit3A_118 : f32 to vector<512x2048xf32>
    %select_n3A_120 = arith.select %or3A_117, %broadcast_in_dim3A_119, %add3A_105 : vector<512x2048xi1>, vector<512x2048xf32>
    %reduce_min3A = arith.constant dense<0x7F800000> : vector<512xf32>
    %reduce_min3A_121 = vector.multi_reduction <minimumf>, %select_n3A_120, %reduce_min3A [1] : vector<512x2048xf32> to vector<512xf32>
    %broadcast_in_dim3A_122 = vector.shape_cast %reduce_min3A_121 : vector<512xf32> to vector<512x1xf32>
    %eq3A_123 = vector.broadcast %broadcast_in_dim3A_122 : vector<512x1xf32> to vector<512x2048xf32>
    %eq3A_124 = arith.cmpf oeq, %select_n3A_120, %eq3A_123 : vector<512x2048xf32>
    %jit3A_125 = arith.constant 2048 : i32
    %broadcast_in_dim3A_126 = vector.broadcast %jit3A_125 : i32 to vector<512x2048xi32>
    %select_n3A_127 = arith.select %eq3A_124, %iota3A, %broadcast_in_dim3A_126 : vector<512x2048xi1>, vector<512x2048xi32>
    %reduce_min3A_128 = arith.constant dense<2147483647> : vector<512xi32>
    %reduce_min3A_129 = vector.multi_reduction <minsi>, %select_n3A_127, %reduce_min3A_128 [1] : vector<512x2048xi32> to vector<512xi32>
    %broadcast_in_dim3A_130 = vector.shape_cast %reduce_min3A_129 : vector<512xi32> to vector<512x1xi32>
    %lt3A = arith.constant 0x7F800000 : f32
    %lt3A_131 = vector.broadcast %lt3A : f32 to vector<512x1xf32>
    %lt3A_132 = arith.cmpf olt, %broadcast_in_dim3A_122, %lt3A_131 : vector<512x1xf32>
    %jit3A_133 = arith.constant 0.000000e+00 : f32
    %broadcast_in_dim3A_134 = vector.broadcast %jit3A_133 : f32 to vector<512x1xf32>
    %select_n3A_135 = arith.select %lt3A_132, %broadcast_in_dim3A_122, %broadcast_in_dim3A_134 : vector<512x1xi1>, vector<512x1xf32>
    %convert_element_type3A = arith.extui %lt3A_132 : vector<512x1xi1> to vector<512x1xi32>
    %convert_element_type3A_136 = arith.sitofp %convert_element_type3A : vector<512x1xi32> to vector<512x1xf32>
    %eq3A_137 = vector.broadcast %broadcast_in_dim3A_130 : vector<512x1xi32> to vector<512x2048xi32>
    %eq3A_138 = arith.cmpi eq, %iota3A, %eq3A_137 : vector<512x2048xi32>
    %jit3A_139 = arith.constant 0x7F800000 : f32
    %broadcast_in_dim3A_140 = vector.broadcast %jit3A_139 : f32 to vector<512x2048xf32>
    %select_n3A_141 = arith.select %eq3A_138, %broadcast_in_dim3A_140, %select_n3A_120 : vector<512x2048xi1>, vector<512x2048xf32>
    %reduce_min3A_142 = arith.constant dense<0x7F800000> : vector<512xf32>
    %reduce_min3A_143 = vector.multi_reduction <minimumf>, %select_n3A_141, %reduce_min3A_142 [1] : vector<512x2048xf32> to vector<512xf32>
    %broadcast_in_dim3A_144 = vector.shape_cast %reduce_min3A_143 : vector<512xf32> to vector<512x1xf32>
    %eq3A_145 = vector.broadcast %broadcast_in_dim3A_144 : vector<512x1xf32> to vector<512x2048xf32>
    %eq3A_146 = arith.cmpf oeq, %select_n3A_141, %eq3A_145 : vector<512x2048xf32>
    %jit3A_147 = arith.constant 2048 : i32
    %broadcast_in_dim3A_148 = vector.broadcast %jit3A_147 : i32 to vector<512x2048xi32>
    %select_n3A_149 = arith.select %eq3A_146, %iota3A, %broadcast_in_dim3A_148 : vector<512x2048xi1>, vector<512x2048xi32>
    %reduce_min3A_150 = arith.constant dense<2147483647> : vector<512xi32>
    %reduce_min3A_151 = vector.multi_reduction <minsi>, %select_n3A_149, %reduce_min3A_150 [1] : vector<512x2048xi32> to vector<512xi32>
    %broadcast_in_dim3A_152 = vector.shape_cast %reduce_min3A_151 : vector<512xi32> to vector<512x1xi32>
    %lt3A_153 = arith.constant 0x7F800000 : f32
    %lt3A_154 = vector.broadcast %lt3A_153 : f32 to vector<512x1xf32>
    %lt3A_155 = arith.cmpf olt, %broadcast_in_dim3A_144, %lt3A_154 : vector<512x1xf32>
    %jit3A_156 = arith.constant 0.000000e+00 : f32
    %broadcast_in_dim3A_157 = vector.broadcast %jit3A_156 : f32 to vector<512x1xf32>
    %select_n3A_158 = arith.select %lt3A_155, %broadcast_in_dim3A_144, %broadcast_in_dim3A_157 : vector<512x1xi1>, vector<512x1xf32>
    %convert_element_type3A_159 = arith.extui %lt3A_155 : vector<512x1xi1> to vector<512x1xi32>
    %convert_element_type3A_160 = arith.sitofp %convert_element_type3A_159 : vector<512x1xi32> to vector<512x1xf32>
    %eq3A_161 = vector.broadcast %broadcast_in_dim3A_152 : vector<512x1xi32> to vector<512x2048xi32>
    %eq3A_162 = arith.cmpi eq, %iota3A, %eq3A_161 : vector<512x2048xi32>
    %jit3A_163 = arith.constant 0x7F800000 : f32
    %broadcast_in_dim3A_164 = vector.broadcast %jit3A_163 : f32 to vector<512x2048xf32>
    %select_n3A_165 = arith.select %eq3A_162, %broadcast_in_dim3A_164, %select_n3A_141 : vector<512x2048xi1>, vector<512x2048xf32>
    %reduce_min3A_166 = arith.constant dense<0x7F800000> : vector<512xf32>
    %reduce_min3A_167 = vector.multi_reduction <minimumf>, %select_n3A_165, %reduce_min3A_166 [1] : vector<512x2048xf32> to vector<512xf32>
    %broadcast_in_dim3A_168 = vector.shape_cast %reduce_min3A_167 : vector<512xf32> to vector<512x1xf32>
    %eq3A_169 = vector.broadcast %broadcast_in_dim3A_168 : vector<512x1xf32> to vector<512x2048xf32>
    %eq3A_170 = arith.cmpf oeq, %select_n3A_165, %eq3A_169 : vector<512x2048xf32>
    %jit3A_171 = arith.constant 2048 : i32
    %broadcast_in_dim3A_172 = vector.broadcast %jit3A_171 : i32 to vector<512x2048xi32>
    %select_n3A_173 = arith.select %eq3A_170, %iota3A, %broadcast_in_dim3A_172 : vector<512x2048xi1>, vector<512x2048xi32>
    %reduce_min3A_174 = arith.constant dense<2147483647> : vector<512xi32>
    %reduce_min3A_175 = vector.multi_reduction <minsi>, %select_n3A_173, %reduce_min3A_174 [1] : vector<512x2048xi32> to vector<512xi32>
    %broadcast_in_dim3A_176 = vector.shape_cast %reduce_min3A_175 : vector<512xi32> to vector<512x1xi32>
    %lt3A_177 = arith.constant 0x7F800000 : f32
    %lt3A_178 = vector.broadcast %lt3A_177 : f32 to vector<512x1xf32>
    %lt3A_179 = arith.cmpf olt, %broadcast_in_dim3A_168, %lt3A_178 : vector<512x1xf32>
    %jit3A_180 = arith.constant 0.000000e+00 : f32
    %broadcast_in_dim3A_181 = vector.broadcast %jit3A_180 : f32 to vector<512x1xf32>
    %select_n3A_182 = arith.select %lt3A_179, %broadcast_in_dim3A_168, %broadcast_in_dim3A_181 : vector<512x1xi1>, vector<512x1xf32>
    %convert_element_type3A_183 = arith.extui %lt3A_179 : vector<512x1xi1> to vector<512x1xi32>
    %convert_element_type3A_184 = arith.sitofp %convert_element_type3A_183 : vector<512x1xi32> to vector<512x1xf32>
    %eq3A_185 = vector.broadcast %broadcast_in_dim3A_176 : vector<512x1xi32> to vector<512x2048xi32>
    %eq3A_186 = arith.cmpi eq, %iota3A, %eq3A_185 : vector<512x2048xi32>
    %jit3A_187 = arith.constant 0x7F800000 : f32
    %broadcast_in_dim3A_188 = vector.broadcast %jit3A_187 : f32 to vector<512x2048xf32>
    %select_n3A_189 = arith.select %eq3A_186, %broadcast_in_dim3A_188, %select_n3A_165 : vector<512x2048xi1>, vector<512x2048xf32>
    %reduce_min3A_190 = arith.constant dense<0x7F800000> : vector<512xf32>
    %reduce_min3A_191 = vector.multi_reduction <minimumf>, %select_n3A_189, %reduce_min3A_190 [1] : vector<512x2048xf32> to vector<512xf32>
    %broadcast_in_dim3A_192 = vector.shape_cast %reduce_min3A_191 : vector<512xf32> to vector<512x1xf32>
    %eq3A_193 = vector.broadcast %broadcast_in_dim3A_192 : vector<512x1xf32> to vector<512x2048xf32>
    %eq3A_194 = arith.cmpf oeq, %select_n3A_189, %eq3A_193 : vector<512x2048xf32>
    %jit3A_195 = arith.constant 2048 : i32
    %broadcast_in_dim3A_196 = vector.broadcast %jit3A_195 : i32 to vector<512x2048xi32>
    %select_n3A_197 = arith.select %eq3A_194, %iota3A, %broadcast_in_dim3A_196 : vector<512x2048xi1>, vector<512x2048xi32>
    %reduce_min3A_198 = arith.constant dense<2147483647> : vector<512xi32>
    %reduce_min3A_199 = vector.multi_reduction <minsi>, %select_n3A_197, %reduce_min3A_198 [1] : vector<512x2048xi32> to vector<512xi32>
    %broadcast_in_dim3A_200 = vector.shape_cast %reduce_min3A_199 : vector<512xi32> to vector<512x1xi32>
    %lt3A_201 = arith.constant 0x7F800000 : f32
    %lt3A_202 = vector.broadcast %lt3A_201 : f32 to vector<512x1xf32>
    %lt3A_203 = arith.cmpf olt, %broadcast_in_dim3A_192, %lt3A_202 : vector<512x1xf32>
    %jit3A_204 = arith.constant 0.000000e+00 : f32
    %broadcast_in_dim3A_205 = vector.broadcast %jit3A_204 : f32 to vector<512x1xf32>
    %select_n3A_206 = arith.select %lt3A_203, %broadcast_in_dim3A_192, %broadcast_in_dim3A_205 : vector<512x1xi1>, vector<512x1xf32>
    %convert_element_type3A_207 = arith.extui %lt3A_203 : vector<512x1xi1> to vector<512x1xi32>
    %convert_element_type3A_208 = arith.sitofp %convert_element_type3A_207 : vector<512x1xi32> to vector<512x1xf32>
    %eq3A_209 = vector.broadcast %broadcast_in_dim3A_200 : vector<512x1xi32> to vector<512x2048xi32>
    %eq3A_210 = arith.cmpi eq, %iota3A, %eq3A_209 : vector<512x2048xi32>
    %jit3A_211 = arith.constant 0x7F800000 : f32
    %broadcast_in_dim3A_212 = vector.broadcast %jit3A_211 : f32 to vector<512x2048xf32>
    %select_n3A_213 = arith.select %eq3A_210, %broadcast_in_dim3A_212, %select_n3A_189 : vector<512x2048xi1>, vector<512x2048xf32>
    %reduce_min3A_214 = arith.constant dense<0x7F800000> : vector<512xf32>
    %reduce_min3A_215 = vector.multi_reduction <minimumf>, %select_n3A_213, %reduce_min3A_214 [1] : vector<512x2048xf32> to vector<512xf32>
    %broadcast_in_dim3A_216 = vector.shape_cast %reduce_min3A_215 : vector<512xf32> to vector<512x1xf32>
    %eq3A_217 = vector.broadcast %broadcast_in_dim3A_216 : vector<512x1xf32> to vector<512x2048xf32>
    %eq3A_218 = arith.cmpf oeq, %select_n3A_213, %eq3A_217 : vector<512x2048xf32>
    %jit3A_219 = arith.constant 2048 : i32
    %broadcast_in_dim3A_220 = vector.broadcast %jit3A_219 : i32 to vector<512x2048xi32>
    %select_n3A_221 = arith.select %eq3A_218, %iota3A, %broadcast_in_dim3A_220 : vector<512x2048xi1>, vector<512x2048xi32>
    %reduce_min3A_222 = arith.constant dense<2147483647> : vector<512xi32>
    %reduce_min3A_223 = vector.multi_reduction <minsi>, %select_n3A_221, %reduce_min3A_222 [1] : vector<512x2048xi32> to vector<512xi32>
    %broadcast_in_dim3A_224 = vector.shape_cast %reduce_min3A_223 : vector<512xi32> to vector<512x1xi32>
    %lt3A_225 = arith.constant 0x7F800000 : f32
    %lt3A_226 = vector.broadcast %lt3A_225 : f32 to vector<512x1xf32>
    %lt3A_227 = arith.cmpf olt, %broadcast_in_dim3A_216, %lt3A_226 : vector<512x1xf32>
    %jit3A_228 = arith.constant 0.000000e+00 : f32
    %broadcast_in_dim3A_229 = vector.broadcast %jit3A_228 : f32 to vector<512x1xf32>
    %select_n3A_230 = arith.select %lt3A_227, %broadcast_in_dim3A_216, %broadcast_in_dim3A_229 : vector<512x1xi1>, vector<512x1xf32>
    %convert_element_type3A_231 = arith.extui %lt3A_227 : vector<512x1xi1> to vector<512x1xi32>
    %convert_element_type3A_232 = arith.sitofp %convert_element_type3A_231 : vector<512x1xi32> to vector<512x1xf32>
    %eq3A_233 = vector.broadcast %broadcast_in_dim3A_224 : vector<512x1xi32> to vector<512x2048xi32>
    %eq3A_234 = arith.cmpi eq, %iota3A, %eq3A_233 : vector<512x2048xi32>
    %jit3A_235 = arith.constant 0x7F800000 : f32
    %broadcast_in_dim3A_236 = vector.broadcast %jit3A_235 : f32 to vector<512x2048xf32>
    %select_n3A_237 = arith.select %eq3A_234, %broadcast_in_dim3A_236, %select_n3A_213 : vector<512x2048xi1>, vector<512x2048xf32>
    %reduce_min3A_238 = arith.constant dense<0x7F800000> : vector<512xf32>
    %reduce_min3A_239 = vector.multi_reduction <minimumf>, %select_n3A_237, %reduce_min3A_238 [1] : vector<512x2048xf32> to vector<512xf32>
    %broadcast_in_dim3A_240 = vector.shape_cast %reduce_min3A_239 : vector<512xf32> to vector<512x1xf32>
    %eq3A_241 = vector.broadcast %broadcast_in_dim3A_240 : vector<512x1xf32> to vector<512x2048xf32>
    %eq3A_242 = arith.cmpf oeq, %select_n3A_237, %eq3A_241 : vector<512x2048xf32>
    %jit3A_243 = arith.constant 2048 : i32
    %broadcast_in_dim3A_244 = vector.broadcast %jit3A_243 : i32 to vector<512x2048xi32>
    %select_n3A_245 = arith.select %eq3A_242, %iota3A, %broadcast_in_dim3A_244 : vector<512x2048xi1>, vector<512x2048xi32>
    %reduce_min3A_246 = arith.constant dense<2147483647> : vector<512xi32>
    %reduce_min3A_247 = vector.multi_reduction <minsi>, %select_n3A_245, %reduce_min3A_246 [1] : vector<512x2048xi32> to vector<512xi32>
    %broadcast_in_dim3A_248 = vector.shape_cast %reduce_min3A_247 : vector<512xi32> to vector<512x1xi32>
    %lt3A_249 = arith.constant 0x7F800000 : f32
    %lt3A_250 = vector.broadcast %lt3A_249 : f32 to vector<512x1xf32>
    %lt3A_251 = arith.cmpf olt, %broadcast_in_dim3A_240, %lt3A_250 : vector<512x1xf32>
    %jit3A_252 = arith.constant 0.000000e+00 : f32
    %broadcast_in_dim3A_253 = vector.broadcast %jit3A_252 : f32 to vector<512x1xf32>
    %select_n3A_254 = arith.select %lt3A_251, %broadcast_in_dim3A_240, %broadcast_in_dim3A_253 : vector<512x1xi1>, vector<512x1xf32>
    %convert_element_type3A_255 = arith.extui %lt3A_251 : vector<512x1xi1> to vector<512x1xi32>
    %convert_element_type3A_256 = arith.sitofp %convert_element_type3A_255 : vector<512x1xi32> to vector<512x1xf32>
    %eq3A_257 = vector.broadcast %broadcast_in_dim3A_248 : vector<512x1xi32> to vector<512x2048xi32>
    %eq3A_258 = arith.cmpi eq, %iota3A, %eq3A_257 : vector<512x2048xi32>
    %jit3A_259 = arith.constant 0x7F800000 : f32
    %broadcast_in_dim3A_260 = vector.broadcast %jit3A_259 : f32 to vector<512x2048xf32>
    %select_n3A_261 = arith.select %eq3A_258, %broadcast_in_dim3A_260, %select_n3A_237 : vector<512x2048xi1>, vector<512x2048xf32>
    %reduce_min3A_262 = arith.constant dense<0x7F800000> : vector<512xf32>
    %reduce_min3A_263 = vector.multi_reduction <minimumf>, %select_n3A_261, %reduce_min3A_262 [1] : vector<512x2048xf32> to vector<512xf32>
    %broadcast_in_dim3A_264 = vector.shape_cast %reduce_min3A_263 : vector<512xf32> to vector<512x1xf32>
    %eq3A_265 = vector.broadcast %broadcast_in_dim3A_264 : vector<512x1xf32> to vector<512x2048xf32>
    %eq3A_266 = arith.cmpf oeq, %select_n3A_261, %eq3A_265 : vector<512x2048xf32>
    %jit3A_267 = arith.constant 2048 : i32
    %broadcast_in_dim3A_268 = vector.broadcast %jit3A_267 : i32 to vector<512x2048xi32>
    %select_n3A_269 = arith.select %eq3A_266, %iota3A, %broadcast_in_dim3A_268 : vector<512x2048xi1>, vector<512x2048xi32>
    %reduce_min3A_270 = arith.constant dense<2147483647> : vector<512xi32>
    %reduce_min3A_271 = vector.multi_reduction <minsi>, %select_n3A_269, %reduce_min3A_270 [1] : vector<512x2048xi32> to vector<512xi32>
    %broadcast_in_dim3A_272 = vector.shape_cast %reduce_min3A_271 : vector<512xi32> to vector<512x1xi32>
    %lt3A_273 = arith.constant 0x7F800000 : f32
    %lt3A_274 = vector.broadcast %lt3A_273 : f32 to vector<512x1xf32>
    %lt3A_275 = arith.cmpf olt, %broadcast_in_dim3A_264, %lt3A_274 : vector<512x1xf32>
    %jit3A_276 = arith.constant 0.000000e+00 : f32
    %broadcast_in_dim3A_277 = vector.broadcast %jit3A_276 : f32 to vector<512x1xf32>
    %select_n3A_278 = arith.select %lt3A_275, %broadcast_in_dim3A_264, %broadcast_in_dim3A_277 : vector<512x1xi1>, vector<512x1xf32>
    %convert_element_type3A_279 = arith.extui %lt3A_275 : vector<512x1xi1> to vector<512x1xi32>
    %convert_element_type3A_280 = arith.sitofp %convert_element_type3A_279 : vector<512x1xi32> to vector<512x1xf32>
    %eq3A_281 = vector.broadcast %broadcast_in_dim3A_272 : vector<512x1xi32> to vector<512x2048xi32>
    %eq3A_282 = arith.cmpi eq, %iota3A, %eq3A_281 : vector<512x2048xi32>
    %jit3A_283 = arith.constant 0x7F800000 : f32
    %broadcast_in_dim3A_284 = vector.broadcast %jit3A_283 : f32 to vector<512x2048xf32>
    %select_n3A_285 = arith.select %eq3A_282, %broadcast_in_dim3A_284, %select_n3A_261 : vector<512x2048xi1>, vector<512x2048xf32>
    %reduce_min3A_286 = arith.constant dense<0x7F800000> : vector<512xf32>
    %reduce_min3A_287 = vector.multi_reduction <minimumf>, %select_n3A_285, %reduce_min3A_286 [1] : vector<512x2048xf32> to vector<512xf32>
    %broadcast_in_dim3A_288 = vector.shape_cast %reduce_min3A_287 : vector<512xf32> to vector<512x1xf32>
    %eq3A_289 = vector.broadcast %broadcast_in_dim3A_288 : vector<512x1xf32> to vector<512x2048xf32>
    %eq3A_290 = arith.cmpf oeq, %select_n3A_285, %eq3A_289 : vector<512x2048xf32>
    %jit3A_291 = arith.constant 2048 : i32
    %broadcast_in_dim3A_292 = vector.broadcast %jit3A_291 : i32 to vector<512x2048xi32>
    %select_n3A_293 = arith.select %eq3A_290, %iota3A, %broadcast_in_dim3A_292 : vector<512x2048xi1>, vector<512x2048xi32>
    %reduce_min3A_294 = arith.constant dense<2147483647> : vector<512xi32>
    %reduce_min3A_295 = vector.multi_reduction <minsi>, %select_n3A_293, %reduce_min3A_294 [1] : vector<512x2048xi32> to vector<512xi32>
    %broadcast_in_dim3A_296 = vector.shape_cast %reduce_min3A_295 : vector<512xi32> to vector<512x1xi32>
    %lt3A_297 = arith.constant 0x7F800000 : f32
    %lt3A_298 = vector.broadcast %lt3A_297 : f32 to vector<512x1xf32>
    %lt3A_299 = arith.cmpf olt, %broadcast_in_dim3A_288, %lt3A_298 : vector<512x1xf32>
    %jit3A_300 = arith.constant 0.000000e+00 : f32
    %broadcast_in_dim3A_301 = vector.broadcast %jit3A_300 : f32 to vector<512x1xf32>
    %select_n3A_302 = arith.select %lt3A_299, %broadcast_in_dim3A_288, %broadcast_in_dim3A_301 : vector<512x1xi1>, vector<512x1xf32>
    %convert_element_type3A_303 = arith.extui %lt3A_299 : vector<512x1xi1> to vector<512x1xi32>
    %convert_element_type3A_304 = arith.sitofp %convert_element_type3A_303 : vector<512x1xi32> to vector<512x1xf32>
    %eq3A_305 = vector.broadcast %broadcast_in_dim3A_296 : vector<512x1xi32> to vector<512x2048xi32>
    %eq3A_306 = arith.cmpi eq, %iota3A, %eq3A_305 : vector<512x2048xi32>
    %jit3A_307 = arith.constant 0x7F800000 : f32
    %broadcast_in_dim3A_308 = vector.broadcast %jit3A_307 : f32 to vector<512x2048xf32>
    %select_n3A_309 = arith.select %eq3A_306, %broadcast_in_dim3A_308, %select_n3A_285 : vector<512x2048xi1>, vector<512x2048xf32>
    %reduce_min3A_310 = arith.constant dense<0x7F800000> : vector<512xf32>
    %reduce_min3A_311 = vector.multi_reduction <minimumf>, %select_n3A_309, %reduce_min3A_310 [1] : vector<512x2048xf32> to vector<512xf32>
    %broadcast_in_dim3A_312 = vector.shape_cast %reduce_min3A_311 : vector<512xf32> to vector<512x1xf32>
    %eq3A_313 = vector.broadcast %broadcast_in_dim3A_312 : vector<512x1xf32> to vector<512x2048xf32>
    %eq3A_314 = arith.cmpf oeq, %select_n3A_309, %eq3A_313 : vector<512x2048xf32>
    %jit3A_315 = arith.constant 2048 : i32
    %broadcast_in_dim3A_316 = vector.broadcast %jit3A_315 : i32 to vector<512x2048xi32>
    %select_n3A_317 = arith.select %eq3A_314, %iota3A, %broadcast_in_dim3A_316 : vector<512x2048xi1>, vector<512x2048xi32>
    %reduce_min3A_318 = arith.constant dense<2147483647> : vector<512xi32>
    %reduce_min3A_319 = vector.multi_reduction <minsi>, %select_n3A_317, %reduce_min3A_318 [1] : vector<512x2048xi32> to vector<512xi32>
    %broadcast_in_dim3A_320 = vector.shape_cast %reduce_min3A_319 : vector<512xi32> to vector<512x1xi32>
    %lt3A_321 = arith.constant 0x7F800000 : f32
    %lt3A_322 = vector.broadcast %lt3A_321 : f32 to vector<512x1xf32>
    %lt3A_323 = arith.cmpf olt, %broadcast_in_dim3A_312, %lt3A_322 : vector<512x1xf32>
    %jit3A_324 = arith.constant 0.000000e+00 : f32
    %broadcast_in_dim3A_325 = vector.broadcast %jit3A_324 : f32 to vector<512x1xf32>
    %select_n3A_326 = arith.select %lt3A_323, %broadcast_in_dim3A_312, %broadcast_in_dim3A_325 : vector<512x1xi1>, vector<512x1xf32>
    %convert_element_type3A_327 = arith.extui %lt3A_323 : vector<512x1xi1> to vector<512x1xi32>
    %convert_element_type3A_328 = arith.sitofp %convert_element_type3A_327 : vector<512x1xi32> to vector<512x1xf32>
    %eq3A_329 = vector.broadcast %broadcast_in_dim3A_320 : vector<512x1xi32> to vector<512x2048xi32>
    %eq3A_330 = arith.cmpi eq, %iota3A, %eq3A_329 : vector<512x2048xi32>
    %jit3A_331 = arith.constant 0x7F800000 : f32
    %broadcast_in_dim3A_332 = vector.broadcast %jit3A_331 : f32 to vector<512x2048xf32>
    %select_n3A_333 = arith.select %eq3A_330, %broadcast_in_dim3A_332, %select_n3A_309 : vector<512x2048xi1>, vector<512x2048xf32>
    %reduce_min3A_334 = arith.constant dense<0x7F800000> : vector<512xf32>
    %reduce_min3A_335 = vector.multi_reduction <minimumf>, %select_n3A_333, %reduce_min3A_334 [1] : vector<512x2048xf32> to vector<512xf32>
    %broadcast_in_dim3A_336 = vector.shape_cast %reduce_min3A_335 : vector<512xf32> to vector<512x1xf32>
    %eq3A_337 = vector.broadcast %broadcast_in_dim3A_336 : vector<512x1xf32> to vector<512x2048xf32>
    %eq3A_338 = arith.cmpf oeq, %select_n3A_333, %eq3A_337 : vector<512x2048xf32>
    %jit3A_339 = arith.constant 2048 : i32
    %broadcast_in_dim3A_340 = vector.broadcast %jit3A_339 : i32 to vector<512x2048xi32>
    %select_n3A_341 = arith.select %eq3A_338, %iota3A, %broadcast_in_dim3A_340 : vector<512x2048xi1>, vector<512x2048xi32>
    %reduce_min3A_342 = arith.constant dense<2147483647> : vector<512xi32>
    %reduce_min3A_343 = vector.multi_reduction <minsi>, %select_n3A_341, %reduce_min3A_342 [1] : vector<512x2048xi32> to vector<512xi32>
    %broadcast_in_dim3A_344 = vector.shape_cast %reduce_min3A_343 : vector<512xi32> to vector<512x1xi32>
    %lt3A_345 = arith.constant 0x7F800000 : f32
    %lt3A_346 = vector.broadcast %lt3A_345 : f32 to vector<512x1xf32>
    %lt3A_347 = arith.cmpf olt, %broadcast_in_dim3A_336, %lt3A_346 : vector<512x1xf32>
    %jit3A_348 = arith.constant 0.000000e+00 : f32
    %broadcast_in_dim3A_349 = vector.broadcast %jit3A_348 : f32 to vector<512x1xf32>
    %select_n3A_350 = arith.select %lt3A_347, %broadcast_in_dim3A_336, %broadcast_in_dim3A_349 : vector<512x1xi1>, vector<512x1xf32>
    %convert_element_type3A_351 = arith.extui %lt3A_347 : vector<512x1xi1> to vector<512x1xi32>
    %convert_element_type3A_352 = arith.sitofp %convert_element_type3A_351 : vector<512x1xi32> to vector<512x1xf32>
    %eq3A_353 = vector.broadcast %broadcast_in_dim3A_344 : vector<512x1xi32> to vector<512x2048xi32>
    %eq3A_354 = arith.cmpi eq, %iota3A, %eq3A_353 : vector<512x2048xi32>
    %jit3A_355 = arith.constant 0x7F800000 : f32
    %broadcast_in_dim3A_356 = vector.broadcast %jit3A_355 : f32 to vector<512x2048xf32>
    %select_n3A_357 = arith.select %eq3A_354, %broadcast_in_dim3A_356, %select_n3A_333 : vector<512x2048xi1>, vector<512x2048xf32>
    %reduce_min3A_358 = arith.constant dense<0x7F800000> : vector<512xf32>
    %reduce_min3A_359 = vector.multi_reduction <minimumf>, %select_n3A_357, %reduce_min3A_358 [1] : vector<512x2048xf32> to vector<512xf32>
    %broadcast_in_dim3A_360 = vector.shape_cast %reduce_min3A_359 : vector<512xf32> to vector<512x1xf32>
    %eq3A_361 = vector.broadcast %broadcast_in_dim3A_360 : vector<512x1xf32> to vector<512x2048xf32>
    %eq3A_362 = arith.cmpf oeq, %select_n3A_357, %eq3A_361 : vector<512x2048xf32>
    %jit3A_363 = arith.constant 2048 : i32
    %broadcast_in_dim3A_364 = vector.broadcast %jit3A_363 : i32 to vector<512x2048xi32>
    %select_n3A_365 = arith.select %eq3A_362, %iota3A, %broadcast_in_dim3A_364 : vector<512x2048xi1>, vector<512x2048xi32>
    %reduce_min3A_366 = arith.constant dense<2147483647> : vector<512xi32>
    %reduce_min3A_367 = vector.multi_reduction <minsi>, %select_n3A_365, %reduce_min3A_366 [1] : vector<512x2048xi32> to vector<512xi32>
    %broadcast_in_dim3A_368 = vector.shape_cast %reduce_min3A_367 : vector<512xi32> to vector<512x1xi32>
    %lt3A_369 = arith.constant 0x7F800000 : f32
    %lt3A_370 = vector.broadcast %lt3A_369 : f32 to vector<512x1xf32>
    %lt3A_371 = arith.cmpf olt, %broadcast_in_dim3A_360, %lt3A_370 : vector<512x1xf32>
    %jit3A_372 = arith.constant 0.000000e+00 : f32
    %broadcast_in_dim3A_373 = vector.broadcast %jit3A_372 : f32 to vector<512x1xf32>
    %select_n3A_374 = arith.select %lt3A_371, %broadcast_in_dim3A_360, %broadcast_in_dim3A_373 : vector<512x1xi1>, vector<512x1xf32>
    %convert_element_type3A_375 = arith.extui %lt3A_371 : vector<512x1xi1> to vector<512x1xi32>
    %convert_element_type3A_376 = arith.sitofp %convert_element_type3A_375 : vector<512x1xi32> to vector<512x1xf32>
    %eq3A_377 = vector.broadcast %broadcast_in_dim3A_368 : vector<512x1xi32> to vector<512x2048xi32>
    %eq3A_378 = arith.cmpi eq, %iota3A, %eq3A_377 : vector<512x2048xi32>
    %jit3A_379 = arith.constant 0x7F800000 : f32
    %broadcast_in_dim3A_380 = vector.broadcast %jit3A_379 : f32 to vector<512x2048xf32>
    %select_n3A_381 = arith.select %eq3A_378, %broadcast_in_dim3A_380, %select_n3A_357 : vector<512x2048xi1>, vector<512x2048xf32>
    %reduce_min3A_382 = arith.constant dense<0x7F800000> : vector<512xf32>
    %reduce_min3A_383 = vector.multi_reduction <minimumf>, %select_n3A_381, %reduce_min3A_382 [1] : vector<512x2048xf32> to vector<512xf32>
    %broadcast_in_dim3A_384 = vector.shape_cast %reduce_min3A_383 : vector<512xf32> to vector<512x1xf32>
    %eq3A_385 = vector.broadcast %broadcast_in_dim3A_384 : vector<512x1xf32> to vector<512x2048xf32>
    %eq3A_386 = arith.cmpf oeq, %select_n3A_381, %eq3A_385 : vector<512x2048xf32>
    %jit3A_387 = arith.constant 2048 : i32
    %broadcast_in_dim3A_388 = vector.broadcast %jit3A_387 : i32 to vector<512x2048xi32>
    %select_n3A_389 = arith.select %eq3A_386, %iota3A, %broadcast_in_dim3A_388 : vector<512x2048xi1>, vector<512x2048xi32>
    %reduce_min3A_390 = arith.constant dense<2147483647> : vector<512xi32>
    %reduce_min3A_391 = vector.multi_reduction <minsi>, %select_n3A_389, %reduce_min3A_390 [1] : vector<512x2048xi32> to vector<512xi32>
    %broadcast_in_dim3A_392 = vector.shape_cast %reduce_min3A_391 : vector<512xi32> to vector<512x1xi32>
    %lt3A_393 = arith.constant 0x7F800000 : f32
    %lt3A_394 = vector.broadcast %lt3A_393 : f32 to vector<512x1xf32>
    %lt3A_395 = arith.cmpf olt, %broadcast_in_dim3A_384, %lt3A_394 : vector<512x1xf32>
    %jit3A_396 = arith.constant 0.000000e+00 : f32
    %broadcast_in_dim3A_397 = vector.broadcast %jit3A_396 : f32 to vector<512x1xf32>
    %select_n3A_398 = arith.select %lt3A_395, %broadcast_in_dim3A_384, %broadcast_in_dim3A_397 : vector<512x1xi1>, vector<512x1xf32>
    %convert_element_type3A_399 = arith.extui %lt3A_395 : vector<512x1xi1> to vector<512x1xi32>
    %convert_element_type3A_400 = arith.sitofp %convert_element_type3A_399 : vector<512x1xi32> to vector<512x1xf32>
    %eq3A_401 = vector.broadcast %broadcast_in_dim3A_392 : vector<512x1xi32> to vector<512x2048xi32>
    %eq3A_402 = arith.cmpi eq, %iota3A, %eq3A_401 : vector<512x2048xi32>
    %jit3A_403 = arith.constant 0x7F800000 : f32
    %broadcast_in_dim3A_404 = vector.broadcast %jit3A_403 : f32 to vector<512x2048xf32>
    %select_n3A_405 = arith.select %eq3A_402, %broadcast_in_dim3A_404, %select_n3A_381 : vector<512x2048xi1>, vector<512x2048xf32>
    %reduce_min3A_406 = arith.constant dense<0x7F800000> : vector<512xf32>
    %reduce_min3A_407 = vector.multi_reduction <minimumf>, %select_n3A_405, %reduce_min3A_406 [1] : vector<512x2048xf32> to vector<512xf32>
    %broadcast_in_dim3A_408 = vector.shape_cast %reduce_min3A_407 : vector<512xf32> to vector<512x1xf32>
    %eq3A_409 = vector.broadcast %broadcast_in_dim3A_408 : vector<512x1xf32> to vector<512x2048xf32>
    %eq3A_410 = arith.cmpf oeq, %select_n3A_405, %eq3A_409 : vector<512x2048xf32>
    %jit3A_411 = arith.constant 2048 : i32
    %broadcast_in_dim3A_412 = vector.broadcast %jit3A_411 : i32 to vector<512x2048xi32>
    %select_n3A_413 = arith.select %eq3A_410, %iota3A, %broadcast_in_dim3A_412 : vector<512x2048xi1>, vector<512x2048xi32>
    %reduce_min3A_414 = arith.constant dense<2147483647> : vector<512xi32>
    %reduce_min3A_415 = vector.multi_reduction <minsi>, %select_n3A_413, %reduce_min3A_414 [1] : vector<512x2048xi32> to vector<512xi32>
    %broadcast_in_dim3A_416 = vector.shape_cast %reduce_min3A_415 : vector<512xi32> to vector<512x1xi32>
    %lt3A_417 = arith.constant 0x7F800000 : f32
    %lt3A_418 = vector.broadcast %lt3A_417 : f32 to vector<512x1xf32>
    %lt3A_419 = arith.cmpf olt, %broadcast_in_dim3A_408, %lt3A_418 : vector<512x1xf32>
    %jit3A_420 = arith.constant 0.000000e+00 : f32
    %broadcast_in_dim3A_421 = vector.broadcast %jit3A_420 : f32 to vector<512x1xf32>
    %select_n3A_422 = arith.select %lt3A_419, %broadcast_in_dim3A_408, %broadcast_in_dim3A_421 : vector<512x1xi1>, vector<512x1xf32>
    %convert_element_type3A_423 = arith.extui %lt3A_419 : vector<512x1xi1> to vector<512x1xi32>
    %convert_element_type3A_424 = arith.sitofp %convert_element_type3A_423 : vector<512x1xi32> to vector<512x1xf32>
    %eq3A_425 = vector.broadcast %broadcast_in_dim3A_416 : vector<512x1xi32> to vector<512x2048xi32>
    %eq3A_426 = arith.cmpi eq, %iota3A, %eq3A_425 : vector<512x2048xi32>
    %jit3A_427 = arith.constant 0x7F800000 : f32
    %broadcast_in_dim3A_428 = vector.broadcast %jit3A_427 : f32 to vector<512x2048xf32>
    %select_n3A_429 = arith.select %eq3A_426, %broadcast_in_dim3A_428, %select_n3A_405 : vector<512x2048xi1>, vector<512x2048xf32>
    %reduce_min3A_430 = arith.constant dense<0x7F800000> : vector<512xf32>
    %reduce_min3A_431 = vector.multi_reduction <minimumf>, %select_n3A_429, %reduce_min3A_430 [1] : vector<512x2048xf32> to vector<512xf32>
    %broadcast_in_dim3A_432 = vector.shape_cast %reduce_min3A_431 : vector<512xf32> to vector<512x1xf32>
    %eq3A_433 = vector.broadcast %broadcast_in_dim3A_432 : vector<512x1xf32> to vector<512x2048xf32>
    %eq3A_434 = arith.cmpf oeq, %select_n3A_429, %eq3A_433 : vector<512x2048xf32>
    %jit3A_435 = arith.constant 2048 : i32
    %broadcast_in_dim3A_436 = vector.broadcast %jit3A_435 : i32 to vector<512x2048xi32>
    %select_n3A_437 = arith.select %eq3A_434, %iota3A, %broadcast_in_dim3A_436 : vector<512x2048xi1>, vector<512x2048xi32>
    %reduce_min3A_438 = arith.constant dense<2147483647> : vector<512xi32>
    %reduce_min3A_439 = vector.multi_reduction <minsi>, %select_n3A_437, %reduce_min3A_438 [1] : vector<512x2048xi32> to vector<512xi32>
    %broadcast_in_dim3A_440 = vector.shape_cast %reduce_min3A_439 : vector<512xi32> to vector<512x1xi32>
    %lt3A_441 = arith.constant 0x7F800000 : f32
    %lt3A_442 = vector.broadcast %lt3A_441 : f32 to vector<512x1xf32>
    %lt3A_443 = arith.cmpf olt, %broadcast_in_dim3A_432, %lt3A_442 : vector<512x1xf32>
    %jit3A_444 = arith.constant 0.000000e+00 : f32
    %broadcast_in_dim3A_445 = vector.broadcast %jit3A_444 : f32 to vector<512x1xf32>
    %select_n3A_446 = arith.select %lt3A_443, %broadcast_in_dim3A_432, %broadcast_in_dim3A_445 : vector<512x1xi1>, vector<512x1xf32>
    %convert_element_type3A_447 = arith.extui %lt3A_443 : vector<512x1xi1> to vector<512x1xi32>
    %convert_element_type3A_448 = arith.sitofp %convert_element_type3A_447 : vector<512x1xi32> to vector<512x1xf32>
    %eq3A_449 = vector.broadcast %broadcast_in_dim3A_440 : vector<512x1xi32> to vector<512x2048xi32>
    %eq3A_450 = arith.cmpi eq, %iota3A, %eq3A_449 : vector<512x2048xi32>
    %jit3A_451 = arith.constant 0x7F800000 : f32
    %broadcast_in_dim3A_452 = vector.broadcast %jit3A_451 : f32 to vector<512x2048xf32>
    %select_n3A_453 = arith.select %eq3A_450, %broadcast_in_dim3A_452, %select_n3A_429 : vector<512x2048xi1>, vector<512x2048xf32>
    %reduce_min3A_454 = arith.constant dense<0x7F800000> : vector<512xf32>
    %reduce_min3A_455 = vector.multi_reduction <minimumf>, %select_n3A_453, %reduce_min3A_454 [1] : vector<512x2048xf32> to vector<512xf32>
    %broadcast_in_dim3A_456 = vector.shape_cast %reduce_min3A_455 : vector<512xf32> to vector<512x1xf32>
    %eq3A_457 = vector.broadcast %broadcast_in_dim3A_456 : vector<512x1xf32> to vector<512x2048xf32>
    %eq3A_458 = arith.cmpf oeq, %select_n3A_453, %eq3A_457 : vector<512x2048xf32>
    %jit3A_459 = arith.constant 2048 : i32
    %broadcast_in_dim3A_460 = vector.broadcast %jit3A_459 : i32 to vector<512x2048xi32>
    %select_n3A_461 = arith.select %eq3A_458, %iota3A, %broadcast_in_dim3A_460 : vector<512x2048xi1>, vector<512x2048xi32>
    %reduce_min3A_462 = arith.constant dense<2147483647> : vector<512xi32>
    %reduce_min3A_463 = vector.multi_reduction <minsi>, %select_n3A_461, %reduce_min3A_462 [1] : vector<512x2048xi32> to vector<512xi32>
    %broadcast_in_dim3A_464 = vector.shape_cast %reduce_min3A_463 : vector<512xi32> to vector<512x1xi32>
    %lt3A_465 = arith.constant 0x7F800000 : f32
    %lt3A_466 = vector.broadcast %lt3A_465 : f32 to vector<512x1xf32>
    %lt3A_467 = arith.cmpf olt, %broadcast_in_dim3A_456, %lt3A_466 : vector<512x1xf32>
    %jit3A_468 = arith.constant 0.000000e+00 : f32
    %broadcast_in_dim3A_469 = vector.broadcast %jit3A_468 : f32 to vector<512x1xf32>
    %select_n3A_470 = arith.select %lt3A_467, %broadcast_in_dim3A_456, %broadcast_in_dim3A_469 : vector<512x1xi1>, vector<512x1xf32>
    %convert_element_type3A_471 = arith.extui %lt3A_467 : vector<512x1xi1> to vector<512x1xi32>
    %convert_element_type3A_472 = arith.sitofp %convert_element_type3A_471 : vector<512x1xi32> to vector<512x1xf32>
    %eq3A_473 = vector.broadcast %broadcast_in_dim3A_464 : vector<512x1xi32> to vector<512x2048xi32>
    %eq3A_474 = arith.cmpi eq, %iota3A, %eq3A_473 : vector<512x2048xi32>
    %jit3A_475 = arith.constant 0x7F800000 : f32
    %broadcast_in_dim3A_476 = vector.broadcast %jit3A_475 : f32 to vector<512x2048xf32>
    %select_n3A_477 = arith.select %eq3A_474, %broadcast_in_dim3A_476, %select_n3A_453 : vector<512x2048xi1>, vector<512x2048xf32>
    %reduce_min3A_478 = arith.constant dense<0x7F800000> : vector<512xf32>
    %reduce_min3A_479 = vector.multi_reduction <minimumf>, %select_n3A_477, %reduce_min3A_478 [1] : vector<512x2048xf32> to vector<512xf32>
    %broadcast_in_dim3A_480 = vector.shape_cast %reduce_min3A_479 : vector<512xf32> to vector<512x1xf32>
    %eq3A_481 = vector.broadcast %broadcast_in_dim3A_480 : vector<512x1xf32> to vector<512x2048xf32>
    %eq3A_482 = arith.cmpf oeq, %select_n3A_477, %eq3A_481 : vector<512x2048xf32>
    %jit3A_483 = arith.constant 2048 : i32
    %broadcast_in_dim3A_484 = vector.broadcast %jit3A_483 : i32 to vector<512x2048xi32>
    %select_n3A_485 = arith.select %eq3A_482, %iota3A, %broadcast_in_dim3A_484 : vector<512x2048xi1>, vector<512x2048xi32>
    %reduce_min3A_486 = arith.constant dense<2147483647> : vector<512xi32>
    %reduce_min3A_487 = vector.multi_reduction <minsi>, %select_n3A_485, %reduce_min3A_486 [1] : vector<512x2048xi32> to vector<512xi32>
    %broadcast_in_dim3A_488 = vector.shape_cast %reduce_min3A_487 : vector<512xi32> to vector<512x1xi32>
    %lt3A_489 = arith.constant 0x7F800000 : f32
    %lt3A_490 = vector.broadcast %lt3A_489 : f32 to vector<512x1xf32>
    %lt3A_491 = arith.cmpf olt, %broadcast_in_dim3A_480, %lt3A_490 : vector<512x1xf32>
    %jit3A_492 = arith.constant 0.000000e+00 : f32
    %broadcast_in_dim3A_493 = vector.broadcast %jit3A_492 : f32 to vector<512x1xf32>
    %select_n3A_494 = arith.select %lt3A_491, %broadcast_in_dim3A_480, %broadcast_in_dim3A_493 : vector<512x1xi1>, vector<512x1xf32>
    %convert_element_type3A_495 = arith.extui %lt3A_491 : vector<512x1xi1> to vector<512x1xi32>
    %convert_element_type3A_496 = arith.sitofp %convert_element_type3A_495 : vector<512x1xi32> to vector<512x1xf32>
    %concatenate3A_497 = tpu.concatenate %broadcast_in_dim3A_130, %broadcast_in_dim3A_152, %broadcast_in_dim3A_176, %broadcast_in_dim3A_200, %broadcast_in_dim3A_224, %broadcast_in_dim3A_248, %broadcast_in_dim3A_272, %broadcast_in_dim3A_296, %broadcast_in_dim3A_320, %broadcast_in_dim3A_344, %broadcast_in_dim3A_368, %broadcast_in_dim3A_392, %broadcast_in_dim3A_416, %broadcast_in_dim3A_440, %broadcast_in_dim3A_464, %broadcast_in_dim3A_488 in 1 : vector<512x1xi32>, vector<512x1xi32>, vector<512x1xi32>, vector<512x1xi32>, vector<512x1xi32>, vector<512x1xi32>, vector<512x1xi32>, vector<512x1xi32>, vector<512x1xi32>, vector<512x1xi32>, vector<512x1xi32>, vector<512x1xi32>, vector<512x1xi32>, vector<512x1xi32>, vector<512x1xi32>, vector<512x1xi32> -> vector<512x16xi32>
    %swap3A_498 = arith.constant 0 : index
    %swap3A_499 = arith.constant 0 : index
    %swap3A_500 = arith.constant 0 : index
    %swap3A_501 = vector.load %arg17[%swap3A_498, %swap3A_499, %swap3A_500] : memref<1x512x16xi32, #tpu.memory_space<vmem>>, vector<1x512x16xi32>
    %swap3A_502 = vector.shape_cast %swap3A_501 : vector<1x512x16xi32> to vector<512x16xi32>
    %swap3A_503 = vector.shape_cast %concatenate3A_497 : vector<512x16xi32> to vector<1x512x16xi32>
    tpu.vector_store %arg17[%swap3A_498, %swap3A_499, %swap3A_500], %swap3A_503 {strides = array<i32>} : memref<1x512x16xi32, #tpu.memory_space<vmem>>, vector<1x512x16xi32>,
    %concatenate3A_504 = tpu.concatenate %select_n3A_135, %select_n3A_158, %select_n3A_182, %select_n3A_206, %select_n3A_230, %select_n3A_254, %select_n3A_278, %select_n3A_302, %select_n3A_326, %select_n3A_350, %select_n3A_374, %select_n3A_398, %select_n3A_422, %select_n3A_446, %select_n3A_470, %select_n3A_494 in 1 : vector<512x1xf32>, vector<512x1xf32>, vector<512x1xf32>, vector<512x1xf32>, vector<512x1xf32>, vector<512x1xf32>, vector<512x1xf32>, vector<512x1xf32>, vector<512x1xf32>, vector<512x1xf32>, vector<512x1xf32>, vector<512x1xf32>, vector<512x1xf32>, vector<512x1xf32>, vector<512x1xf32>, vector<512x1xf32> -> vector<512x16xf32>
    %swap3A_505 = arith.constant 0 : index
    %swap3A_506 = arith.constant 0 : index
    %swap3A_507 = arith.constant 0 : index
    %swap3A_508 = vector.load %arg18[%swap3A_505, %swap3A_506, %swap3A_507] : memref<1x512x16xf32, #tpu.memory_space<vmem>>, vector<1x512x16xf32>
    %swap3A_509 = vector.shape_cast %swap3A_508 : vector<1x512x16xf32> to vector<512x16xf32>
    %swap3A_510 = vector.shape_cast %concatenate3A_504 : vector<512x16xf32> to vector<1x512x16xf32>
    tpu.vector_store %arg18[%swap3A_505, %swap3A_506, %swap3A_507], %swap3A_510 {strides = array<i32>} : memref<1x512x16xf32, #tpu.memory_space<vmem>>, vector<1x512x16xf32>,
    %concatenate3A_511 = tpu.concatenate %convert_element_type3A_136, %convert_element_type3A_160, %convert_element_type3A_184, %convert_element_type3A_208, %convert_element_type3A_232, %convert_element_type3A_256, %convert_element_type3A_280, %convert_element_type3A_304, %convert_element_type3A_328, %convert_element_type3A_352, %convert_element_type3A_376, %convert_element_type3A_400, %convert_element_type3A_424, %convert_element_type3A_448, %convert_element_type3A_472, %convert_element_type3A_496 in 1 : vector<512x1xf32>, vector<512x1xf32>, vector<512x1xf32>, vector<512x1xf32>, vector<512x1xf32>, vector<512x1xf32>, vector<512x1xf32>, vector<512x1xf32>, vector<512x1xf32>, vector<512x1xf32>, vector<512x1xf32>, vector<512x1xf32>, vector<512x1xf32>, vector<512x1xf32>, vector<512x1xf32>, vector<512x1xf32> -> vector<512x16xf32>
    %swap3A_512 = arith.constant 0 : index
    %swap3A_513 = arith.constant 0 : index
    %swap3A_514 = arith.constant 0 : index
    %swap3A_515 = vector.load %arg19[%swap3A_512, %swap3A_513, %swap3A_514] : memref<1x512x16xf32, #tpu.memory_space<vmem>>, vector<1x512x16xf32>
    %swap3A_516 = vector.shape_cast %swap3A_515 : vector<1x512x16xf32> to vector<512x16xf32>
    %swap3A_517 = vector.shape_cast %concatenate3A_511 : vector<512x16xf32> to vector<1x512x16xf32>
    tpu.vector_store %arg19[%swap3A_512, %swap3A_513, %swap3A_514], %swap3A_517 {strides = array<i32>} : memref<1x512x16xf32, #tpu.memory_space<vmem>>, vector<1x512x16xf32>,
    return
  }
  func.func @transform_0(%arg0: i32) -> (i32, i32, i32) {
    %c0_i32 = arith.constant 0 : i32
    %c0_i32_0 = arith.constant 0 : i32
    %c0_i32_1 = arith.constant 0 : i32
    return %c0_i32, %arg0, %c0_i32_0 : i32, i32, i32
  }
  func.func @transform_1(%arg0: i32) -> (i32, i32, i32) {
    %c0_i32 = arith.constant 0 : i32
    %c0_i32_0 = arith.constant 0 : i32
    %c0_i32_1 = arith.constant 0 : i32
    %c0_i32_2 = arith.constant 0 : i32
    return %c0_i32, %c0_i32_0, %c0_i32_1 : i32, i32, i32
  }
  func.func @transform_2(%arg0: i32) -> (i32, i32, i32) {
    %c0_i32 = arith.constant 0 : i32
    %c0_i32_0 = arith.constant 0 : i32
    %c0_i32_1 = arith.constant 0 : i32
    return %c0_i32, %arg0, %c0_i32_0 : i32, i32, i32
  }
  func.func @transform_3(%arg0: i32) -> (i32, i32) {
    %c0_i32 = arith.constant 0 : i32
    %c0_i32_0 = arith.constant 0 : i32
    %c0_i32_1 = arith.constant 0 : i32
    return %c0_i32, %c0_i32_0 : i32, i32
  }
  func.func @transform_4(%arg0: i32) -> (i32, i32) {
    %c0_i32 = arith.constant 0 : i32
    %c0_i32_0 = arith.constant 0 : i32
    %c0_i32_1 = arith.constant 0 : i32
    return %c0_i32, %c0_i32_0 : i32, i32
  }
  func.func @transform_5(%arg0: i32) -> (i32, i32) {
    %c0_i32 = arith.constant 0 : i32
    %c0_i32_0 = arith.constant 0 : i32
    %c0_i32_1 = arith.constant 0 : i32
    return %c0_i32, %c0_i32_0 : i32, i32
  }
  func.func @transform_6(%arg0: i32) -> (i32, i32) {
    %c0_i32 = arith.constant 0 : i32
    %c0_i32_0 = arith.constant 0 : i32
    %c0_i32_1 = arith.constant 0 : i32
    return %c0_i32, %c0_i32_0 : i32, i32
  }
  func.func @transform_7(%arg0: i32) -> (i32, i32) {
    %c0_i32 = arith.constant 0 : i32
    %c0_i32_0 = arith.constant 0 : i32
    %c0_i32_1 = arith.constant 0 : i32
    return %c0_i32, %c0_i32_0 : i32, i32
  }
  func.func @transform_8(%arg0: i32) -> (i32, i32) {
    %c0_i32 = arith.constant 0 : i32
    %c0_i32_0 = arith.constant 0 : i32
    %c0_i32_1 = arith.constant 0 : i32
    return %c0_i32, %c0_i32_0 : i32, i32
  }
  func.func @transform_9(%arg0: i32) -> (i32, i32) {
    %c0_i32 = arith.constant 0 : i32
    %c0_i32_0 = arith.constant 0 : i32
    %c0_i32_1 = arith.constant 0 : i32
    return %c0_i32, %c0_i32_0 : i32, i32
  }
  func.func @transform_10(%arg0: i32) -> (i32, i32) {
    %c0_i32 = arith.constant 0 : i32
    %c0_i32_0 = arith.constant 0 : i32
    %c0_i32_1 = arith.constant 0 : i32
    return %c0_i32, %c0_i32_0 : i32, i32
  }
  func.func @transform_11(%arg0: i32) -> (i32, i32) {
    %c0_i32 = arith.constant 0 : i32
    %c0_i32_0 = arith.constant 0 : i32
    %c0_i32_1 = arith.constant 0 : i32
    return %c0_i32, %c0_i32_0 : i32, i32
  }
  func.func @transform_12(%arg0: i32) -> (i32, i32, i32) {
    %c0_i32 = arith.constant 0 : i32
    %c0_i32_0 = arith.constant 0 : i32
    %c0_i32_1 = arith.constant 0 : i32
    return %c0_i32, %arg0, %c0_i32_0 : i32, i32, i32
  }
  func.func @transform_13(%arg0: i32) -> (i32, i32, i32) {
    %c0_i32 = arith.constant 0 : i32
    %c0_i32_0 = arith.constant 0 : i32
    %c0_i32_1 = arith.constant 0 : i32
    return %c0_i32, %arg0, %c0_i32_0 : i32, i32, i32
  }
  func.func @transform_14(%arg0: i32) -> (i32, i32, i32) {
    %c0_i32 = arith.constant 0 : i32
    %c0_i32_0 = arith.constant 0 : i32
    %c0_i32_1 = arith.constant 0 : i32
    return %c0_i32, %arg0, %c0_i32_0 : i32, i32, i32
  }
  func.func @transform_15(%arg0: i32) -> (i32, i32, i32) {
    %c0_i32 = arith.constant 0 : i32
    %c0_i32_0 = arith.constant 0 : i32
    %c0_i32_1 = arith.constant 0 : i32
    return %c0_i32, %arg0, %c0_i32_0 : i32, i32, i32
  }
  func.func @transform_16(%arg0: i32) -> (i32, i32, i32) {
    %c0_i32 = arith.constant 0 : i32
    %c0_i32_0 = arith.constant 0 : i32
    %c0_i32_1 = arith.constant 0 : i32
    return %c0_i32, %arg0, %c0_i32_0 : i32, i32, i32
  }
  func.func @transform_17(%arg0: i32) -> (i32, i32, i32) {
    %c0_i32 = arith.constant 0 : i32
    %c0_i32_0 = arith.constant 0 : i32
    %c0_i32_1 = arith.constant 0 : i32
    return %c0_i32, %arg0, %c0_i32_0 : i32, i32, i32
  }
  func.func @transform_18(%arg0: i32) -> (i32, i32, i32) {
    %c0_i32 = arith.constant 0 : i32
    %c0_i32_0 = arith.constant 0 : i32
    %c0_i32_1 = arith.constant 0 : i32
    return %c0_i32, %arg0, %c0_i32_0 : i32, i32, i32
  }
}

module attributes {stable_mosaic.version = 14 : i64} {
  func.func @_kernel_c(%arg0: i32, %arg1: memref<1x256x256xf32, #tpu.memory_space<vmem>>, %arg2: memref<1x256x512xf32, #tpu.memory_space<vmem>>, %arg3: memref<1x256x256xf32, #tpu.memory_space<vmem>>, %arg4: memref<1x256x16x640xf32, #tpu.memory_space<vmem>>, %arg5: memref<1x256x8xf32, #tpu.memory_space<vmem>>, %arg6: memref<1x256x16xf32, #tpu.memory_space<vmem>>, %arg7: memref<1x256x16xf32, #tpu.memory_space<vmem>>, %arg8: memref<4x128xf32, #tpu.memory_space<vmem>>, %arg9: memref<1x128xf32, #tpu.memory_space<vmem>>, %arg10: memref<512x256xf32, #tpu.memory_space<vmem>>, %arg11: memref<256x256xf32, #tpu.memory_space<vmem>>, %arg12: memref<1x256xf32, #tpu.memory_space<vmem>>, %arg13: memref<1x256xf32, #tpu.memory_space<vmem>>, %arg14: memref<1x256xf32, #tpu.memory_space<vmem>>, %arg15: memref<1x256x256xf32, #tpu.memory_space<vmem>>) attributes {dimension_semantics = [#tpu.dimension_semantics<arbitrary>], iteration_bounds = array<i64: 8>, scalar_prefetch = 0 : i64, scratch_operands = 0 : i64, tpu.core_type = #tpu.core_type<tc>, window_params = [{transform_indices = @transform_0, window_bounds = array<i64: 1, 256, 256>}, {transform_indices = @transform_1, window_bounds = array<i64: 1, 256, 512>}, {transform_indices = @transform_2, window_bounds = array<i64: 1, 256, 256>}, {transform_indices = @transform_3, window_bounds = array<i64: 1, 256, 16, 640>}, {transform_indices = @transform_4, window_bounds = array<i64: 1, 256, 8>}, {transform_indices = @transform_5, window_bounds = array<i64: 1, 256, 16>}, {transform_indices = @transform_6, window_bounds = array<i64: 1, 256, 16>}, {pipeline_mode = #tpu.pipeline_mode<synchronous>, transform_indices = @transform_7, window_bounds = array<i64: 4, 128>}, {pipeline_mode = #tpu.pipeline_mode<synchronous>, transform_indices = @transform_8, window_bounds = array<i64: 1, 128>}, {pipeline_mode = #tpu.pipeline_mode<synchronous>, transform_indices = @transform_9, window_bounds = array<i64: 512, 256>}, {pipeline_mode = #tpu.pipeline_mode<synchronous>, transform_indices = @transform_10, window_bounds = array<i64: 256, 256>}, {pipeline_mode = #tpu.pipeline_mode<synchronous>, transform_indices = @transform_11, window_bounds = array<i64: 1, 256>}, {pipeline_mode = #tpu.pipeline_mode<synchronous>, transform_indices = @transform_12, window_bounds = array<i64: 1, 256>}, {pipeline_mode = #tpu.pipeline_mode<synchronous>, transform_indices = @transform_13, window_bounds = array<i64: 1, 256>}, {transform_indices = @transform_14, window_bounds = array<i64: 1, 256, 256>}]} {
    %get3A = arith.constant 0 : index
    %get3A_0 = arith.constant 0 : index
    %get3A_1 = arith.constant 0 : index
    %get3A_2 = vector.load %arg1[%get3A, %get3A_0, %get3A_1] : memref<1x256x256xf32, #tpu.memory_space<vmem>>, vector<1x256x256xf32>
    %get3A_3 = vector.shape_cast %get3A_2 : vector<1x256x256xf32> to vector<256x256xf32>
    %get3A_4 = arith.constant 0 : index
    %get3A_5 = arith.constant 0 : index
    %get3A_6 = arith.constant 0 : index
    %get3A_7 = vector.load %arg2[%get3A_4, %get3A_5, %get3A_6] : memref<1x256x512xf32, #tpu.memory_space<vmem>>, vector<1x256x512xf32>
    %get3A_8 = vector.shape_cast %get3A_7 : vector<1x256x512xf32> to vector<256x512xf32>
    %get3A_9 = arith.constant 0 : index
    %get3A_10 = arith.constant 0 : index
    %get3A_11 = arith.constant 0 : index
    %get3A_12 = vector.load %arg3[%get3A_9, %get3A_10, %get3A_11] : memref<1x256x256xf32, #tpu.memory_space<vmem>>, vector<1x256x256xf32>
    %get3A_13 = vector.shape_cast %get3A_12 : vector<1x256x256xf32> to vector<256x256xf32>
    %get3A_14 = arith.constant 0 : index
    %get3A_15 = arith.constant 0 : index
    %get3A_16 = arith.constant 0 : index
    %get3A_17 = arith.constant 0 : index
    %get3A_18 = vector.load %arg4[%get3A_14, %get3A_15, %get3A_16, %get3A_17] : memref<1x256x16x640xf32, #tpu.memory_space<vmem>>, vector<1x256x16x640xf32>
    %get3A_19 = vector.shape_cast %get3A_18 : vector<1x256x16x640xf32> to vector<256x16x640xf32>
    %slice3A = vector.extract_strided_slice %get3A_19 {offsets = [0, 0, 0], sizes = [256, 16, 256], strides = [1, 1, 1]} : vector<256x16x640xf32> to vector<256x16x256xf32>
    %slice3A_20 = vector.extract_strided_slice %get3A_19 {offsets = [0, 0, 256], sizes = [256, 16, 256], strides = [1, 1, 1]} : vector<256x16x640xf32> to vector<256x16x256xf32>
    %get3A_21 = arith.constant 0 : index
    %get3A_22 = arith.constant 0 : index
    %get3A_23 = arith.constant 0 : index
    %get3A_24 = vector.load %arg5[%get3A_21, %get3A_22, %get3A_23] : memref<1x256x8xf32, #tpu.memory_space<vmem>>, vector<1x256x8xf32>
    %get3A_25 = vector.shape_cast %get3A_24 : vector<1x256x8xf32> to vector<256x8xf32>
    %get3A_26 = arith.constant 0 : index
    %get3A_27 = arith.constant 0 : index
    %get3A_28 = arith.constant 0 : index
    %get3A_29 = vector.load %arg6[%get3A_26, %get3A_27, %get3A_28] : memref<1x256x16xf32, #tpu.memory_space<vmem>>, vector<1x256x16xf32>
    %get3A_30 = vector.shape_cast %get3A_29 : vector<1x256x16xf32> to vector<256x16xf32>
    %get3A_31 = arith.constant 0 : index
    %get3A_32 = arith.constant 0 : index
    %get3A_33 = arith.constant 0 : index
    %get3A_34 = vector.load %arg7[%get3A_31, %get3A_32, %get3A_33] : memref<1x256x16xf32, #tpu.memory_space<vmem>>, vector<1x256x16xf32>
    %get3A_35 = vector.shape_cast %get3A_34 : vector<1x256x16xf32> to vector<256x16xf32>
    %slice3A_36 = vector.extract_strided_slice %get3A_19 {offsets = [0, 0, 512], sizes = [256, 16, 1], strides = [1, 1, 1]} : vector<256x16x640xf32> to vector<256x16x1xf32>
    %slice3A_37 = vector.extract_strided_slice %get3A_25 {offsets = [0, 0], sizes = [256, 1], strides = [1, 1]} : vector<256x8xf32> to vector<256x1xf32>
    %broadcast_in_dim3A = vector.shape_cast %slice3A_37 : vector<256x1xf32> to vector<256x1x1xf32>
    %sub3A = vector.broadcast %broadcast_in_dim3A : vector<256x1x1xf32> to vector<256x16x1xf32>
    %sub3A_38 = arith.subf %slice3A_36, %sub3A : vector<256x16x1xf32>
    %slice3A_39 = vector.extract_strided_slice %get3A_19 {offsets = [0, 0, 513], sizes = [256, 16, 1], strides = [1, 1, 1]} : vector<256x16x640xf32> to vector<256x16x1xf32>
    %slice3A_40 = vector.extract_strided_slice %get3A_25 {offsets = [0, 1], sizes = [256, 1], strides = [1, 1]} : vector<256x8xf32> to vector<256x1xf32>
    %broadcast_in_dim3A_41 = vector.shape_cast %slice3A_40 : vector<256x1xf32> to vector<256x1x1xf32>
    %sub3A_42 = vector.broadcast %broadcast_in_dim3A_41 : vector<256x1x1xf32> to vector<256x16x1xf32>
    %sub3A_43 = arith.subf %slice3A_39, %sub3A_42 : vector<256x16x1xf32>
    %slice3A_44 = vector.extract_strided_slice %get3A_19 {offsets = [0, 0, 514], sizes = [256, 16, 1], strides = [1, 1, 1]} : vector<256x16x640xf32> to vector<256x16x1xf32>
    %slice3A_45 = vector.extract_strided_slice %get3A_25 {offsets = [0, 2], sizes = [256, 1], strides = [1, 1]} : vector<256x8xf32> to vector<256x1xf32>
    %broadcast_in_dim3A_46 = vector.shape_cast %slice3A_45 : vector<256x1xf32> to vector<256x1x1xf32>
    %sub3A_47 = vector.broadcast %broadcast_in_dim3A_46 : vector<256x1x1xf32> to vector<256x16x1xf32>
    %sub3A_48 = arith.subf %slice3A_44, %sub3A_47 : vector<256x16x1xf32>
    %get3A_49 = arith.constant 0 : index
    %get3A_50 = arith.constant 0 : index
    %get3A_51 = vector.load %arg9[%get3A_49, %get3A_50] : memref<1x128xf32, #tpu.memory_space<vmem>>, vector<1x128xf32>
    %reshape3A = vector.shape_cast %get3A_51 : vector<1x128xf32> to vector<1x1x128xf32>
    %broadcast_in_dim3A_52 = vector.shape_cast %reshape3A : vector<1x1x128xf32> to vector<1x1x128xf32>
    %broadcast_in_dim3A_53 = vector.broadcast %broadcast_in_dim3A_52 : vector<1x1x128xf32> to vector<256x16x128xf32>
    %broadcast_in_dim3A_54 = vector.shape_cast %get3A_30 : vector<256x16xf32> to vector<256x16x1xf32>
    %get3A_55 = arith.constant 0 : index
    %get3A_56 = arith.constant 0 : index
    %get3A_57 = vector.load %arg8[%get3A_55, %get3A_56] : memref<4x128xf32, #tpu.memory_space<vmem>>, vector<1x128xf32>
    %reshape3A_58 = vector.shape_cast %get3A_57 : vector<1x128xf32> to vector<1x1x128xf32>
    %mul3A = vector.broadcast %sub3A_38 : vector<256x16x1xf32> to vector<256x16x128xf32>
    %mul3A_59 = vector.broadcast %reshape3A_58 : vector<1x1x128xf32> to vector<256x16x128xf32>
    %mul3A_60 = arith.mulf %mul3A, %mul3A_59 : vector<256x16x128xf32>
    %add3A = arith.addf %broadcast_in_dim3A_53, %mul3A_60 : vector<256x16x128xf32>
    %get3A_61 = arith.constant 1 : index
    %get3A_62 = arith.constant 0 : index
    %get3A_63 = vector.load %arg8[%get3A_61, %get3A_62] : memref<4x128xf32, #tpu.memory_space<vmem>>, vector<1x128xf32>
    %reshape3A_64 = vector.shape_cast %get3A_63 : vector<1x128xf32> to vector<1x1x128xf32>
    %mul3A_65 = vector.broadcast %sub3A_43 : vector<256x16x1xf32> to vector<256x16x128xf32>
    %mul3A_66 = vector.broadcast %reshape3A_64 : vector<1x1x128xf32> to vector<256x16x128xf32>
    %mul3A_67 = arith.mulf %mul3A_65, %mul3A_66 : vector<256x16x128xf32>
    %add3A_68 = arith.addf %add3A, %mul3A_67 : vector<256x16x128xf32>
    %get3A_69 = arith.constant 2 : index
    %get3A_70 = arith.constant 0 : index
    %get3A_71 = vector.load %arg8[%get3A_69, %get3A_70] : memref<4x128xf32, #tpu.memory_space<vmem>>, vector<1x128xf32>
    %reshape3A_72 = vector.shape_cast %get3A_71 : vector<1x128xf32> to vector<1x1x128xf32>
    %mul3A_73 = vector.broadcast %sub3A_48 : vector<256x16x1xf32> to vector<256x16x128xf32>
    %mul3A_74 = vector.broadcast %reshape3A_72 : vector<1x1x128xf32> to vector<256x16x128xf32>
    %mul3A_75 = arith.mulf %mul3A_73, %mul3A_74 : vector<256x16x128xf32>
    %add3A_76 = arith.addf %add3A_68, %mul3A_75 : vector<256x16x128xf32>
    %get3A_77 = arith.constant 3 : index
    %get3A_78 = arith.constant 0 : index
    %get3A_79 = vector.load %arg8[%get3A_77, %get3A_78] : memref<4x128xf32, #tpu.memory_space<vmem>>, vector<1x128xf32>
    %reshape3A_80 = vector.shape_cast %get3A_79 : vector<1x128xf32> to vector<1x1x128xf32>
    %mul3A_81 = vector.broadcast %broadcast_in_dim3A_54 : vector<256x16x1xf32> to vector<256x16x128xf32>
    %mul3A_82 = vector.broadcast %reshape3A_80 : vector<1x1x128xf32> to vector<256x16x128xf32>
    %mul3A_83 = arith.mulf %mul3A_81, %mul3A_82 : vector<256x16x128xf32>
    %add3A_84 = arith.addf %add3A_76, %mul3A_83 : vector<256x16x128xf32>
    %max3A = arith.constant 0.000000e+00 : f32
    %max3A_85 = vector.broadcast %max3A : f32 to vector<256x16x128xf32>
    %max3A_86 = arith.maximumf %add3A_84, %max3A_85 : vector<256x16x128xf32>
    %gt3A = arith.constant 5.000000e-01 : f32
    %gt3A_87 = vector.broadcast %gt3A : f32 to vector<256x16xf32>
    %gt3A_88 = arith.cmpf ogt, %get3A_35, %gt3A_87 : vector<256x16xf32>
    %slice3A_89 = vector.extract_strided_slice %get3A_8 {offsets = [0, 0], sizes = [256, 128], strides = [1, 1]} : vector<256x512xf32> to vector<256x128xf32>
    %broadcast_in_dim3A_90 = vector.shape_cast %slice3A_89 : vector<256x128xf32> to vector<256x1x128xf32>
    %mul3A_91 = vector.broadcast %broadcast_in_dim3A_90 : vector<256x1x128xf32> to vector<256x16x128xf32>
    %mul3A_92 = arith.mulf %max3A_86, %mul3A_91 : vector<256x16x128xf32>
    %reduce_sum3A = arith.constant dense<0.000000e+00> : vector<256x16xf32>
    %reduce_sum3A_93 = vector.multi_reduction <add>, %mul3A_92, %reduce_sum3A [2] : vector<256x16x128xf32> to vector<256x16xf32>
    %slice3A_94 = vector.extract_strided_slice %slice3A {offsets = [0, 0, 0], sizes = [256, 16, 64], strides = [1, 1, 1]} : vector<256x16x256xf32> to vector<256x16x64xf32>
    %slice3A_95 = vector.extract_strided_slice %get3A_3 {offsets = [0, 0], sizes = [256, 64], strides = [1, 1]} : vector<256x256xf32> to vector<256x64xf32>
    %broadcast_in_dim3A_96 = vector.shape_cast %slice3A_95 : vector<256x64xf32> to vector<256x1x64xf32>
    %mul3A_97 = vector.broadcast %broadcast_in_dim3A_96 : vector<256x1x64xf32> to vector<256x16x64xf32>
    %mul3A_98 = arith.mulf %slice3A_94, %mul3A_97 : vector<256x16x64xf32>
    %reduce_sum3A_99 = arith.constant dense<0.000000e+00> : vector<256x16xf32>
    %reduce_sum3A_100 = vector.multi_reduction <add>, %mul3A_98, %reduce_sum3A_99 [2] : vector<256x16x64xf32> to vector<256x16xf32>
    %add3A_101 = arith.addf %reduce_sum3A_100, %reduce_sum3A_93 : vector<256x16xf32>
    %mul3A_102 = arith.constant 1.250000e-01 : f32
    %mul3A_103 = vector.broadcast %mul3A_102 : f32 to vector<256x16xf32>
    %mul3A_104 = arith.mulf %add3A_101, %mul3A_103 : vector<256x16xf32>
    %jit3A = arith.constant -1.000000e+09 : f32
    %broadcast_in_dim3A_105 = vector.broadcast %jit3A : f32 to vector<256x16xf32>
    %select_n3A = arith.select %gt3A_88, %mul3A_104, %broadcast_in_dim3A_105 : vector<256x16xi1>, vector<256x16xf32>
    %reduce_max3A = arith.constant dense<0xFF800000> : vector<256xf32>
    %reduce_max3A_106 = vector.multi_reduction <maximumf>, %select_n3A, %reduce_max3A [1] : vector<256x16xf32> to vector<256xf32>
    %broadcast_in_dim3A_107 = vector.shape_cast %reduce_max3A_106 : vector<256xf32> to vector<256x1xf32>
    %sub3A_108 = vector.broadcast %broadcast_in_dim3A_107 : vector<256x1xf32> to vector<256x16xf32>
    %sub3A_109 = arith.subf %select_n3A, %sub3A_108 : vector<256x16xf32>
    %exp3A = math.exp %sub3A_109 : vector<256x16xf32>
    %reduce_sum3A_110 = arith.constant dense<0.000000e+00> : vector<256xf32>
    %reduce_sum3A_111 = vector.multi_reduction <add>, %exp3A, %reduce_sum3A_110 [1] : vector<256x16xf32> to vector<256xf32>
    %broadcast_in_dim3A_112 = vector.shape_cast %reduce_sum3A_111 : vector<256xf32> to vector<256x1xf32>
    %div3A = vector.broadcast %broadcast_in_dim3A_112 : vector<256x1xf32> to vector<256x16xf32>
    %div3A_113 = arith.divf %exp3A, %div3A : vector<256x16xf32>
    %slice3A_114 = vector.extract_strided_slice %slice3A_20 {offsets = [0, 0, 0], sizes = [256, 16, 64], strides = [1, 1, 1]} : vector<256x16x256xf32> to vector<256x16x64xf32>
    %broadcast_in_dim3A_115 = vector.shape_cast %div3A_113 : vector<256x16xf32> to vector<256x16x1xf32>
    %mul3A_116 = vector.broadcast %broadcast_in_dim3A_115 : vector<256x16x1xf32> to vector<256x16x64xf32>
    %mul3A_117 = arith.mulf %slice3A_114, %mul3A_116 : vector<256x16x64xf32>
    %reduce_sum3A_118 = arith.constant dense<0.000000e+00> : vector<256x64xf32>
    %reduce_sum3A_119 = vector.multi_reduction <add>, %mul3A_117, %reduce_sum3A_118 [1] : vector<256x16x64xf32> to vector<256x64xf32>
    %broadcast_in_dim3A_120 = vector.shape_cast %div3A_113 : vector<256x16xf32> to vector<256x16x1xf32>
    %mul3A_121 = vector.broadcast %broadcast_in_dim3A_120 : vector<256x16x1xf32> to vector<256x16x128xf32>
    %mul3A_122 = arith.mulf %max3A_86, %mul3A_121 : vector<256x16x128xf32>
    %reduce_sum3A_123 = arith.constant dense<0.000000e+00> : vector<256x128xf32>
    %reduce_sum3A_124 = vector.multi_reduction <add>, %mul3A_122, %reduce_sum3A_123 [1] : vector<256x16x128xf32> to vector<256x128xf32>
    %slice3A_125 = vector.extract_strided_slice %get3A_8 {offsets = [0, 128], sizes = [256, 128], strides = [1, 1]} : vector<256x512xf32> to vector<256x128xf32>
    %broadcast_in_dim3A_126 = vector.shape_cast %slice3A_125 : vector<256x128xf32> to vector<256x1x128xf32>
    %mul3A_127 = vector.broadcast %broadcast_in_dim3A_126 : vector<256x1x128xf32> to vector<256x16x128xf32>
    %mul3A_128 = arith.mulf %max3A_86, %mul3A_127 : vector<256x16x128xf32>
    %reduce_sum3A_129 = arith.constant dense<0.000000e+00> : vector<256x16xf32>
    %reduce_sum3A_130 = vector.multi_reduction <add>, %mul3A_128, %reduce_sum3A_129 [2] : vector<256x16x128xf32> to vector<256x16xf32>
    %slice3A_131 = vector.extract_strided_slice %slice3A {offsets = [0, 0, 64], sizes = [256, 16, 64], strides = [1, 1, 1]} : vector<256x16x256xf32> to vector<256x16x64xf32>
    %slice3A_132 = vector.extract_strided_slice %get3A_3 {offsets = [0, 64], sizes = [256, 64], strides = [1, 1]} : vector<256x256xf32> to vector<256x64xf32>
    %broadcast_in_dim3A_133 = vector.shape_cast %slice3A_132 : vector<256x64xf32> to vector<256x1x64xf32>
    %mul3A_134 = vector.broadcast %broadcast_in_dim3A_133 : vector<256x1x64xf32> to vector<256x16x64xf32>
    %mul3A_135 = arith.mulf %slice3A_131, %mul3A_134 : vector<256x16x64xf32>
    %reduce_sum3A_136 = arith.constant dense<0.000000e+00> : vector<256x16xf32>
    %reduce_sum3A_137 = vector.multi_reduction <add>, %mul3A_135, %reduce_sum3A_136 [2] : vector<256x16x64xf32> to vector<256x16xf32>
    %add3A_138 = arith.addf %reduce_sum3A_137, %reduce_sum3A_130 : vector<256x16xf32>
    %mul3A_139 = arith.constant 1.250000e-01 : f32
    %mul3A_140 = vector.broadcast %mul3A_139 : f32 to vector<256x16xf32>
    %mul3A_141 = arith.mulf %add3A_138, %mul3A_140 : vector<256x16xf32>
    %jit3A_142 = arith.constant -1.000000e+09 : f32
    %broadcast_in_dim3A_143 = vector.broadcast %jit3A_142 : f32 to vector<256x16xf32>
    %select_n3A_144 = arith.select %gt3A_88, %mul3A_141, %broadcast_in_dim3A_143 : vector<256x16xi1>, vector<256x16xf32>
    %reduce_max3A_145 = arith.constant dense<0xFF800000> : vector<256xf32>
    %reduce_max3A_146 = vector.multi_reduction <maximumf>, %select_n3A_144, %reduce_max3A_145 [1] : vector<256x16xf32> to vector<256xf32>
    %broadcast_in_dim3A_147 = vector.shape_cast %reduce_max3A_146 : vector<256xf32> to vector<256x1xf32>
    %sub3A_148 = vector.broadcast %broadcast_in_dim3A_147 : vector<256x1xf32> to vector<256x16xf32>
    %sub3A_149 = arith.subf %select_n3A_144, %sub3A_148 : vector<256x16xf32>
    %exp3A_150 = math.exp %sub3A_149 : vector<256x16xf32>
    %reduce_sum3A_151 = arith.constant dense<0.000000e+00> : vector<256xf32>
    %reduce_sum3A_152 = vector.multi_reduction <add>, %exp3A_150, %reduce_sum3A_151 [1] : vector<256x16xf32> to vector<256xf32>
    %broadcast_in_dim3A_153 = vector.shape_cast %reduce_sum3A_152 : vector<256xf32> to vector<256x1xf32>
    %div3A_154 = vector.broadcast %broadcast_in_dim3A_153 : vector<256x1xf32> to vector<256x16xf32>
    %div3A_155 = arith.divf %exp3A_150, %div3A_154 : vector<256x16xf32>
    %slice3A_156 = vector.extract_strided_slice %slice3A_20 {offsets = [0, 0, 64], sizes = [256, 16, 64], strides = [1, 1, 1]} : vector<256x16x256xf32> to vector<256x16x64xf32>
    %broadcast_in_dim3A_157 = vector.shape_cast %div3A_155 : vector<256x16xf32> to vector<256x16x1xf32>
    %mul3A_158 = vector.broadcast %broadcast_in_dim3A_157 : vector<256x16x1xf32> to vector<256x16x64xf32>
    %mul3A_159 = arith.mulf %slice3A_156, %mul3A_158 : vector<256x16x64xf32>
    %reduce_sum3A_160 = arith.constant dense<0.000000e+00> : vector<256x64xf32>
    %reduce_sum3A_161 = vector.multi_reduction <add>, %mul3A_159, %reduce_sum3A_160 [1] : vector<256x16x64xf32> to vector<256x64xf32>
    %broadcast_in_dim3A_162 = vector.shape_cast %div3A_155 : vector<256x16xf32> to vector<256x16x1xf32>
    %mul3A_163 = vector.broadcast %broadcast_in_dim3A_162 : vector<256x16x1xf32> to vector<256x16x128xf32>
    %mul3A_164 = arith.mulf %max3A_86, %mul3A_163 : vector<256x16x128xf32>
    %reduce_sum3A_165 = arith.constant dense<0.000000e+00> : vector<256x128xf32>
    %reduce_sum3A_166 = vector.multi_reduction <add>, %mul3A_164, %reduce_sum3A_165 [1] : vector<256x16x128xf32> to vector<256x128xf32>
    %slice3A_167 = vector.extract_strided_slice %get3A_8 {offsets = [0, 256], sizes = [256, 128], strides = [1, 1]} : vector<256x512xf32> to vector<256x128xf32>
    %broadcast_in_dim3A_168 = vector.shape_cast %slice3A_167 : vector<256x128xf32> to vector<256x1x128xf32>
    %mul3A_169 = vector.broadcast %broadcast_in_dim3A_168 : vector<256x1x128xf32> to vector<256x16x128xf32>
    %mul3A_170 = arith.mulf %max3A_86, %mul3A_169 : vector<256x16x128xf32>
    %reduce_sum3A_171 = arith.constant dense<0.000000e+00> : vector<256x16xf32>
    %reduce_sum3A_172 = vector.multi_reduction <add>, %mul3A_170, %reduce_sum3A_171 [2] : vector<256x16x128xf32> to vector<256x16xf32>
    %slice3A_173 = vector.extract_strided_slice %slice3A {offsets = [0, 0, 128], sizes = [256, 16, 64], strides = [1, 1, 1]} : vector<256x16x256xf32> to vector<256x16x64xf32>
    %slice3A_174 = vector.extract_strided_slice %get3A_3 {offsets = [0, 128], sizes = [256, 64], strides = [1, 1]} : vector<256x256xf32> to vector<256x64xf32>
    %broadcast_in_dim3A_175 = vector.shape_cast %slice3A_174 : vector<256x64xf32> to vector<256x1x64xf32>
    %mul3A_176 = vector.broadcast %broadcast_in_dim3A_175 : vector<256x1x64xf32> to vector<256x16x64xf32>
    %mul3A_177 = arith.mulf %slice3A_173, %mul3A_176 : vector<256x16x64xf32>
    %reduce_sum3A_178 = arith.constant dense<0.000000e+00> : vector<256x16xf32>
    %reduce_sum3A_179 = vector.multi_reduction <add>, %mul3A_177, %reduce_sum3A_178 [2] : vector<256x16x64xf32> to vector<256x16xf32>
    %add3A_180 = arith.addf %reduce_sum3A_179, %reduce_sum3A_172 : vector<256x16xf32>
    %mul3A_181 = arith.constant 1.250000e-01 : f32
    %mul3A_182 = vector.broadcast %mul3A_181 : f32 to vector<256x16xf32>
    %mul3A_183 = arith.mulf %add3A_180, %mul3A_182 : vector<256x16xf32>
    %jit3A_184 = arith.constant -1.000000e+09 : f32
    %broadcast_in_dim3A_185 = vector.broadcast %jit3A_184 : f32 to vector<256x16xf32>
    %select_n3A_186 = arith.select %gt3A_88, %mul3A_183, %broadcast_in_dim3A_185 : vector<256x16xi1>, vector<256x16xf32>
    %reduce_max3A_187 = arith.constant dense<0xFF800000> : vector<256xf32>
    %reduce_max3A_188 = vector.multi_reduction <maximumf>, %select_n3A_186, %reduce_max3A_187 [1] : vector<256x16xf32> to vector<256xf32>
    %broadcast_in_dim3A_189 = vector.shape_cast %reduce_max3A_188 : vector<256xf32> to vector<256x1xf32>
    %sub3A_190 = vector.broadcast %broadcast_in_dim3A_189 : vector<256x1xf32> to vector<256x16xf32>
    %sub3A_191 = arith.subf %select_n3A_186, %sub3A_190 : vector<256x16xf32>
    %exp3A_192 = math.exp %sub3A_191 : vector<256x16xf32>
    %reduce_sum3A_193 = arith.constant dense<0.000000e+00> : vector<256xf32>
    %reduce_sum3A_194 = vector.multi_reduction <add>, %exp3A_192, %reduce_sum3A_193 [1] : vector<256x16xf32> to vector<256xf32>
    %broadcast_in_dim3A_195 = vector.shape_cast %reduce_sum3A_194 : vector<256xf32> to vector<256x1xf32>
    %div3A_196 = vector.broadcast %broadcast_in_dim3A_195 : vector<256x1xf32> to vector<256x16xf32>
    %div3A_197 = arith.divf %exp3A_192, %div3A_196 : vector<256x16xf32>
    %slice3A_198 = vector.extract_strided_slice %slice3A_20 {offsets = [0, 0, 128], sizes = [256, 16, 64], strides = [1, 1, 1]} : vector<256x16x256xf32> to vector<256x16x64xf32>
    %broadcast_in_dim3A_199 = vector.shape_cast %div3A_197 : vector<256x16xf32> to vector<256x16x1xf32>
    %mul3A_200 = vector.broadcast %broadcast_in_dim3A_199 : vector<256x16x1xf32> to vector<256x16x64xf32>
    %mul3A_201 = arith.mulf %slice3A_198, %mul3A_200 : vector<256x16x64xf32>
    %reduce_sum3A_202 = arith.constant dense<0.000000e+00> : vector<256x64xf32>
    %reduce_sum3A_203 = vector.multi_reduction <add>, %mul3A_201, %reduce_sum3A_202 [1] : vector<256x16x64xf32> to vector<256x64xf32>
    %broadcast_in_dim3A_204 = vector.shape_cast %div3A_197 : vector<256x16xf32> to vector<256x16x1xf32>
    %mul3A_205 = vector.broadcast %broadcast_in_dim3A_204 : vector<256x16x1xf32> to vector<256x16x128xf32>
    %mul3A_206 = arith.mulf %max3A_86, %mul3A_205 : vector<256x16x128xf32>
    %reduce_sum3A_207 = arith.constant dense<0.000000e+00> : vector<256x128xf32>
    %reduce_sum3A_208 = vector.multi_reduction <add>, %mul3A_206, %reduce_sum3A_207 [1] : vector<256x16x128xf32> to vector<256x128xf32>
    %slice3A_209 = vector.extract_strided_slice %get3A_8 {offsets = [0, 384], sizes = [256, 128], strides = [1, 1]} : vector<256x512xf32> to vector<256x128xf32>
    %broadcast_in_dim3A_210 = vector.shape_cast %slice3A_209 : vector<256x128xf32> to vector<256x1x128xf32>
    %mul3A_211 = vector.broadcast %broadcast_in_dim3A_210 : vector<256x1x128xf32> to vector<256x16x128xf32>
    %mul3A_212 = arith.mulf %max3A_86, %mul3A_211 : vector<256x16x128xf32>
    %reduce_sum3A_213 = arith.constant dense<0.000000e+00> : vector<256x16xf32>
    %reduce_sum3A_214 = vector.multi_reduction <add>, %mul3A_212, %reduce_sum3A_213 [2] : vector<256x16x128xf32> to vector<256x16xf32>
    %slice3A_215 = vector.extract_strided_slice %slice3A {offsets = [0, 0, 192], sizes = [256, 16, 64], strides = [1, 1, 1]} : vector<256x16x256xf32> to vector<256x16x64xf32>
    %slice3A_216 = vector.extract_strided_slice %get3A_3 {offsets = [0, 192], sizes = [256, 64], strides = [1, 1]} : vector<256x256xf32> to vector<256x64xf32>
    %broadcast_in_dim3A_217 = vector.shape_cast %slice3A_216 : vector<256x64xf32> to vector<256x1x64xf32>
    %mul3A_218 = vector.broadcast %broadcast_in_dim3A_217 : vector<256x1x64xf32> to vector<256x16x64xf32>
    %mul3A_219 = arith.mulf %slice3A_215, %mul3A_218 : vector<256x16x64xf32>
    %reduce_sum3A_220 = arith.constant dense<0.000000e+00> : vector<256x16xf32>
    %reduce_sum3A_221 = vector.multi_reduction <add>, %mul3A_219, %reduce_sum3A_220 [2] : vector<256x16x64xf32> to vector<256x16xf32>
    %add3A_222 = arith.addf %reduce_sum3A_221, %reduce_sum3A_214 : vector<256x16xf32>
    %mul3A_223 = arith.constant 1.250000e-01 : f32
    %mul3A_224 = vector.broadcast %mul3A_223 : f32 to vector<256x16xf32>
    %mul3A_225 = arith.mulf %add3A_222, %mul3A_224 : vector<256x16xf32>
    %jit3A_226 = arith.constant -1.000000e+09 : f32
    %broadcast_in_dim3A_227 = vector.broadcast %jit3A_226 : f32 to vector<256x16xf32>
    %select_n3A_228 = arith.select %gt3A_88, %mul3A_225, %broadcast_in_dim3A_227 : vector<256x16xi1>, vector<256x16xf32>
    %reduce_max3A_229 = arith.constant dense<0xFF800000> : vector<256xf32>
    %reduce_max3A_230 = vector.multi_reduction <maximumf>, %select_n3A_228, %reduce_max3A_229 [1] : vector<256x16xf32> to vector<256xf32>
    %broadcast_in_dim3A_231 = vector.shape_cast %reduce_max3A_230 : vector<256xf32> to vector<256x1xf32>
    %sub3A_232 = vector.broadcast %broadcast_in_dim3A_231 : vector<256x1xf32> to vector<256x16xf32>
    %sub3A_233 = arith.subf %select_n3A_228, %sub3A_232 : vector<256x16xf32>
    %exp3A_234 = math.exp %sub3A_233 : vector<256x16xf32>
    %reduce_sum3A_235 = arith.constant dense<0.000000e+00> : vector<256xf32>
    %reduce_sum3A_236 = vector.multi_reduction <add>, %exp3A_234, %reduce_sum3A_235 [1] : vector<256x16xf32> to vector<256xf32>
    %broadcast_in_dim3A_237 = vector.shape_cast %reduce_sum3A_236 : vector<256xf32> to vector<256x1xf32>
    %div3A_238 = vector.broadcast %broadcast_in_dim3A_237 : vector<256x1xf32> to vector<256x16xf32>
    %div3A_239 = arith.divf %exp3A_234, %div3A_238 : vector<256x16xf32>
    %slice3A_240 = vector.extract_strided_slice %slice3A_20 {offsets = [0, 0, 192], sizes = [256, 16, 64], strides = [1, 1, 1]} : vector<256x16x256xf32> to vector<256x16x64xf32>
    %broadcast_in_dim3A_241 = vector.shape_cast %div3A_239 : vector<256x16xf32> to vector<256x16x1xf32>
    %mul3A_242 = vector.broadcast %broadcast_in_dim3A_241 : vector<256x16x1xf32> to vector<256x16x64xf32>
    %mul3A_243 = arith.mulf %slice3A_240, %mul3A_242 : vector<256x16x64xf32>
    %reduce_sum3A_244 = arith.constant dense<0.000000e+00> : vector<256x64xf32>
    %reduce_sum3A_245 = vector.multi_reduction <add>, %mul3A_243, %reduce_sum3A_244 [1] : vector<256x16x64xf32> to vector<256x64xf32>
    %broadcast_in_dim3A_246 = vector.shape_cast %div3A_239 : vector<256x16xf32> to vector<256x16x1xf32>
    %mul3A_247 = vector.broadcast %broadcast_in_dim3A_246 : vector<256x16x1xf32> to vector<256x16x128xf32>
    %mul3A_248 = arith.mulf %max3A_86, %mul3A_247 : vector<256x16x128xf32>
    %reduce_sum3A_249 = arith.constant dense<0.000000e+00> : vector<256x128xf32>
    %reduce_sum3A_250 = vector.multi_reduction <add>, %mul3A_248, %reduce_sum3A_249 [1] : vector<256x16x128xf32> to vector<256x128xf32>
    %concatenate3A = tpu.concatenate %reduce_sum3A_119, %reduce_sum3A_161, %reduce_sum3A_203, %reduce_sum3A_245 in 1 : vector<256x64xf32>, vector<256x64xf32>, vector<256x64xf32>, vector<256x64xf32> -> vector<256x256xf32>
    %concatenate3A_251 = tpu.concatenate %reduce_sum3A_124, %reduce_sum3A_166, %reduce_sum3A_208, %reduce_sum3A_250 in 1 : vector<256x128xf32>, vector<256x128xf32>, vector<256x128xf32>, vector<256x128xf32> -> vector<256x512xf32>
    %get3A_252 = arith.constant 0 : index
    %get3A_253 = arith.constant 0 : index
    %get3A_254 = vector.load %arg10[%get3A_252, %get3A_253] : memref<512x256xf32, #tpu.memory_space<vmem>>, vector<512x256xf32>
    %dot_general3A = arith.constant dense<0.000000e+00> : vector<256x256xf32>
    %dot_general3A_255 = tpu.matmul %concatenate3A_251, %get3A_254, %dot_general3A {dimension_numbers = #tpu.dot_dimension_numbers<[1], [0], [0], [1], [0, 0, 1, 1], [], []>, transpose_lhs_hint = false} : vector<256x512xf32>, vector<512x256xf32>, vector<256x256xf32> -> vector<256x256xf32>
    %add3A_256 = arith.addf %concatenate3A, %dot_general3A_255 : vector<256x256xf32>
    %get3A_257 = arith.constant 0 : index
    %get3A_258 = arith.constant 0 : index
    %get3A_259 = vector.load %arg11[%get3A_257, %get3A_258] : memref<256x256xf32, #tpu.memory_space<vmem>>, vector<256x256xf32>
    %dot_general3A_260 = arith.constant dense<0.000000e+00> : vector<256x256xf32>
    %dot_general3A_261 = tpu.matmul %add3A_256, %get3A_259, %dot_general3A_260 {dimension_numbers = #tpu.dot_dimension_numbers<[1], [0], [0], [1], [0, 0, 1, 1], [], []>, transpose_lhs_hint = false} : vector<256x256xf32>, vector<256x256xf32>, vector<256x256xf32> -> vector<256x256xf32>
    %get3A_262 = arith.constant 0 : index
    %get3A_263 = arith.constant 0 : index
    %get3A_264 = vector.load %arg12[%get3A_262, %get3A_263] : memref<1x256xf32, #tpu.memory_space<vmem>>, vector<1x256xf32>
    %add3A_265 = vector.broadcast %get3A_264 : vector<1x256xf32> to vector<256x256xf32>
    %add3A_266 = arith.addf %dot_general3A_261, %add3A_265 : vector<256x256xf32>
    %reduce_max3A_267 = arith.constant dense<0xFF800000> : vector<256xf32>
    %reduce_max3A_268 = vector.multi_reduction <maximumf>, %get3A_35, %reduce_max3A_267 [1] : vector<256x16xf32> to vector<256xf32>
    %broadcast_in_dim3A_269 = vector.shape_cast %reduce_max3A_268 : vector<256xf32> to vector<256x1xf32>
    %gt3A_270 = arith.constant 5.000000e-01 : f32
    %gt3A_271 = vector.broadcast %gt3A_270 : f32 to vector<256x1xf32>
    %gt3A_272 = arith.cmpf ogt, %broadcast_in_dim3A_269, %gt3A_271 : vector<256x1xf32>
    %add3A_273 = arith.addf %get3A_13, %add3A_266 : vector<256x256xf32>
    %broadcast_in_dim3A_274 = vector.shape_cast %gt3A_272 : vector<256x1xi1> to vector<256x1xi1>
    %broadcast_in_dim3A_275 = vector.broadcast %broadcast_in_dim3A_274 : vector<256x1xi1> to vector<256x256xi1>
    %select_n3A_276 = arith.select %broadcast_in_dim3A_275, %add3A_273, %get3A_13 : vector<256x256xi1>, vector<256x256xf32>
    %reduce_sum3A_277 = arith.constant dense<0.000000e+00> : vector<256xf32>
    %reduce_sum3A_278 = vector.multi_reduction <add>, %select_n3A_276, %reduce_sum3A_277 [1] : vector<256x256xf32> to vector<256xf32>
    %broadcast_in_dim3A_279 = vector.shape_cast %reduce_sum3A_278 : vector<256xf32> to vector<256x1xf32>
    %div3A_280 = arith.constant 2.560000e+02 : f32
    %div3A_281 = vector.broadcast %div3A_280 : f32 to vector<256x1xf32>
    %div3A_282 = arith.divf %broadcast_in_dim3A_279, %div3A_281 : vector<256x1xf32>
    %sub3A_283 = vector.broadcast %div3A_282 : vector<256x1xf32> to vector<256x256xf32>
    %sub3A_284 = arith.subf %select_n3A_276, %sub3A_283 : vector<256x256xf32>
    %integer_pow3A = arith.mulf %sub3A_284, %sub3A_284 : vector<256x256xf32>
    %reduce_sum3A_285 = arith.constant dense<0.000000e+00> : vector<256xf32>
    %reduce_sum3A_286 = vector.multi_reduction <add>, %integer_pow3A, %reduce_sum3A_285 [1] : vector<256x256xf32> to vector<256xf32>
    %broadcast_in_dim3A_287 = vector.shape_cast %reduce_sum3A_286 : vector<256xf32> to vector<256x1xf32>
    %div3A_288 = arith.constant 2.560000e+02 : f32
    %div3A_289 = vector.broadcast %div3A_288 : f32 to vector<256x1xf32>
    %div3A_290 = arith.divf %broadcast_in_dim3A_287, %div3A_289 : vector<256x1xf32>
    %get3A_291 = arith.constant 0 : index
    %get3A_292 = arith.constant 0 : index
    %get3A_293 = vector.load %arg13[%get3A_291, %get3A_292] : memref<1x256xf32, #tpu.memory_space<vmem>>, vector<1x256xf32>
    %sub3A_294 = vector.broadcast %div3A_282 : vector<256x1xf32> to vector<256x256xf32>
    %sub3A_295 = arith.subf %select_n3A_276, %sub3A_294 : vector<256x256xf32>
    %mul3A_296 = vector.broadcast %get3A_293 : vector<1x256xf32> to vector<256x256xf32>
    %mul3A_297 = arith.mulf %mul3A_296, %sub3A_295 : vector<256x256xf32>
    %add3A_298 = arith.constant 9.99999974E-6 : f32
    %add3A_299 = vector.broadcast %add3A_298 : f32 to vector<256x1xf32>
    %add3A_300 = arith.addf %div3A_290, %add3A_299 : vector<256x1xf32>
    %sqrt3A = math.sqrt %add3A_300 : vector<256x1xf32>
    %div3A_301 = vector.broadcast %sqrt3A : vector<256x1xf32> to vector<256x256xf32>
    %div3A_302 = arith.divf %mul3A_297, %div3A_301 : vector<256x256xf32>
    %get3A_303 = arith.constant 0 : index
    %get3A_304 = arith.constant 0 : index
    %get3A_305 = vector.load %arg14[%get3A_303, %get3A_304] : memref<1x256xf32, #tpu.memory_space<vmem>>, vector<1x256xf32>
    %add3A_306 = vector.broadcast %get3A_305 : vector<1x256xf32> to vector<256x256xf32>
    %add3A_307 = arith.addf %div3A_302, %add3A_306 : vector<256x256xf32>
    %swap3A = arith.constant 0 : index
    %swap3A_308 = arith.constant 0 : index
    %swap3A_309 = arith.constant 0 : index
    %swap3A_310 = vector.load %arg15[%swap3A, %swap3A_308, %swap3A_309] : memref<1x256x256xf32, #tpu.memory_space<vmem>>, vector<1x256x256xf32>
    %swap3A_311 = vector.shape_cast %swap3A_310 : vector<1x256x256xf32> to vector<256x256xf32>
    %swap3A_312 = vector.shape_cast %add3A_307 : vector<256x256xf32> to vector<1x256x256xf32>
    tpu.vector_store %arg15[%swap3A, %swap3A_308, %swap3A_309], %swap3A_312 {strides = array<i32>} : memref<1x256x256xf32, #tpu.memory_space<vmem>>, vector<1x256x256xf32>,
    return
  }
  func.func @transform_0(%arg0: i32) -> (i32, i32, i32) {
    %c0_i32 = arith.constant 0 : i32
    %c0_i32_0 = arith.constant 0 : i32
    %c0_i32_1 = arith.constant 0 : i32
    return %c0_i32, %arg0, %c0_i32_0 : i32, i32, i32
  }
  func.func @transform_1(%arg0: i32) -> (i32, i32, i32) {
    %c0_i32 = arith.constant 0 : i32
    %c0_i32_0 = arith.constant 0 : i32
    %c0_i32_1 = arith.constant 0 : i32
    return %c0_i32, %arg0, %c0_i32_0 : i32, i32, i32
  }
  func.func @transform_2(%arg0: i32) -> (i32, i32, i32) {
    %c0_i32 = arith.constant 0 : i32
    %c0_i32_0 = arith.constant 0 : i32
    %c0_i32_1 = arith.constant 0 : i32
    return %c0_i32, %arg0, %c0_i32_0 : i32, i32, i32
  }
  func.func @transform_3(%arg0: i32) -> (i32, i32, i32, i32) {
    %c0_i32 = arith.constant 0 : i32
    %c0_i32_0 = arith.constant 0 : i32
    %c0_i32_1 = arith.constant 0 : i32
    %c0_i32_2 = arith.constant 0 : i32
    return %c0_i32, %arg0, %c0_i32_0, %c0_i32_1 : i32, i32, i32, i32
  }
  func.func @transform_4(%arg0: i32) -> (i32, i32, i32) {
    %c0_i32 = arith.constant 0 : i32
    %c0_i32_0 = arith.constant 0 : i32
    %c0_i32_1 = arith.constant 0 : i32
    return %c0_i32, %arg0, %c0_i32_0 : i32, i32, i32
  }
  func.func @transform_5(%arg0: i32) -> (i32, i32, i32) {
    %c0_i32 = arith.constant 0 : i32
    %c0_i32_0 = arith.constant 0 : i32
    %c0_i32_1 = arith.constant 0 : i32
    return %c0_i32, %arg0, %c0_i32_0 : i32, i32, i32
  }
  func.func @transform_6(%arg0: i32) -> (i32, i32, i32) {
    %c0_i32 = arith.constant 0 : i32
    %c0_i32_0 = arith.constant 0 : i32
    %c0_i32_1 = arith.constant 0 : i32
    return %c0_i32, %arg0, %c0_i32_0 : i32, i32, i32
  }
  func.func @transform_7(%arg0: i32) -> (i32, i32) {
    %c0_i32 = arith.constant 0 : i32
    %c0_i32_0 = arith.constant 0 : i32
    %c0_i32_1 = arith.constant 0 : i32
    return %c0_i32, %c0_i32_0 : i32, i32
  }
  func.func @transform_8(%arg0: i32) -> (i32, i32) {
    %c0_i32 = arith.constant 0 : i32
    %c0_i32_0 = arith.constant 0 : i32
    %c0_i32_1 = arith.constant 0 : i32
    return %c0_i32, %c0_i32_0 : i32, i32
  }
  func.func @transform_9(%arg0: i32) -> (i32, i32) {
    %c0_i32 = arith.constant 0 : i32
    %c0_i32_0 = arith.constant 0 : i32
    %c0_i32_1 = arith.constant 0 : i32
    return %c0_i32, %c0_i32_0 : i32, i32
  }
  func.func @transform_10(%arg0: i32) -> (i32, i32) {
    %c0_i32 = arith.constant 0 : i32
    %c0_i32_0 = arith.constant 0 : i32
    %c0_i32_1 = arith.constant 0 : i32
    return %c0_i32, %c0_i32_0 : i32, i32
  }
  func.func @transform_11(%arg0: i32) -> (i32, i32) {
    %c0_i32 = arith.constant 0 : i32
    %c0_i32_0 = arith.constant 0 : i32
    %c0_i32_1 = arith.constant 0 : i32
    return %c0_i32, %c0_i32_0 : i32, i32
  }
  func.func @transform_12(%arg0: i32) -> (i32, i32) {
    %c0_i32 = arith.constant 0 : i32
    %c0_i32_0 = arith.constant 0 : i32
    %c0_i32_1 = arith.constant 0 : i32
    return %c0_i32, %c0_i32_0 : i32, i32
  }
  func.func @transform_13(%arg0: i32) -> (i32, i32) {
    %c0_i32 = arith.constant 0 : i32
    %c0_i32_0 = arith.constant 0 : i32
    %c0_i32_1 = arith.constant 0 : i32
    return %c0_i32, %c0_i32_0 : i32, i32
  }
  func.func @transform_14(%arg0: i32) -> (i32, i32, i32) {
    %c0_i32 = arith.constant 0 : i32
    %c0_i32_0 = arith.constant 0 : i32
    %c0_i32_1 = arith.constant 0 : i32
    return %c0_i32, %arg0, %c0_i32_0 : i32, i32, i32
  }
}

</mosaic_0001>

<sc_bundles>
// kernel: kernel.14.cloned.1.call-start
scs
__scs_entry_jumppad:
0x0: {  	(pc) =	sbr.rel $0x88, $3  }
0x1: {  	(tag) =	ssettag $0x0;
	lr =	simm.s32 $0x1  }
0x2: {  	[smem:$0x3F93] =	sst lr;
	_ =	strace $0xD0000000  }
0x3: {  	_ = 	snop  }
0x4: {  	_ = 	snop  }
0x5: {  	_ = 	snop  }
0x6: {  	_ = 	snop  }
0x7: {  	_ = 	snop  }
__scs_overlays_trampoline_lowered:
0x8: {  	[smem:$0x3FA2] =	sst s0  }
0x9: {  	[smem:$0x3FA3] =	sst s1  }
0xa: {  	[smem:$0x3FA4] =	sst s2  }
0xb: {  	[smem:$0x3FA5] =	sst s3  }
0xc: {  	[smem:$0x3FA6] =	sst s4  }
0xd: {  	[smem:$0x3FA7] =	sst s5  }
0xe: {  	[smem:$0x3FA8] =	sst s6  }
0xf: {  	[smem:$0x3FA9] =	sst s7  }
0x10: {  	[smem:$0x3FAA] =	sst s8  }
0x11: {  	[smem:$0x3FAB] =	sst s9;
	s0 =	simm.s32 @!p0 $0x0  }
0x12: {  	s1 =	sld [smem:$0x3F91];
	s0 =	simm.s32 @p0 $0x1  }
0x13: {  	[smem:$0x3FAC] =	sst s0;
	s0 =	simm.s32 @!p1 $0x0  }
0x14: {  	s2 =	sld [smem:$0x3F90];
	s0 =	simm.s32 @p1 $0x1  }
0x15: {  	[smem:$0x3FAD] =	sst s0;
	s0 =	simm.s32 @!p2 $0x0  }
0x16: {  	s3 =	sld [smem:$0x3FDB];
	s0 =	simm.s32 @p2 $0x1  }
0x17: {  	s4 =	simm.s32 $0x1BF5;
	[smem:$0x3FAF] =	sst s0  }
0x18: {  	s0 =	sld [smem:$0x3F92];
	_ =	swait.ge [sflag:s4], $0x0  }
0x19: {  	s7 =	sld [smem:$0x3F93]  }
0x1a: {  	s8 =	sadd.s32 $0xFFFFE003, lr  }
0x1b: {  	s9 =	sadd.s32 $0xFFFFFEF7, lr;
	s5 =	simm.s32 $0xFFFFFFFF;
	p2 =	slt.u32 s8, $0xFFFFF086  }
0x1c: {  	p1 =	slt.u32 s9, $0xF7A;
	s5 =	simm.s32 @!p2 $0x0  }
0x1d: {  	s5 =	simm.s32 @p1 $0x1;
	p0 =	seq.s32 s7, s2  }
0x1e: {  	s7 =	smul.u32 @!p0 $0xF7A, s2;
	p2 =	seq.s32 @!p0 s5, $0x0  }
0x1f: {  	s9 =	smul.u32 $0xF7A, s1;
	s8 =	simm.s32 @!p0 $0x1BF5;
	p2 =	por !p2, p0  }
0x20: {  	[sflag:s8] =	ssyncset.s32 @!p0 $0xFFFFF086;
	s6 =	sadd.s32 @!p0 s3, s7;
	s7 =	simm.s32 @!p0 $0x108  }
0x21: {  	s3 =	sadd.s32 s3, s9;
	s6 =	sadd.s32 @!p0 $0x88, s6;
	s7 =	simm.s32 @p2 $0x1082  }
0x22: {  	[simem:s7], [sflag:s8] =	dma.local @!p0 [hbm:s6], $0xF7A  }
0x23: {  	s9 =	sor.u32 $0xD0000000, s2;
	s6 =	simm.s32 $0x108;
	_ =	swait.ge @!p0 [sflag:s8], $0x0  }
0x24: {  	s3 =	sadd.s32 $0x88, s3;
	s6 =	simm.s32 @!p1 $0x1082;
	[sflag:s4] =	ssyncset.s32 $0xFFFFF086  }
0x25: {  	[simem:s6], [sflag:s4] =	dma.local [hbm:s3], $0xF7A  }
0x26: {  	[smem:$0x3F93] =	sst s1;
	(tag) =	ssettag s2;
	_ =	strace s9  }
0x27: {  	s1 =	sld [smem:$0x3FA3]  }
0x28: {  	s2 =	sld [smem:$0x3FA4]  }
0x29: {  	s4 =	sld [smem:$0x3FA6]  }
0x2a: {  	p0 =	seq.s32 s5, $0x0;
	s5 =	sld [smem:$0x3FA7]  }
0x2b: {  	s6 =	sld [smem:$0x3FA8]  }
0x2c: {  	s7 =	sld [smem:$0x3FA9]  }
0x2d: {  	s3 =	simm.s32 $0x108;
	s8 =	sld [smem:$0x3FAA]  }
0x2e: {  	s3 =	simm.s32 @!p0 $0x1082;
	s9 =	sld [smem:$0x3FAB]  }
0x2f: {  	lr =	sadd.s32 s0, s3;
	s0 =	sld [smem:$0x3FA2]  }
0x30: {  	s3 =	sld [smem:$0x3FA5]  }
0x31: {  	[smem:$0x3FAE] =	sst s10  }
0x32: {  	s10 =	sld [smem:$0x3FAC];
	_ =	sdelay $0x3  }
0x33: {  	p0 =	seq.s32 s10, $0x1;
	s10 =	sld [smem:$0x3FAE];
	_ =	sdelay $0x3  }
0x34: {  	[smem:$0x3FAE] =	sst s10  }
0x35: {  	s10 =	sld [smem:$0x3FAD];
	_ =	sdelay $0x3  }
0x36: {  	p1 =	seq.s32 s10, $0x1;
	s10 =	sld [smem:$0x3FAE];
	_ =	sdelay $0x3  }
0x37: {  	[smem:$0x3FAE] =	sst s10  }
0x38: {  	s10 =	sld [smem:$0x3FAF]  }
0x39: {  	_ = 	snop;
	(pc) =	sbr.ind lr, $3  }
0x3a: {  	_ = 	snop  }
0x3b: {  	_ = 	snop  }
0x3c: {  	p2 =	seq.s32 s10, $0x1;
	s10 =	sld [smem:$0x3FAE]  }
0x3d: {  	_ =	shalt  }
0x3e: {  	_ =	shalt  }
0x3f: {  	_ =	shalt  }
0x40: {  	_ =	shalt  }
0x41: {  	_ =	shalt  }
0x42: {  	_ =	shalt  }
0x43: {  	_ =	shalt  }
0x44: {  	_ =	shalt  }
0x45: {  	_ =	shalt  }
0x46: {  	_ =	shalt  }
0x47: {  	_ =	shalt  }
0x48: {  	_ =	shalt  }
0x49: {  	_ =	shalt  }
0x4a: {  	_ =	shalt  }
0x4b: {  	_ =	shalt  }
0x4c: {  	_ =	shalt  }
0x4d: {  	_ =	shalt  }
0x4e: {  	_ =	shalt  }
0x4f: {  	_ =	shalt  }
0x50: {  	_ =	shalt  }
0x51: {  	_ =	shalt  }
0x52: {  	_ =	shalt  }
0x53: {  	_ =	shalt  }
0x54: {  	_ =	shalt  }
0x55: {  	_ =	shalt  }
0x56: {  	_ =	shalt  }
0x57: {  	_ =	shalt  }
0x58: {  	_ =	shalt  }
0x59: {  	_ =	shalt  }
0x5a: {  	_ =	shalt  }
0x5b: {  	_ =	shalt  }
0x5c: {  	_ =	shalt  }
0x5d: {  	_ =	shalt  }
0x5e: {  	_ =	shalt  }
0x5f: {  	_ =	shalt  }
0x60: {  	_ =	shalt  }
0x61: {  	_ =	shalt  }
0x62: {  	_ =	shalt  }
0x63: {  	_ =	shalt  }
0x64: {  	_ =	shalt  }
0x65: {  	_ =	shalt  }
0x66: {  	_ =	shalt  }
0x67: {  	_ =	shalt  }
0x68: {  	_ =	shalt  }
0x69: {  	_ =	shalt  }
0x6a: {  	_ =	shalt  }
0x6b: {  	_ =	shalt  }
0x6c: {  	_ =	shalt  }
0x6d: {  	_ =	shalt  }
0x6e: {  	_ =	shalt  }
0x6f: {  	_ =	shalt  }
0x70: {  	_ =	shalt  }
0x71: {  	_ =	shalt  }
0x72: {  	_ =	shalt  }
0x73: {  	_ =	shalt  }
0x74: {  	_ =	shalt  }
0x75: {  	_ =	shalt  }
0x76: {  	_ =	shalt  }
0x77: {  	_ =	shalt  }
0x78: {  	_ =	shalt  }
0x79: {  	_ =	shalt  }
0x7a: {  	_ =	shalt  }
0x7b: {  	_ =	shalt  }
0x7c: {  	_ =	shalt  }
0x7d: {  	_ =	shalt  }
0x7e: {  	_ =	shalt  }
0x7f: {  	_ =	shalt  }
0x80: {  	_ =	shalt  }
0x81: {  	_ =	shalt  }
0x82: {  	_ =	shalt  }
0x83: {  	_ =	shalt  }
0x84: {  	_ =	shalt  }
0x85: {  	_ =	shalt  }
0x86: {  	_ =	shalt  }
0x87: {  	_ =	shalt  }
.Lfunc_end0:
.L_simem_size_0:
called_computation_lowered:
.L_overlay_start_0:
0x88: {  	s2 =	sld [smem:$0x3FD9]  }
0x89: {  	s3 =	sld [smem:$0x3FFE];
	_ =	sdelay $0x1  }
0x8a: {  	s1 =	srdreg.scid  }
0x8b: {  	s0 =	sand.u32 $0x1, s1  }
0x8c: {  	s16 =	sshll.u32 s0, $0xA;
	s2 =	sadd.s32 s3, s2  }
0x8d: {  	s2 =	sadd.s32 s2, s16  }
0x8e: {  	[smem:$0x3FBA] =	sst s2  }
0x8f: {  	_ = 	snop  }
0x90: {  	(tm) =	ssettm $0x1  }
0x91: {  	s17 =	sld [smem:$0x3FFB];
	_ =	sdelay $0x3  }
0x92: {  	_ =	strace s17  }
0x93: {  	s2 =	sld [smem:$0x3FFC];
	_ =	sdelay $0x3  }
0x94: {  	_ =	strace s2  }
0x95: {  	s2 =	sld [smem:$0x3FFD];
	_ =	sdelay $0x3  }
0x96: {  	_ =	strace s2  }
0x97: {  	_ =	strace $0x8FFFFFFF  }
0x98: {  	s18 =	sld [smem:$0x3FDB];
	_ =	sdelay $0x1  }
0x99: {  	s19 =	simm.s32 $_scs_section_size  }
0x9a: {  	s4 =	simm.s32 $_size__tile_overlayer_lowered;
	s5 =	simm.s32 $_tile_overlayer_lowered  }
0x9b: {  	s22 =	simm.s32 $0x1BFF;
	s21 =	sshll.u32 s5, $0x1;
	s2 =	sadd.s32 s19, s18  }
0x9c: {  	s6 =	simm.s32 $0x0;
	s20 =	sshll.u32 s4, $0x1;
	s4 =	sadd.s32 s21, s2  }
0x9d: {  	[timem:s6], [sflag:s22] =	dma.local [hbm:s4], s20  }
0x9e: {  	_ =	swait.ge [sflag:s22], s20  }
0x9f: {  	s3 =	ssub.s32 $0x0, s20;
	[sflag:s22] =	ssyncset.done $0x0  }
0xa0: {  	[sflag:s22] =	ssyncadd.s32 s3;
	_ =	sdelay $0x1  }
0xa1: {  	s23 =	simm.s32 $0x1B8B  }
0xa2: {  	_ =	swait.ge [sflag:s23], $0x1  }
0xa3: {  	[sflag:s23] =	ssyncset.done $0x0  }
0xa4: {  	s25 =	simm.s32 $0x1B8E;
	s24 =	sld [smem:$0x3FFE];
	[sflag:s23] =	ssyncadd.s32 $0xFFFFFFFF  }
0xa5: {  	s26 =	simm.s32 $execute0_lowered;
	[smem:$0x3FD2] =	sst s25  }
0xa6: {  	s4 =	sshll.u32 s26, $0x1;
	_ =	strace $0x80000046;
	[dreg:$0x1] =	wrdreg $0xFFFFFFFF  }
0xa7: {  	s28 =	simm.s32 $_size_execute0_lowered;
	s2 =	sadd.s32 s2, s4;
	[dreg:$0x0] =	wrdreg $0x0  }
0xa8: {  	s4 =	sshll.u32 s28, $0x1;
	[dreg:$0x2] =	wrdreg s2  }
0xa9: {  	[dreg:$0x3] =	wrdreg s4  }
0xaa: {  	[dreg:$0x4] =	wrdreg $0xC0  }
0xab: {  	_ =	task [dreg:s6], $0x5FFFF  }
0xac: {  	[dreg:$0x1] =	wrdreg $0xFFFFFFFF  }
0xad: {  	[dreg:$0x0] =	wrdreg $0x60  }
0xae: {  	[dreg:$0x2] =	wrdreg s24  }
0xaf: {  	[dreg:$0x3] =	wrdreg $0x9  }
0xb0: {  	_ =	task.clear_ibuf [dreg:s6], $0x4FFFF;
	_ =	strace $0x90000046  }
0xb1: {  	s29 =	simm.s32 $0x9;
	_ =	strace $0x80000048  }
0xb2: {  	_ =	swait.ge [sflag:s29], $0x1  }
0xb3: {  	[sflag:s29] =	ssyncadd.s32 $0xFFFFFFFF  }
0xb4: {  	_ =	strace $0x90000048  }
0xb5: {  	_ =	sfence  }
0xb6: {  	s30 =	sld [smem:$0x0];
	_ =	sdelay $0x2  }
0xb7: {  	s31 =	sshll.u32 s1, $0xD;
	s1 =	sshrl.u32 s1, $0x2  }
0xb8: {  	s3 =	sand.u32 $0x4000, s31;
	s1 =	sadd.s32 s1, s30  }
0xb9: {  	s0 =	sor.u32 s3, s0;
	s1 =	sshll.u32 s1, $0x11  }
0xba: {  	s0 =	sor.u32 s1, s0  }
0xbb: {  	s0 =	sadd.s32 $0x8F2B, s0  }
0xbc: {  	[sflag:s0] =	ssyncadd.remote.s32 $0x1  }
0xbd: {  	_ =	sfence.sel $0xFFFF  }
0xbe: {  	[dreg:$0x0] =	wrdreg $0xFFFFFFFF;
	(pc) =	sbr.abs _section_cstart, $3  }
0xbf: {  	[dreg:$0x1] =	wrdreg $0xFFFFFFFF  }
0xc0: {  	_ =	task.clear_ibuf [dreg:s6], $0x2FFFF;
	_ =	strace $0x9FFFFFFF  }
0xc1: {  	(tm) =	ssettm $0x7FFFFFFF  }
tec
execute0_lowered:
.L_overlay_start_1:
0x0: {  	(tag) =	ssettag $0x1  }
0x1: {  	s0 =	srdreg.scid  }
0x2: {  	s4 =	stileid.u32;
	s1 =	sand.u32 $0x1, s0  }
0x3: {  	s21 =	sshll.u32 s4, $0xB;
	s2 =	sshll.u32 s1, $0xA  }
0x4: {  	s0 =	sor.u32 s2, s21  }
0x5: {  	s2 =	sshrl.u32 s0, $0x3  }
0x6: {  	s0 =	rddreg [dreg:$0x0];
	s3 =	smul.u32 $0x280, s2;
	s2 =	simm.s32 $0x0  }
0x7: {  	s22 =	simm.s32 $0xC00;
	[smem:$0x7FF] =	sst s2  }
0x8: {  	s23 =	simm.s32 $0x1400;
	_ =	strace $0x80000047;
	[dreg:$0x3] =	wrdreg s22  }
0x9: {  	s24 =	simm.s32 $0x1800;
	[dreg:$0x4] =	wrdreg s23  }
0xa: {  	s25 =	simm.s32 $0x2000;
	[dreg:$0x5] =	wrdreg s24  }
0xb: {  	s26 =	simm.s32 $0x2800;
	[dreg:$0x6] =	wrdreg s25  }
0xc: {  	s5 =	simm.s32 $0x2C00;
	[dreg:$0x7] =	wrdreg s26  }
0xd: {  	s6 =	simm.s32 $0x3400;
	[dreg:$0x8] =	wrdreg s5  }
0xe: {  	s7 =	simm.s32 $0x3C00;
	[dreg:$0x9] =	wrdreg s6  }
0xf: {  	s8 =	simm.s32 $0x4000;
	[dreg:$0xa] =	wrdreg s7  }
0x10: {  	s9 =	simm.s32 $0x4800;
	[dreg:$0xb] =	wrdreg s8  }
0x11: {  	s10 =	simm.s32 $0x5000;
	[dreg:$0xc] =	wrdreg s9  }
0x12: {  	s11 =	simm.s32 $0x5400;
	[dreg:$0xd] =	wrdreg s10  }
0x13: {  	s12 =	simm.s32 $0x5C00;
	[dreg:$0xe] =	wrdreg s11  }
0x14: {  	s13 =	simm.s32 $0x6400;
	[dreg:$0xf] =	wrdreg s12  }
0x15: {  	s14 =	simm.s32 $0x6800;
	s15 =	simm.s32 $0x7000;
	[dreg:$0x10] =	wrdreg s13  }
0x16: {  	s16 =	simm.s32 $0x7800;
	s17 =	simm.s32 $0x7C00;
	[dreg:$0x11] =	wrdreg s14  }
0x17: {  	s18 =	simm.s32 $0x8400;
	s19 =	simm.s32 $0x8C00;
	[dreg:$0x12] =	wrdreg s15  }
0x18: {  	s20 =	simm.s32 $0x9000;
	s28 =	simm.s32 $0x13800;
	[dreg:$0x13] =	wrdreg s16  }
0x19: {  	s29 =	simm.s32 $0x14000;
	s30 =	simm.s32 $0x1;
	[dreg:$0x14] =	wrdreg s17  }
0x1a: {  	s31 =	simm.s32 $0x0;
	s4 =	sshll.u32 s4, $0x8;
	[dreg:$0x15] =	wrdreg s18  }
0x1b: {  	s21 =	simm.s32 $0x9800;
	s3 =	sadd.s32 s3, s0;
	[dreg:$0x16] =	wrdreg s19  }
0x1c: {  	s5 =	sshll.u32 s1, $0x7;
	s1 =	ssub.s32 $0x2, s1;
	[dreg:$0x17] =	wrdreg s20  }
0x1d: {  	[dreg:$0x18] =	wrdreg s21;
	s22 =	simm.s32 $0xA000;
	s23 =	simm.s32 $0xA400  }
0x1e: {  	s24 =	simm.s32 $0xAC00;
	s7 =	simm.s32 $0xB400;
	s25 =	simm.s32 $0xB800  }
0x1f: {  	s26 =	simm.s32 $0xC000;
	s8 =	simm.s32 $0x2;
	s9 =	simm.s32 $0x400  }
0x20: {  	s10 =	simm.s32 $0xC800;
	s11 =	simm.s32 $0xCC00;
	s12 =	simm.s32 $0xD400  }
0x21: {  	s13 =	simm.s32 $0xDC00;
	s14 =	simm.s32 $0xE000;
	s15 =	simm.s32 $0xE800  }
0x22: {  	s16 =	simm.s32 $0xF000;
	s17 =	simm.s32 $0xF400;
	[dreg:$0x19] =	wrdreg s22  }
0x23: {  	s18 =	simm.s32 $0xFC00;
	s19 =	simm.s32 $0x10400;
	[dreg:$0x1a] =	wrdreg s23  }
0x24: {  	s20 =	simm.s32 $0x10800;
	s21 =	simm.s32 $0x11000;
	[dreg:$0x1b] =	wrdreg s24  }
0x25: {  	s3 =	sadd.s32 $0xC4400, s3;
	s4 =	sor.u32 s5, s4;
	[dreg:$0x1c] =	wrdreg s7  }
0x26: {  	s6 =	sshrl.u32 s1, $0x1;
	s5 =	sadd.s32 $0x4B500, s0;
	[dreg:$0x1d] =	wrdreg s25  }
0x27: {  	[dreg:$0x1e] =	wrdreg s26;
	s22 =	simm.s32 $0x11800;
	s23 =	simm.s32 $0x11C00  }
0x28: {  	s24 =	simm.s32 $0x12400;
	s25 =	simm.s32 $0x12C00;
	s4 =	sadd.s32 s4, s0  }
0x29: {  	v2 =	vlaneseq.u32;
	[dreg:$0x2] =	wrdreg s3;
	s1 =	ssub.s32 s1, s6;
	s4 =	sadd.s32 $0xC3400, s4  }
0x2a: {  	vm0 =	vmmov $0xffff;
	vm1 =	vmmov $0xff;
	v1 =	vshrl.u32 v2, $0x3;
	s26 =	simm.s32 $0x13000;
	s1 =	smax.u32 s1, $0x1;
	[dreg:$0x1f] =	wrdreg s4  }
0x2b: {  	v0 =	vand.u32 $0x7, v2;
	v2 =	vor.u32 $0x8, v2;
	v1 =	vmul.u32 $0x8, v1;
	s3 =	sadd.s32 $0x4B400, s0;
	s6 =	sadd.s32 $0x4B600, s0;
	[smem:$0x7FD] =	sst s1  }
.LBB2_1:
0x2c: {  	s0 =	rddreg [dreg:$0x1f]  }
0x2d: {  	[tilespmem:s2], [sflag:$0x2] =	stream.linear.gather [hbm4b:s0+s2], $0x400, $0x38;
	[tilespmem:$0x14400] =	vst v63  }
0x2e: {  	_ =	swait.ge [sflag:s8], $0x400  }
0x2f: {  	[sflag:s8] =	ssyncset.done $0x0  }
0x30: {  	s1 =	simm.s32 $0x40;
	s0 =	simm.s32 $0x0;
	[sflag:s8] =	ssyncadd.s32 $0xFFFFFC00  }
.LBB2_2:
0x31: {  	v3 =	vld [tilespmem:s1+$0xFFFFFFC0];
	_ =	sdelay $0x4  }
0x32: {  	v4 =	vshrl.u32 v3, $0x3  }
0x33: {  	v4 =	vmul.u32 $0x28, v4  }
0x34: {  	v3 =	vand.u32 $0x7, v3  }
0x35: {  	v3 =	vor.u32 v3, v4  }
0x36: {  	v4 =	vperm.xlane v3, v0;
	_ =	sdelay $0x1  }
0x37: {  	v4 =	vadd.s32 v1, v4;
	_ =	sdelay $0x3  }
0x38: {  	v3 =	vperm.xlane v3, v2  }
0x39: {  	[tilespmem:s9], [sflag:$0x1] =	stream.indirect_vreg.gather [hbm4b:s3+s2], $0x80, v4, vm0, $0xb8;
	[tilespmem:$0x14400] =	vst v63  }
0x3a: {  	s4 =	rddreg [dreg:$0x3];
	v3 =	vadd.s32 v1, v3  }
0x3b: {  	[tilespmem:s4], [sflag:$0x1] =	stream.indirect_vreg.gather [hbm4b:s5+s2], $0x80, v4, vm0, $0xb8;
	[tilespmem:$0x14400] =	vst v63  }
0x3c: {  	s7 =	rddreg [dreg:$0x4]  }
0x3d: {  	[tilespmem:s7], [sflag:$0x1] =	stream.indirect_vreg.gather [hbm4b:s6+s2], $0x80, v4, vm1, $0xb8;
	[tilespmem:$0x14400] =	vst v63  }
0x3e: {  	s4 =	rddreg [dreg:$0x5]  }
0x3f: {  	[tilespmem:s4], [sflag:$0x1] =	stream.indirect_vreg.gather [hbm4b:s3+s2], $0x80, v3, vm0, $0xb8;
	[tilespmem:$0x14400] =	vst v63  }
0x40: {  	s7 =	rddreg [dreg:$0x6]  }
0x41: {  	[tilespmem:s7], [sflag:$0x1] =	stream.indirect_vreg.gather [hbm4b:s5+s2], $0x80, v3, vm0, $0xb8;
	[tilespmem:$0x14400] =	vst v63  }
0x42: {  	s4 =	rddreg [dreg:$0x7]  }
0x43: {  	[tilespmem:s4], [sflag:$0x1] =	stream.indirect_vreg.gather [hbm4b:s6+s2], $0x80, v3, vm1, $0xb8;
	[tilespmem:$0x14400] =	vst v63  }
0x44: {  	v3 =	vld [tilespmem:s1+$0xFFFFFFD0];
	_ =	sdelay $0x4  }
0x45: {  	v57 =	vshrl.u32 v3, $0x3  }
0x46: {  	v4 =	vmul.u32 $0x28, v57  }
0x47: {  	v3 =	vand.u32 $0x7, v3  }
0x48: {  	v3 =	vor.u32 v3, v4  }
0x49: {  	v4 =	vperm.xlane v3, v0;
	_ =	sdelay $0x1  }
0x4a: {  	v4 =	vadd.s32 v1, v4;
	_ =	sdelay $0x3  }
0x4b: {  	s4 =	rddreg [dreg:$0x8];
	v3 =	vperm.xlane v3, v2  }
0x4c: {  	[tilespmem:s4], [sflag:$0x1] =	stream.indirect_vreg.gather [hbm4b:s3+s2], $0x80, v4, vm0, $0xb8;
	[tilespmem:$0x14400] =	vst v63  }
0x4d: {  	s7 =	rddreg [dreg:$0x9];
	v3 =	vadd.s32 v1, v3  }
0x4e: {  	[tilespmem:s7], [sflag:$0x1] =	stream.indirect_vreg.gather [hbm4b:s5+s2], $0x80, v4, vm0, $0xb8;
	[tilespmem:$0x14400] =	vst v63  }
0x4f: {  	s4 =	rddreg [dreg:$0xa]  }
0x50: {  	[tilespmem:s4], [sflag:$0x1] =	stream.indirect_vreg.gather [hbm4b:s6+s2], $0x80, v4, vm1, $0xb8;
	[tilespmem:$0x14400] =	vst v63  }
0x51: {  	s7 =	rddreg [dreg:$0xb]  }
0x52: {  	[tilespmem:s7], [sflag:$0x1] =	stream.indirect_vreg.gather [hbm4b:s3+s2], $0x80, v3, vm0, $0xb8;
	[tilespmem:$0x14400] =	vst v63  }
0x53: {  	s4 =	rddreg [dreg:$0xc]  }
0x54: {  	[tilespmem:s4], [sflag:$0x1] =	stream.indirect_vreg.gather [hbm4b:s5+s2], $0x80, v3, vm0, $0xb8;
	[tilespmem:$0x14400] =	vst v63  }
0x55: {  	s7 =	rddreg [dreg:$0xd]  }
0x56: {  	[tilespmem:s7], [sflag:$0x1] =	stream.indirect_vreg.gather [hbm4b:s6+s2], $0x80, v3, vm1, $0xb8;
	[tilespmem:$0x14400] =	vst v63  }
0x57: {  	v3 =	vld [tilespmem:s1+$0xFFFFFFE0];
	_ =	sdelay $0x4  }
0x58: {  	v58 =	vshrl.u32 v3, $0x3  }
0x59: {  	v4 =	vmul.u32 $0x28, v58  }
0x5a: {  	v3 =	vand.u32 $0x7, v3  }
0x5b: {  	v3 =	vor.u32 v3, v4  }
0x5c: {  	v4 =	vperm.xlane v3, v0;
	_ =	sdelay $0x1  }
0x5d: {  	v4 =	vadd.s32 v1, v4;
	_ =	sdelay $0x3  }
0x5e: {  	s4 =	rddreg [dreg:$0xe];
	v3 =	vperm.xlane v3, v2  }
0x5f: {  	[tilespmem:s4], [sflag:$0x1] =	stream.indirect_vreg.gather [hbm4b:s3+s2], $0x80, v4, vm0, $0xb8;
	[tilespmem:$0x14400] =	vst v63  }
0x60: {  	s7 =	rddreg [dreg:$0xf];
	v3 =	vadd.s32 v1, v3  }
0x61: {  	[tilespmem:s7], [sflag:$0x1] =	stream.indirect_vreg.gather [hbm4b:s5+s2], $0x80, v4, vm0, $0xb8;
	[tilespmem:$0x14400] =	vst v63  }
0x62: {  	s4 =	rddreg [dreg:$0x10]  }
0x63: {  	[tilespmem:s4], [sflag:$0x1] =	stream.indirect_vreg.gather [hbm4b:s6+s2], $0x80, v4, vm1, $0xb8;
	[tilespmem:$0x14400] =	vst v63  }
0x64: {  	s7 =	rddreg [dreg:$0x11]  }
0x65: {  	[tilespmem:s7], [sflag:$0x1] =	stream.indirect_vreg.gather [hbm4b:s3+s2], $0x80, v3, vm0, $0xb8;
	[tilespmem:$0x14400] =	vst v63  }
0x66: {  	s4 =	rddreg [dreg:$0x12]  }
0x67: {  	[tilespmem:s4], [sflag:$0x1] =	stream.indirect_vreg.gather [hbm4b:s5+s2], $0x80, v3, vm0, $0xb8;
	[tilespmem:$0x14400] =	vst v63  }
0x68: {  	s7 =	rddreg [dreg:$0x13]  }
0x69: {  	[tilespmem:s7], [sflag:$0x1] =	stream.indirect_vreg.gather [hbm4b:s6+s2], $0x80, v3, vm1, $0xb8;
	[tilespmem:$0x14400] =	vst v63  }
0x6a: {  	v3 =	vld [tilespmem:s1+$0xFFFFFFF0];
	_ =	sdelay $0x4  }
0x6b: {  	v59 =	vshrl.u32 v3, $0x3  }
0x6c: {  	v4 =	vmul.u32 $0x28, v59  }
0x6d: {  	v3 =	vand.u32 $0x7, v3  }
0x6e: {  	v3 =	vor.u32 v3, v4  }
0x6f: {  	v4 =	vperm.xlane v3, v0;
	_ =	sdelay $0x1  }
0x70: {  	v4 =	vadd.s32 v1, v4;
	_ =	sdelay $0x3  }
0x71: {  	s4 =	rddreg [dreg:$0x14];
	v3 =	vperm.xlane v3, v2  }
0x72: {  	[tilespmem:s4], [sflag:$0x1] =	stream.indirect_vreg.gather [hbm4b:s3+s2], $0x80, v4, vm0, $0xb8;
	[tilespmem:$0x14400] =	vst v63  }
0x73: {  	s7 =	rddreg [dreg:$0x15];
	v3 =	vadd.s32 v1, v3  }
0x74: {  	[tilespmem:s7], [sflag:$0x1] =	stream.indirect_vreg.gather [hbm4b:s5+s2], $0x80, v4, vm0, $0xb8;
	[tilespmem:$0x14400] =	vst v63  }
0x75: {  	s4 =	rddreg [dreg:$0x16]  }
0x76: {  	[tilespmem:s4], [sflag:$0x1] =	stream.indirect_vreg.gather [hbm4b:s6+s2], $0x80, v4, vm1, $0xb8;
	[tilespmem:$0x14400] =	vst v63  }
0x77: {  	s7 =	rddreg [dreg:$0x17]  }
0x78: {  	[tilespmem:s7], [sflag:$0x1] =	stream.indirect_vreg.gather [hbm4b:s3+s2], $0x80, v3, vm0, $0xb8;
	[tilespmem:$0x14400] =	vst v63  }
0x79: {  	s4 =	rddreg [dreg:$0x18]  }
0x7a: {  	[tilespmem:s4], [sflag:$0x1] =	stream.indirect_vreg.gather [hbm4b:s5+s2], $0x80, v3, vm0, $0xb8;
	[tilespmem:$0x14400] =	vst v63  }
0x7b: {  	s7 =	rddreg [dreg:$0x19]  }
0x7c: {  	[tilespmem:s7], [sflag:$0x1] =	stream.indirect_vreg.gather [hbm4b:s6+s2], $0x80, v3, vm1, $0xb8;
	[tilespmem:$0x14400] =	vst v63  }
0x7d: {  	v3 =	vld [tilespmem:s1+$0x0];
	_ =	sdelay $0x4  }
0x7e: {  	v60 =	vshrl.u32 v3, $0x3  }
0x7f: {  	v4 =	vmul.u32 $0x28, v60  }
0x80: {  	v3 =	vand.u32 $0x7, v3  }
0x81: {  	v3 =	vor.u32 v3, v4  }
0x82: {  	v4 =	vperm.xlane v3, v0;
	_ =	sdelay $0x1  }
0x83: {  	v4 =	vadd.s32 v1, v4;
	_ =	sdelay $0x3  }
0x84: {  	s4 =	rddreg [dreg:$0x1a];
	v3 =	vperm.xlane v3, v2  }
0x85: {  	[tilespmem:s4], [sflag:$0x1] =	stream.indirect_vreg.gather [hbm4b:s3+s2], $0x80, v4, vm0, $0xb8;
	[tilespmem:$0x14400] =	vst v63  }
0x86: {  	s7 =	rddreg [dreg:$0x1b];
	v3 =	vadd.s32 v1, v3  }
0x87: {  	[tilespmem:s7], [sflag:$0x1] =	stream.indirect_vreg.gather [hbm4b:s5+s2], $0x80, v4, vm0, $0xb8;
	[tilespmem:$0x14400] =	vst v63  }
0x88: {  	s4 =	rddreg [dreg:$0x1c]  }
0x89: {  	[tilespmem:s4], [sflag:$0x1] =	stream.indirect_vreg.gather [hbm4b:s6+s2], $0x80, v4, vm1, $0xb8;
	[tilespmem:$0x14400] =	vst v63  }
0x8a: {  	s7 =	rddreg [dreg:$0x1d]  }
0x8b: {  	[tilespmem:s7], [sflag:$0x1] =	stream.indirect_vreg.gather [hbm4b:s3+s2], $0x80, v3, vm0, $0xb8;
	[tilespmem:$0x14400] =	vst v63  }
0x8c: {  	s4 =	rddreg [dreg:$0x1e]  }
0x8d: {  	[tilespmem:s4], [sflag:$0x1] =	stream.indirect_vreg.gather [hbm4b:s5+s2], $0x80, v3, vm0, $0xb8;
	[tilespmem:$0x14400] =	vst v63  }
0x8e: {  	_ = 	snop  }
0x8f: {  	[tilespmem:s10], [sflag:$0x1] =	stream.indirect_vreg.gather [hbm4b:s6+s2], $0x80, v3, vm1, $0xb8;
	[tilespmem:$0x14400] =	vst v63  }
0x90: {  	v3 =	vld [tilespmem:s1+$0x10];
	_ =	sdelay $0x4  }
0x91: {  	v61 =	vshrl.u32 v3, $0x3  }
0x92: {  	v4 =	vmul.u32 $0x28, v61  }
0x93: {  	v3 =	vand.u32 $0x7, v3  }
0x94: {  	v3 =	vor.u32 v3, v4  }
0x95: {  	v4 =	vperm.xlane v3, v0;
	_ =	sdelay $0x1  }
0x96: {  	v4 =	vadd.s32 v1, v4;
	_ =	sdelay $0x3  }
0x97: {  	v3 =	vperm.xlane v3, v2  }
0x98: {  	[tilespmem:s11], [sflag:$0x1] =	stream.indirect_vreg.gather [hbm4b:s3+s2], $0x80, v4, vm0, $0xb8;
	[tilespmem:$0x14400] =	vst v63  }
0x99: {  	v3 =	vadd.s32 v1, v3  }
0x9a: {  	[tilespmem:s12], [sflag:$0x1] =	stream.indirect_vreg.gather [hbm4b:s5+s2], $0x80, v4, vm0, $0xb8;
	[tilespmem:$0x14400] =	vst v63  }
0x9b: {  	_ = 	snop  }
0x9c: {  	[tilespmem:s13], [sflag:$0x1] =	stream.indirect_vreg.gather [hbm4b:s6+s2], $0x80, v4, vm1, $0xb8;
	[tilespmem:$0x14400] =	vst v63  }
0x9d: {  	_ = 	snop  }
0x9e: {  	[tilespmem:s14], [sflag:$0x1] =	stream.indirect_vreg.gather [hbm4b:s3+s2], $0x80, v3, vm0, $0xb8;
	[tilespmem:$0x14400] =	vst v63  }
0x9f: {  	_ = 	snop  }
0xa0: {  	[tilespmem:s15], [sflag:$0x1] =	stream.indirect_vreg.gather [hbm4b:s5+s2], $0x80, v3, vm0, $0xb8;
	[tilespmem:$0x14400] =	vst v63  }
0xa1: {  	_ = 	snop  }
0xa2: {  	[tilespmem:s16], [sflag:$0x1] =	stream.indirect_vreg.gather [hbm4b:s6+s2], $0x80, v3, vm1, $0xb8;
	[tilespmem:$0x14400] =	vst v63  }
0xa3: {  	v3 =	vld [tilespmem:s1+$0x20];
	_ =	sdelay $0x4  }
0xa4: {  	v62 =	vshrl.u32 v3, $0x3  }
0xa5: {  	v4 =	vmul.u32 $0x28, v62  }
0xa6: {  	v3 =	vand.u32 $0x7, v3  }
0xa7: {  	v3 =	vor.u32 v3, v4  }
0xa8: {  	v4 =	vperm.xlane v3, v0;
	_ =	sdelay $0x1  }
0xa9: {  	v4 =	vadd.s32 v1, v4;
	_ =	sdelay $0x3  }
0xaa: {  	v3 =	vperm.xlane v3, v2  }
0xab: {  	[tilespmem:s17], [sflag:$0x1] =	stream.indirect_vreg.gather [hbm4b:s3+s2], $0x80, v4, vm0, $0xb8;
	[tilespmem:$0x14400] =	vst v63  }
0xac: {  	v3 =	vadd.s32 v1, v3  }
0xad: {  	[tilespmem:s18], [sflag:$0x1] =	stream.indirect_vreg.gather [hbm4b:s5+s2], $0x80, v4, vm0, $0xb8;
	[tilespmem:$0x14400] =	vst v63  }
0xae: {  	_ = 	snop  }
0xaf: {  	[tilespmem:s19], [sflag:$0x1] =	stream.indirect_vreg.gather [hbm4b:s6+s2], $0x80, v4, vm1, $0xb8;
	[tilespmem:$0x14400] =	vst v63  }
0xb0: {  	_ = 	snop  }
0xb1: {  	[tilespmem:s20], [sflag:$0x1] =	stream.indirect_vreg.gather [hbm4b:s3+s2], $0x80, v3, vm0, $0xb8;
	[tilespmem:$0x14400] =	vst v63  }
0xb2: {  	_ = 	snop  }
0xb3: {  	[tilespmem:s21], [sflag:$0x1] =	stream.indirect_vreg.gather [hbm4b:s5+s2], $0x80, v3, vm0, $0xb8;
	[tilespmem:$0x14400] =	vst v63  }
0xb4: {  	_ = 	snop  }
0xb5: {  	[tilespmem:s22], [sflag:$0x1] =	stream.indirect_vreg.gather [hbm4b:s6+s2], $0x80, v3, vm1, $0xb8;
	[tilespmem:$0x14400] =	vst v63  }
0xb6: {  	v3 =	vld [tilespmem:s1+$0x30];
	_ =	sdelay $0x4  }
0xb7: {  	v63 =	vshrl.u32 v3, $0x3  }
0xb8: {  	v4 =	vmul.u32 $0x28, v63  }
0xb9: {  	v3 =	vand.u32 $0x7, v3  }
0xba: {  	v3 =	vor.u32 v3, v4  }
0xbb: {  	v4 =	vperm.xlane v3, v0;
	_ =	sdelay $0x1  }
0xbc: {  	v4 =	vadd.s32 v1, v4;
	_ =	sdelay $0x3  }
0xbd: {  	v3 =	vperm.xlane v3, v2  }
0xbe: {  	[tilespmem:s23], [sflag:$0x1] =	stream.indirect_vreg.gather [hbm4b:s3+s2], $0x80, v4, vm0, $0xb8;
	[tilespmem:$0x14400] =	vst v63  }
0xbf: {  	v3 =	vadd.s32 v1, v3  }
0xc0: {  	[tilespmem:s24], [sflag:$0x1] =	stream.indirect_vreg.gather [hbm4b:s5+s2], $0x80, v4, vm0, $0xb8;
	[tilespmem:$0x14400] =	vst v63  }
0xc1: {  	_ = 	snop  }
0xc2: {  	[tilespmem:s25], [sflag:$0x1] =	stream.indirect_vreg.gather [hbm4b:s6+s2], $0x80, v4, vm1, $0xb8;
	[tilespmem:$0x14400] =	vst v63  }
0xc3: {  	_ = 	snop  }
0xc4: {  	[tilespmem:s26], [sflag:$0x1] =	stream.indirect_vreg.gather [hbm4b:s3+s2], $0x80, v3, vm0, $0xb8;
	[tilespmem:$0x14400] =	vst v63  }
0xc5: {  	_ = 	snop  }
0xc6: {  	[tilespmem:s28], [sflag:$0x1] =	stream.indirect_vreg.gather [hbm4b:s5+s2], $0x80, v3, vm0, $0xb8;
	[tilespmem:$0x14400] =	vst v63  }
0xc7: {  	_ = 	snop  }
0xc8: {  	[tilespmem:s29], [sflag:$0x1] =	stream.indirect_vreg.gather [hbm4b:s6+s2], $0x80, v3, vm1, $0xb8;
	[tilespmem:$0x14400] =	vst v63  }
0xc9: {  	_ =	swait.ge [sflag:s30], $0x14000  }
0xca: {  	p0 =	sne.s32 s0, $0x11800;
	s7 =	rddreg [dreg:$0x2];
	[sflag:s30] =	ssyncset.done $0x0  }
.Ltmp0:
0xcb: {  	[sflag:s30] =	ssyncadd.s32 $0xFFFEC000;
	s4 =	sadd.s32 s0, s7;
	(pc) =	sbr.rel @p0 .LBB2_2-.Ltmp0, $4  }
0xcc: {  	[hbm4b:s4+s2] =	stream.linear.scatter [tilespmem:s9], [sflag:$0x2], $0x14000, $0x38;
	[tilespmem:$0x14400] =	vst v63  }
0xcd: {  	_ =	swait.ge [sflag:s8], $0x14000  }
0xce: {  	[sflag:s8] =	ssyncset.done $0x0  }
0xcf: {  	s1 =	sadd.s32 $0x80, s1;
	s0 =	sadd.s32 $0x2800, s0;
	[sflag:s8] =	ssyncadd.s32 $0xFFFEC000  }
0xd0: {  	s0 =	sld [smem:$0x7FD];
	_ =	sdelay $0x1  }
0xd1: {  	s31 =	sadd.s32 $0x1, s31  }
0xd2: {  	p0 =	sne.s32 s31, s0  }
.Ltmp1:
0xd3: {  	_ = 	snop;
	(pc) =	sbr.rel @p0 .LBB2_1-.Ltmp1, $1  }
0xd4: {  	_ =	sdelay $0x3  }
0xd5: {  	_ =	sfence.sel $0x180000  }
0xd6: {  	[bflag:$0x0] =	sbarrier.arrive $0xFFFF  }
0xd7: {  	_ =	strace $0x90000047  }
0xd8: {  	s0 =	stileid.u32;
	[bflag:$0x2] =	sbarrier.arrive $0xFFFF  }
0xd9: {  	p0 =	sne.s32 s0, $0x0;
	s0 =	rddreg [dreg:$0x1]  }
0xda: {  	s0 =	sadd.s32 @!p0 $0x100000, s0  }
0xdb: {  	[sflag:s0] =	ssyncadd.tile.s32 @!p0 $0x1;
	_ =	shalt  }
.Lfunc_end2:
_tile_overlayer_lowered:
.L_overlay_start_2:
0xdc: {  	(tag) =	ssettag $0x2  }
0xdd: {  	s0 =	rddreg [dreg:$0x0];
	s2 =	stileid.u32  }
0xde: {  	s1 =	rddreg [dreg:$0x1];
	p0 =	sne.s32 s2, $0x0  }
0xdf: {  	s3 =	rddreg [dreg:$0x2];
	[bflag:$0x3] =	sbarrier.arrive $0xFFFF;
	s2 =	simm.s32 @!p0 $0x1C02  }
0xe0: {  	[timem:s3], [sflag:s2] =	dma.local @!p0 [hbm:s0], s1  }
0xe1: {  	s0 =	simm.s32 @!p0 $0x2  }
0xe2: {  	_ =	swait.ge @!p0 [sflag:s0], s1  }
0xe3: {  	s1 =	ssub.s32 @!p0 $0x0, s1;
	[sflag:s0] =	ssyncset.done @!p0 $0x0  }
0xe4: {  	[sflag:s0] =	ssyncadd.s32 @!p0 s1  }
0xe5: {  	[bflag:$0x3] =	sbarrier.arrive $0xFFFF  }
0xe6: {  	_ =	shalt  }

// kernel: kernel.17.cloned.1.call-start
scs
__scs_entry_jumppad:
0x0: {  	(pc) =	sbr.rel $0x88, $3  }
0x1: {  	(tag) =	ssettag $0x0;
	lr =	simm.s32 $0x1  }
0x2: {  	[smem:$0x3F93] =	sst lr;
	_ =	strace $0xD0000000  }
0x3: {  	_ = 	snop  }
0x4: {  	_ = 	snop  }
0x5: {  	_ = 	snop  }
0x6: {  	_ = 	snop  }
0x7: {  	_ = 	snop  }
__scs_overlays_trampoline_lowered:
0x8: {  	[smem:$0x3FA2] =	sst s0  }
0x9: {  	[smem:$0x3FA3] =	sst s1  }
0xa: {  	[smem:$0x3FA4] =	sst s2  }
0xb: {  	[smem:$0x3FA5] =	sst s3  }
0xc: {  	[smem:$0x3FA6] =	sst s4  }
0xd: {  	[smem:$0x3FA7] =	sst s5  }
0xe: {  	[smem:$0x3FA8] =	sst s6  }
0xf: {  	[smem:$0x3FA9] =	sst s7  }
0x10: {  	[smem:$0x3FAA] =	sst s8  }
0x11: {  	[smem:$0x3FAB] =	sst s9;
	s0 =	simm.s32 @!p0 $0x0  }
0x12: {  	s1 =	sld [smem:$0x3F91];
	s0 =	simm.s32 @p0 $0x1  }
0x13: {  	[smem:$0x3FAC] =	sst s0;
	s0 =	simm.s32 @!p1 $0x0  }
0x14: {  	s2 =	sld [smem:$0x3F90];
	s0 =	simm.s32 @p1 $0x1  }
0x15: {  	[smem:$0x3FAD] =	sst s0;
	s0 =	simm.s32 @!p2 $0x0  }
0x16: {  	s3 =	sld [smem:$0x3FDB];
	s0 =	simm.s32 @p2 $0x1  }
0x17: {  	s4 =	simm.s32 $0x1BF5;
	[smem:$0x3FAF] =	sst s0  }
0x18: {  	s0 =	sld [smem:$0x3F92];
	_ =	swait.ge [sflag:s4], $0x0  }
0x19: {  	s7 =	sld [smem:$0x3F93]  }
0x1a: {  	s8 =	sadd.s32 $0xFFFFE003, lr  }
0x1b: {  	s9 =	sadd.s32 $0xFFFFFEF7, lr;
	s5 =	simm.s32 $0xFFFFFFFF;
	p2 =	slt.u32 s8, $0xFFFFF086  }
0x1c: {  	p1 =	slt.u32 s9, $0xF7A;
	s5 =	simm.s32 @!p2 $0x0  }
0x1d: {  	s5 =	simm.s32 @p1 $0x1;
	p0 =	seq.s32 s7, s2  }
0x1e: {  	s7 =	smul.u32 @!p0 $0xF7A, s2;
	p2 =	seq.s32 @!p0 s5, $0x0  }
0x1f: {  	s9 =	smul.u32 $0xF7A, s1;
	s8 =	simm.s32 @!p0 $0x1BF5;
	p2 =	por !p2, p0  }
0x20: {  	[sflag:s8] =	ssyncset.s32 @!p0 $0xFFFFF086;
	s6 =	sadd.s32 @!p0 s3, s7;
	s7 =	simm.s32 @!p0 $0x108  }
0x21: {  	s3 =	sadd.s32 s3, s9;
	s6 =	sadd.s32 @!p0 $0x88, s6;
	s7 =	simm.s32 @p2 $0x1082  }
0x22: {  	[simem:s7], [sflag:s8] =	dma.local @!p0 [hbm:s6], $0xF7A  }
0x23: {  	s9 =	sor.u32 $0xD0000000, s2;
	s6 =	simm.s32 $0x108;
	_ =	swait.ge @!p0 [sflag:s8], $0x0  }
0x24: {  	s3 =	sadd.s32 $0x88, s3;
	s6 =	simm.s32 @!p1 $0x1082;
	[sflag:s4] =	ssyncset.s32 $0xFFFFF086  }
0x25: {  	[simem:s6], [sflag:s4] =	dma.local [hbm:s3], $0xF7A  }
0x26: {  	[smem:$0x3F93] =	sst s1;
	(tag) =	ssettag s2;
	_ =	strace s9  }
0x27: {  	s1 =	sld [smem:$0x3FA3]  }
0x28: {  	s2 =	sld [smem:$0x3FA4]  }
0x29: {  	s4 =	sld [smem:$0x3FA6]  }
0x2a: {  	p0 =	seq.s32 s5, $0x0;
	s5 =	sld [smem:$0x3FA7]  }
0x2b: {  	s6 =	sld [smem:$0x3FA8]  }
0x2c: {  	s7 =	sld [smem:$0x3FA9]  }
0x2d: {  	s3 =	simm.s32 $0x108;
	s8 =	sld [smem:$0x3FAA]  }
0x2e: {  	s3 =	simm.s32 @!p0 $0x1082;
	s9 =	sld [smem:$0x3FAB]  }
0x2f: {  	lr =	sadd.s32 s0, s3;
	s0 =	sld [smem:$0x3FA2]  }
0x30: {  	s3 =	sld [smem:$0x3FA5]  }
0x31: {  	[smem:$0x3FAE] =	sst s10  }
0x32: {  	s10 =	sld [smem:$0x3FAC];
	_ =	sdelay $0x3  }
0x33: {  	p0 =	seq.s32 s10, $0x1;
	s10 =	sld [smem:$0x3FAE];
	_ =	sdelay $0x3  }
0x34: {  	[smem:$0x3FAE] =	sst s10  }
0x35: {  	s10 =	sld [smem:$0x3FAD];
	_ =	sdelay $0x3  }
0x36: {  	p1 =	seq.s32 s10, $0x1;
	s10 =	sld [smem:$0x3FAE];
	_ =	sdelay $0x3  }
0x37: {  	[smem:$0x3FAE] =	sst s10  }
0x38: {  	s10 =	sld [smem:$0x3FAF]  }
0x39: {  	_ = 	snop;
	(pc) =	sbr.ind lr, $3  }
0x3a: {  	_ = 	snop  }
0x3b: {  	_ = 	snop  }
0x3c: {  	p2 =	seq.s32 s10, $0x1;
	s10 =	sld [smem:$0x3FAE]  }
0x3d: {  	_ =	shalt  }
0x3e: {  	_ =	shalt  }
0x3f: {  	_ =	shalt  }
0x40: {  	_ =	shalt  }
0x41: {  	_ =	shalt  }
0x42: {  	_ =	shalt  }
0x43: {  	_ =	shalt  }
0x44: {  	_ =	shalt  }
0x45: {  	_ =	shalt  }
0x46: {  	_ =	shalt  }
0x47: {  	_ =	shalt  }
0x48: {  	_ =	shalt  }
0x49: {  	_ =	shalt  }
0x4a: {  	_ =	shalt  }
0x4b: {  	_ =	shalt  }
0x4c: {  	_ =	shalt  }
0x4d: {  	_ =	shalt  }
0x4e: {  	_ =	shalt  }
0x4f: {  	_ =	shalt  }
0x50: {  	_ =	shalt  }
0x51: {  	_ =	shalt  }
0x52: {  	_ =	shalt  }
0x53: {  	_ =	shalt  }
0x54: {  	_ =	shalt  }
0x55: {  	_ =	shalt  }
0x56: {  	_ =	shalt  }
0x57: {  	_ =	shalt  }
0x58: {  	_ =	shalt  }
0x59: {  	_ =	shalt  }
0x5a: {  	_ =	shalt  }
0x5b: {  	_ =	shalt  }
0x5c: {  	_ =	shalt  }
0x5d: {  	_ =	shalt  }
0x5e: {  	_ =	shalt  }
0x5f: {  	_ =	shalt  }
0x60: {  	_ =	shalt  }
0x61: {  	_ =	shalt  }
0x62: {  	_ =	shalt  }
0x63: {  	_ =	shalt  }
0x64: {  	_ =	shalt  }
0x65: {  	_ =	shalt  }
0x66: {  	_ =	shalt  }
0x67: {  	_ =	shalt  }
0x68: {  	_ =	shalt  }
0x69: {  	_ =	shalt  }
0x6a: {  	_ =	shalt  }
0x6b: {  	_ =	shalt  }
0x6c: {  	_ =	shalt  }
0x6d: {  	_ =	shalt  }
0x6e: {  	_ =	shalt  }
0x6f: {  	_ =	shalt  }
0x70: {  	_ =	shalt  }
0x71: {  	_ =	shalt  }
0x72: {  	_ =	shalt  }
0x73: {  	_ =	shalt  }
0x74: {  	_ =	shalt  }
0x75: {  	_ =	shalt  }
0x76: {  	_ =	shalt  }
0x77: {  	_ =	shalt  }
0x78: {  	_ =	shalt  }
0x79: {  	_ =	shalt  }
0x7a: {  	_ =	shalt  }
0x7b: {  	_ =	shalt  }
0x7c: {  	_ =	shalt  }
0x7d: {  	_ =	shalt  }
0x7e: {  	_ =	shalt  }
0x7f: {  	_ =	shalt  }
0x80: {  	_ =	shalt  }
0x81: {  	_ =	shalt  }
0x82: {  	_ =	shalt  }
0x83: {  	_ =	shalt  }
0x84: {  	_ =	shalt  }
0x85: {  	_ =	shalt  }
0x86: {  	_ =	shalt  }
0x87: {  	_ =	shalt  }
.Lfunc_end0:
.L_simem_size_0:
called_computation.1_lowered:
.L_overlay_start_0:
0x88: {  	s2 =	sld [smem:$0x3FD9]  }
0x89: {  	s3 =	sld [smem:$0x3FFE];
	_ =	sdelay $0x1  }
0x8a: {  	s1 =	srdreg.scid  }
0x8b: {  	s0 =	sand.u32 $0x1, s1  }
0x8c: {  	s17 =	sshll.u32 s0, $0xA;
	s2 =	sadd.s32 s3, s2  }
0x8d: {  	s2 =	sadd.s32 s2, s17  }
0x8e: {  	[smem:$0x3FBA] =	sst s2  }
0x8f: {  	_ = 	snop  }
0x90: {  	(tm) =	ssettm $0x1  }
0x91: {  	s18 =	sld [smem:$0x3FFB];
	_ =	sdelay $0x3  }
0x92: {  	_ =	strace s18  }
0x93: {  	s2 =	sld [smem:$0x3FFC];
	_ =	sdelay $0x3  }
0x94: {  	_ =	strace s2  }
0x95: {  	s2 =	sld [smem:$0x3FFD];
	_ =	sdelay $0x3  }
0x96: {  	_ =	strace s2  }
0x97: {  	_ =	strace $0x8FFFFFFF  }
0x98: {  	s19 =	sld [smem:$0x3FDB];
	_ =	sdelay $0x1  }
0x99: {  	s20 =	simm.s32 $_scs_section_size  }
0x9a: {  	s4 =	simm.s32 $_size__tile_overlayer_lowered;
	s5 =	simm.s32 $_tile_overlayer_lowered  }
0x9b: {  	s6 =	simm.s32 $0x1BFF;
	s21 =	sshll.u32 s5, $0x1;
	s3 =	sadd.s32 s20, s19  }
0x9c: {  	s22 =	simm.s32 $0x0;
	s4 =	sshll.u32 s4, $0x1;
	s5 =	sadd.s32 s21, s3  }
0x9d: {  	[timem:s22], [sflag:s6] =	dma.local [hbm:s5], s4  }
0x9e: {  	_ =	swait.ge [sflag:s6], s4  }
0x9f: {  	s4 =	ssub.s32 $0x0, s4;
	[sflag:s6] =	ssyncset.done $0x0  }
0xa0: {  	[sflag:s6] =	ssyncadd.s32 s4;
	_ =	sdelay $0x1  }
0xa1: {  	s23 =	simm.s32 $0x1B8B  }
0xa2: {  	_ =	swait.ge [sflag:s23], $0x1  }
0xa3: {  	[sflag:s23] =	ssyncset.done $0x0  }
0xa4: {  	[sflag:s23] =	ssyncadd.s32 $0xFFFFFFFF  }
0xa5: {  	s4 =	sld [smem:$0x0]  }
0xa6: {  	s5 =	sand.u32 $0xFFFFFFFE, s1  }
0xa7: {  	p0 =	sne.s32 s1, s5  }
0xa8: {  	s5 =	sshll.u32 @p0 s5, $0xE  }
0xa9: {  	s5 =	sadd.s32 @p0 $0x11B8D, s5;
	s6 =	sshll.u32 @p0 s4, $0x11  }
0xaa: {  	s5 =	sor.u32 @p0 s6, s5  }
0xab: {  	[sflag:s5] =	ssyncadd.remote.s32 @p0 $0x1;
	_ =	sdelay $0x1  }
0xac: {  	s5 =	simm.s32 @p0 $0x1B8D  }
0xad: {  	_ =	swait.eq @p0 [sflag:s5], $0x1  }
0xae: {  	[sflag:s5] =	ssyncadd.s32 @p0 $0xFFFFFFFF  }
0xaf: {  	s6 =	sshll.u32 @!p0 s1, $0xE  }
0xb0: {  	s6 =	sor.u32 @!p0 $0x4000, s6;
	s5 =	simm.s32 @!p0 $0x1B8D  }
0xb1: {  	s4 =	sshll.u32 @!p0 s4, $0x11;
	s6 =	sadd.s32 @!p0 $0x11B8D, s6;
	_ =	swait.eq @!p0 [sflag:s5], $0x1  }
0xb2: {  	s4 =	sor.u32 @!p0 s4, s6;
	[sflag:s5] =	ssyncadd.s32 @!p0 $0xFFFFFFFF  }
0xb3: {  	s25 =	simm.s32 $0x1B8E;
	s24 =	sld [smem:$0x3FFE];
	[sflag:s4] =	ssyncadd.remote.s32 @!p0 $0x1  }
0xb4: {  	s26 =	simm.s32 $execute0_lowered;
	[smem:$0x3FD2] =	sst s25  }
0xb5: {  	s5 =	sshll.u32 s26, $0x1;
	_ =	strace $0x80000049;
	[dreg:$0x1] =	wrdreg $0xFFFFFFFF  }
0xb6: {  	s28 =	simm.s32 $_size_execute0_lowered;
	s3 =	sadd.s32 s3, s5;
	[dreg:$0x0] =	wrdreg $0x0  }
0xb7: {  	s5 =	sshll.u32 s28, $0x1;
	[dreg:$0x2] =	wrdreg s3  }
0xb8: {  	[dreg:$0x3] =	wrdreg s5  }
0xb9: {  	[dreg:$0x4] =	wrdreg $0xC0  }
0xba: {  	_ =	task [dreg:s22], $0x5FFFF  }
0xbb: {  	[dreg:$0x1] =	wrdreg $0xFFFFFFFF  }
0xbc: {  	[dreg:$0x0] =	wrdreg $0x60  }
0xbd: {  	[dreg:$0x2] =	wrdreg s24  }
0xbe: {  	[dreg:$0x3] =	wrdreg $0xA  }
0xbf: {  	_ =	task.clear_ibuf [dreg:s22], $0x4FFFF;
	_ =	strace $0x90000049  }
0xc0: {  	s29 =	simm.s32 $0xA;
	_ =	strace $0x8000004B  }
0xc1: {  	_ =	swait.ge [sflag:s29], $0x1  }
0xc2: {  	[sflag:s29] =	ssyncadd.s32 $0xFFFFFFFF  }
0xc3: {  	_ =	strace $0x9000004B  }
0xc4: {  	_ =	sfence  }
0xc5: {  	s30 =	sld [smem:$0x0];
	_ =	sdelay $0x2  }
0xc6: {  	s31 =	sshll.u32 s1, $0xD;
	s1 =	sshrl.u32 s1, $0x2  }
0xc7: {  	s4 =	sand.u32 $0x4000, s31;
	s1 =	sadd.s32 s1, s30  }
0xc8: {  	s0 =	sor.u32 s4, s0;
	s1 =	sshll.u32 s1, $0x11  }
0xc9: {  	s0 =	sor.u32 s1, s0  }
0xca: {  	s0 =	sadd.s32 $0x8F2B, s0  }
0xcb: {  	[sflag:s0] =	ssyncadd.remote.s32 $0x1  }
0xcc: {  	_ =	sfence.sel $0xFFFF  }
0xcd: {  	[dreg:$0x0] =	wrdreg $0xFFFFFFFF;
	(pc) =	sbr.abs _section_cstart, $3  }
0xce: {  	[dreg:$0x1] =	wrdreg $0xFFFFFFFF  }
0xcf: {  	_ =	task.clear_ibuf [dreg:s22], $0x2FFFF;
	_ =	strace $0x9FFFFFFF  }
0xd0: {  	(tm) =	ssettm $0x7FFFFFFF  }
0xd1: {  	_ =	shalt  }
tec
execute0_lowered:
.L_overlay_start_1:
0x0: {  	(tag) =	ssettag $0x1  }
0x1: {  	s0 =	srdreg.scid  }
0x2: {  	s4 =	stileid.u32;
	s1 =	sand.u32 $0x1, s0  }
0x3: {  	s21 =	sshll.u32 s4, $0xB;
	s2 =	sshll.u32 s1, $0xA  }
0x4: {  	s0 =	sor.u32 s2, s21  }
0x5: {  	s2 =	sshrl.u32 s0, $0x3  }
0x6: {  	s0 =	rddreg [dreg:$0x0];
	s3 =	smul.u32 $0x280, s2;
	s2 =	simm.s32 $0x0  }
0x7: {  	s22 =	simm.s32 $0xC00;
	[smem:$0x7FF] =	sst s2  }
0x8: {  	s23 =	simm.s32 $0x1400;
	_ =	strace $0x8000004A;
	[dreg:$0x3] =	wrdreg s22  }
0x9: {  	s24 =	simm.s32 $0x1800;
	[dreg:$0x4] =	wrdreg s23  }
0xa: {  	s25 =	simm.s32 $0x2000;
	[dreg:$0x5] =	wrdreg s24  }
0xb: {  	s26 =	simm.s32 $0x2800;
	[dreg:$0x6] =	wrdreg s25  }
0xc: {  	s5 =	simm.s32 $0x2C00;
	[dreg:$0x7] =	wrdreg s26  }
0xd: {  	s6 =	simm.s32 $0x3400;
	[dreg:$0x8] =	wrdreg s5  }
0xe: {  	s7 =	simm.s32 $0x3C00;
	[dreg:$0x9] =	wrdreg s6  }
0xf: {  	s8 =	simm.s32 $0x4000;
	[dreg:$0xa] =	wrdreg s7  }
0x10: {  	s9 =	simm.s32 $0x4800;
	[dreg:$0xb] =	wrdreg s8  }
0x11: {  	s10 =	simm.s32 $0x5000;
	[dreg:$0xc] =	wrdreg s9  }
0x12: {  	s11 =	simm.s32 $0x5400;
	[dreg:$0xd] =	wrdreg s10  }
0x13: {  	s12 =	simm.s32 $0x5C00;
	[dreg:$0xe] =	wrdreg s11  }
0x14: {  	s13 =	simm.s32 $0x6400;
	[dreg:$0xf] =	wrdreg s12  }
0x15: {  	s14 =	simm.s32 $0x6800;
	s15 =	simm.s32 $0x7000;
	[dreg:$0x10] =	wrdreg s13  }
0x16: {  	s16 =	simm.s32 $0x7800;
	s17 =	simm.s32 $0x7C00;
	[dreg:$0x11] =	wrdreg s14  }
0x17: {  	s18 =	simm.s32 $0x8400;
	s19 =	simm.s32 $0x8C00;
	[dreg:$0x12] =	wrdreg s15  }
0x18: {  	s20 =	simm.s32 $0x9000;
	s28 =	simm.s32 $0x13800;
	[dreg:$0x13] =	wrdreg s16  }
0x19: {  	s29 =	simm.s32 $0x14000;
	s30 =	simm.s32 $0x1;
	[dreg:$0x14] =	wrdreg s17  }
0x1a: {  	s31 =	simm.s32 $0x0;
	s4 =	sshll.u32 s4, $0x8;
	[dreg:$0x15] =	wrdreg s18  }
0x1b: {  	s21 =	simm.s32 $0x9800;
	s3 =	sadd.s32 s3, s0;
	[dreg:$0x16] =	wrdreg s19  }
0x1c: {  	s5 =	sshll.u32 s1, $0x7;
	s1 =	ssub.s32 $0x2, s1;
	[dreg:$0x17] =	wrdreg s20  }
0x1d: {  	[dreg:$0x18] =	wrdreg s21;
	s22 =	simm.s32 $0xA000;
	s23 =	simm.s32 $0xA400  }
0x1e: {  	s24 =	simm.s32 $0xAC00;
	s7 =	simm.s32 $0xB400;
	s25 =	simm.s32 $0xB800  }
0x1f: {  	s26 =	simm.s32 $0xC000;
	s8 =	simm.s32 $0x2;
	s9 =	simm.s32 $0x400  }
0x20: {  	s10 =	simm.s32 $0xC800;
	s11 =	simm.s32 $0xCC00;
	s12 =	simm.s32 $0xD400  }
0x21: {  	s13 =	simm.s32 $0xDC00;
	s14 =	simm.s32 $0xE000;
	s15 =	simm.s32 $0xE800  }
0x22: {  	s16 =	simm.s32 $0xF000;
	s17 =	simm.s32 $0xF400;
	[dreg:$0x19] =	wrdreg s22  }
0x23: {  	s18 =	simm.s32 $0xFC00;
	s19 =	simm.s32 $0x10400;
	[dreg:$0x1a] =	wrdreg s23  }
0x24: {  	s20 =	simm.s32 $0x10800;
	s21 =	simm.s32 $0x11000;
	[dreg:$0x1b] =	wrdreg s24  }
0x25: {  	s3 =	sadd.s32 $0x3BD400, s3;
	s4 =	sor.u32 s5, s4;
	[dreg:$0x1c] =	wrdreg s7  }
0x26: {  	s6 =	sshrl.u32 s1, $0x1;
	s5 =	sadd.s32 $0x344500, s0;
	[dreg:$0x1d] =	wrdreg s25  }
0x27: {  	[dreg:$0x1e] =	wrdreg s26;
	s22 =	simm.s32 $0x11800;
	s23 =	simm.s32 $0x11C00  }
0x28: {  	s24 =	simm.s32 $0x12400;
	s25 =	simm.s32 $0x12C00;
	s4 =	sadd.s32 s4, s0  }
0x29: {  	v2 =	vlaneseq.u32;
	[dreg:$0x2] =	wrdreg s3;
	s1 =	ssub.s32 s1, s6;
	s4 =	sadd.s32 $0x3BC400, s4  }
0x2a: {  	vm0 =	vmmov $0xffff;
	vm1 =	vmmov $0xff;
	v1 =	vshrl.u32 v2, $0x3;
	s3 =	sadd.s32 $0x344400, s0;
	s1 =	smax.u32 s1, $0x1;
	[dreg:$0x1f] =	wrdreg s4  }
0x2b: {  	v0 =	vand.u32 $0x7, v2;
	v2 =	vor.u32 $0x8, v2;
	v1 =	vmul.u32 $0x8, v1;
	s26 =	simm.s32 $0x13000;
	s6 =	sadd.s32 $0x344600, s0;
	[smem:$0x7FD] =	sst s1  }
.LBB2_1:
0x2c: {  	s0 =	rddreg [dreg:$0x1f]  }
0x2d: {  	[tilespmem:s2], [sflag:$0x2] =	stream.linear.gather [hbm4b:s0+s2], $0x400, $0x38;
	[tilespmem:$0x14400] =	vst v63  }
0x2e: {  	_ =	swait.ge [sflag:s8], $0x400  }
0x2f: {  	[sflag:s8] =	ssyncset.done $0x0  }
0x30: {  	s1 =	simm.s32 $0x40;
	s0 =	simm.s32 $0x0;
	[sflag:s8] =	ssyncadd.s32 $0xFFFFFC00  }
.LBB2_2:
0x31: {  	v3 =	vld [tilespmem:s1+$0xFFFFFFC0];
	_ =	sdelay $0x4  }
0x32: {  	v4 =	vshrl.u32 v3, $0x3  }
0x33: {  	v4 =	vmul.u32 $0x28, v4  }
0x34: {  	v3 =	vand.u32 $0x7, v3  }
0x35: {  	v3 =	vor.u32 v3, v4  }
0x36: {  	v4 =	vperm.xlane v3, v0;
	_ =	sdelay $0x1  }
0x37: {  	v4 =	vadd.s32 v1, v4;
	_ =	sdelay $0x3  }
0x38: {  	v3 =	vperm.xlane v3, v2  }
0x39: {  	[tilespmem:s9], [sflag:$0x1] =	stream.indirect_vreg.gather [hbm4b:s3+s2], $0x80, v4, vm0, $0xb8;
	[tilespmem:$0x14400] =	vst v63  }
0x3a: {  	s4 =	rddreg [dreg:$0x3];
	v3 =	vadd.s32 v1, v3  }
0x3b: {  	[tilespmem:s4], [sflag:$0x1] =	stream.indirect_vreg.gather [hbm4b:s5+s2], $0x80, v4, vm0, $0xb8;
	[tilespmem:$0x14400] =	vst v63  }
0x3c: {  	s7 =	rddreg [dreg:$0x4]  }
0x3d: {  	[tilespmem:s7], [sflag:$0x1] =	stream.indirect_vreg.gather [hbm4b:s6+s2], $0x80, v4, vm1, $0xb8;
	[tilespmem:$0x14400] =	vst v63  }
0x3e: {  	s4 =	rddreg [dreg:$0x5]  }
0x3f: {  	[tilespmem:s4], [sflag:$0x1] =	stream.indirect_vreg.gather [hbm4b:s3+s2], $0x80, v3, vm0, $0xb8;
	[tilespmem:$0x14400] =	vst v63  }
0x40: {  	s7 =	rddreg [dreg:$0x6]  }
0x41: {  	[tilespmem:s7], [sflag:$0x1] =	stream.indirect_vreg.gather [hbm4b:s5+s2], $0x80, v3, vm0, $0xb8;
	[tilespmem:$0x14400] =	vst v63  }
0x42: {  	s4 =	rddreg [dreg:$0x7]  }
0x43: {  	[tilespmem:s4], [sflag:$0x1] =	stream.indirect_vreg.gather [hbm4b:s6+s2], $0x80, v3, vm1, $0xb8;
	[tilespmem:$0x14400] =	vst v63  }
0x44: {  	v3 =	vld [tilespmem:s1+$0xFFFFFFD0];
	_ =	sdelay $0x4  }
0x45: {  	v57 =	vshrl.u32 v3, $0x3  }
0x46: {  	v4 =	vmul.u32 $0x28, v57  }
0x47: {  	v3 =	vand.u32 $0x7, v3  }
0x48: {  	v3 =	vor.u32 v3, v4  }
0x49: {  	v4 =	vperm.xlane v3, v0;
	_ =	sdelay $0x1  }
0x4a: {  	v4 =	vadd.s32 v1, v4;
	_ =	sdelay $0x3  }
0x4b: {  	s4 =	rddreg [dreg:$0x8];
	v3 =	vperm.xlane v3, v2  }
0x4c: {  	[tilespmem:s4], [sflag:$0x1] =	stream.indirect_vreg.gather [hbm4b:s3+s2], $0x80, v4, vm0, $0xb8;
	[tilespmem:$0x14400] =	vst v63  }
0x4d: {  	s7 =	rddreg [dreg:$0x9];
	v3 =	vadd.s32 v1, v3  }
0x4e: {  	[tilespmem:s7], [sflag:$0x1] =	stream.indirect_vreg.gather [hbm4b:s5+s2], $0x80, v4, vm0, $0xb8;
	[tilespmem:$0x14400] =	vst v63  }
0x4f: {  	s4 =	rddreg [dreg:$0xa]  }
0x50: {  	[tilespmem:s4], [sflag:$0x1] =	stream.indirect_vreg.gather [hbm4b:s6+s2], $0x80, v4, vm1, $0xb8;
	[tilespmem:$0x14400] =	vst v63  }
0x51: {  	s7 =	rddreg [dreg:$0xb]  }
0x52: {  	[tilespmem:s7], [sflag:$0x1] =	stream.indirect_vreg.gather [hbm4b:s3+s2], $0x80, v3, vm0, $0xb8;
	[tilespmem:$0x14400] =	vst v63  }
0x53: {  	s4 =	rddreg [dreg:$0xc]  }
0x54: {  	[tilespmem:s4], [sflag:$0x1] =	stream.indirect_vreg.gather [hbm4b:s5+s2], $0x80, v3, vm0, $0xb8;
	[tilespmem:$0x14400] =	vst v63  }
0x55: {  	s7 =	rddreg [dreg:$0xd]  }
0x56: {  	[tilespmem:s7], [sflag:$0x1] =	stream.indirect_vreg.gather [hbm4b:s6+s2], $0x80, v3, vm1, $0xb8;
	[tilespmem:$0x14400] =	vst v63  }
0x57: {  	v3 =	vld [tilespmem:s1+$0xFFFFFFE0];
	_ =	sdelay $0x4  }
0x58: {  	v58 =	vshrl.u32 v3, $0x3  }
0x59: {  	v4 =	vmul.u32 $0x28, v58  }
0x5a: {  	v3 =	vand.u32 $0x7, v3  }
0x5b: {  	v3 =	vor.u32 v3, v4  }
0x5c: {  	v4 =	vperm.xlane v3, v0;
	_ =	sdelay $0x1  }
0x5d: {  	v4 =	vadd.s32 v1, v4;
	_ =	sdelay $0x3  }
0x5e: {  	s4 =	rddreg [dreg:$0xe];
	v3 =	vperm.xlane v3, v2  }
0x5f: {  	[tilespmem:s4], [sflag:$0x1] =	stream.indirect_vreg.gather [hbm4b:s3+s2], $0x80, v4, vm0, $0xb8;
	[tilespmem:$0x14400] =	vst v63  }
0x60: {  	s7 =	rddreg [dreg:$0xf];
	v3 =	vadd.s32 v1, v3  }
0x61: {  	[tilespmem:s7], [sflag:$0x1] =	stream.indirect_vreg.gather [hbm4b:s5+s2], $0x80, v4, vm0, $0xb8;
	[tilespmem:$0x14400] =	vst v63  }
0x62: {  	s4 =	rddreg [dreg:$0x10]  }
0x63: {  	[tilespmem:s4], [sflag:$0x1] =	stream.indirect_vreg.gather [hbm4b:s6+s2], $0x80, v4, vm1, $0xb8;
	[tilespmem:$0x14400] =	vst v63  }
0x64: {  	s7 =	rddreg [dreg:$0x11]  }
0x65: {  	[tilespmem:s7], [sflag:$0x1] =	stream.indirect_vreg.gather [hbm4b:s3+s2], $0x80, v3, vm0, $0xb8;
	[tilespmem:$0x14400] =	vst v63  }
0x66: {  	s4 =	rddreg [dreg:$0x12]  }
0x67: {  	[tilespmem:s4], [sflag:$0x1] =	stream.indirect_vreg.gather [hbm4b:s5+s2], $0x80, v3, vm0, $0xb8;
	[tilespmem:$0x14400] =	vst v63  }
0x68: {  	s7 =	rddreg [dreg:$0x13]  }
0x69: {  	[tilespmem:s7], [sflag:$0x1] =	stream.indirect_vreg.gather [hbm4b:s6+s2], $0x80, v3, vm1, $0xb8;
	[tilespmem:$0x14400] =	vst v63  }
0x6a: {  	v3 =	vld [tilespmem:s1+$0xFFFFFFF0];
	_ =	sdelay $0x4  }
0x6b: {  	v59 =	vshrl.u32 v3, $0x3  }
0x6c: {  	v4 =	vmul.u32 $0x28, v59  }
0x6d: {  	v3 =	vand.u32 $0x7, v3  }
0x6e: {  	v3 =	vor.u32 v3, v4  }
0x6f: {  	v4 =	vperm.xlane v3, v0;
	_ =	sdelay $0x1  }
0x70: {  	v4 =	vadd.s32 v1, v4;
	_ =	sdelay $0x3  }
0x71: {  	s4 =	rddreg [dreg:$0x14];
	v3 =	vperm.xlane v3, v2  }
0x72: {  	[tilespmem:s4], [sflag:$0x1] =	stream.indirect_vreg.gather [hbm4b:s3+s2], $0x80, v4, vm0, $0xb8;
	[tilespmem:$0x14400] =	vst v63  }
0x73: {  	s7 =	rddreg [dreg:$0x15];
	v3 =	vadd.s32 v1, v3  }
0x74: {  	[tilespmem:s7], [sflag:$0x1] =	stream.indirect_vreg.gather [hbm4b:s5+s2], $0x80, v4, vm0, $0xb8;
	[tilespmem:$0x14400] =	vst v63  }
0x75: {  	s4 =	rddreg [dreg:$0x16]  }
0x76: {  	[tilespmem:s4], [sflag:$0x1] =	stream.indirect_vreg.gather [hbm4b:s6+s2], $0x80, v4, vm1, $0xb8;
	[tilespmem:$0x14400] =	vst v63  }
0x77: {  	s7 =	rddreg [dreg:$0x17]  }
0x78: {  	[tilespmem:s7], [sflag:$0x1] =	stream.indirect_vreg.gather [hbm4b:s3+s2], $0x80, v3, vm0, $0xb8;
	[tilespmem:$0x14400] =	vst v63  }
0x79: {  	s4 =	rddreg [dreg:$0x18]  }
0x7a: {  	[tilespmem:s4], [sflag:$0x1] =	stream.indirect_vreg.gather [hbm4b:s5+s2], $0x80, v3, vm0, $0xb8;
	[tilespmem:$0x14400] =	vst v63  }
0x7b: {  	s7 =	rddreg [dreg:$0x19]  }
0x7c: {  	[tilespmem:s7], [sflag:$0x1] =	stream.indirect_vreg.gather [hbm4b:s6+s2], $0x80, v3, vm1, $0xb8;
	[tilespmem:$0x14400] =	vst v63  }
0x7d: {  	v3 =	vld [tilespmem:s1+$0x0];
	_ =	sdelay $0x4  }
0x7e: {  	v60 =	vshrl.u32 v3, $0x3  }
0x7f: {  	v4 =	vmul.u32 $0x28, v60  }
0x80: {  	v3 =	vand.u32 $0x7, v3  }
0x81: {  	v3 =	vor.u32 v3, v4  }
0x82: {  	v4 =	vperm.xlane v3, v0;
	_ =	sdelay $0x1  }
0x83: {  	v4 =	vadd.s32 v1, v4;
	_ =	sdelay $0x3  }
0x84: {  	s4 =	rddreg [dreg:$0x1a];
	v3 =	vperm.xlane v3, v2  }
0x85: {  	[tilespmem:s4], [sflag:$0x1] =	stream.indirect_vreg.gather [hbm4b:s3+s2], $0x80, v4, vm0, $0xb8;
	[tilespmem:$0x14400] =	vst v63  }
0x86: {  	s7 =	rddreg [dreg:$0x1b];
	v3 =	vadd.s32 v1, v3  }
0x87: {  	[tilespmem:s7], [sflag:$0x1] =	stream.indirect_vreg.gather [hbm4b:s5+s2], $0x80, v4, vm0, $0xb8;
	[tilespmem:$0x14400] =	vst v63  }
0x88: {  	s4 =	rddreg [dreg:$0x1c]  }
0x89: {  	[tilespmem:s4], [sflag:$0x1] =	stream.indirect_vreg.gather [hbm4b:s6+s2], $0x80, v4, vm1, $0xb8;
	[tilespmem:$0x14400] =	vst v63  }
0x8a: {  	s7 =	rddreg [dreg:$0x1d]  }
0x8b: {  	[tilespmem:s7], [sflag:$0x1] =	stream.indirect_vreg.gather [hbm4b:s3+s2], $0x80, v3, vm0, $0xb8;
	[tilespmem:$0x14400] =	vst v63  }
0x8c: {  	s4 =	rddreg [dreg:$0x1e]  }
0x8d: {  	[tilespmem:s4], [sflag:$0x1] =	stream.indirect_vreg.gather [hbm4b:s5+s2], $0x80, v3, vm0, $0xb8;
	[tilespmem:$0x14400] =	vst v63  }
0x8e: {  	_ = 	snop  }
0x8f: {  	[tilespmem:s10], [sflag:$0x1] =	stream.indirect_vreg.gather [hbm4b:s6+s2], $0x80, v3, vm1, $0xb8;
	[tilespmem:$0x14400] =	vst v63  }
0x90: {  	v3 =	vld [tilespmem:s1+$0x10];
	_ =	sdelay $0x4  }
0x91: {  	v61 =	vshrl.u32 v3, $0x3  }
0x92: {  	v4 =	vmul.u32 $0x28, v61  }
0x93: {  	v3 =	vand.u32 $0x7, v3  }
0x94: {  	v3 =	vor.u32 v3, v4  }
0x95: {  	v4 =	vperm.xlane v3, v0;
	_ =	sdelay $0x1  }
0x96: {  	v4 =	vadd.s32 v1, v4;
	_ =	sdelay $0x3  }
0x97: {  	v3 =	vperm.xlane v3, v2  }
0x98: {  	[tilespmem:s11], [sflag:$0x1] =	stream.indirect_vreg.gather [hbm4b:s3+s2], $0x80, v4, vm0, $0xb8;
	[tilespmem:$0x14400] =	vst v63  }
0x99: {  	v3 =	vadd.s32 v1, v3  }
0x9a: {  	[tilespmem:s12], [sflag:$0x1] =	stream.indirect_vreg.gather [hbm4b:s5+s2], $0x80, v4, vm0, $0xb8;
	[tilespmem:$0x14400] =	vst v63  }
0x9b: {  	_ = 	snop  }
0x9c: {  	[tilespmem:s13], [sflag:$0x1] =	stream.indirect_vreg.gather [hbm4b:s6+s2], $0x80, v4, vm1, $0xb8;
	[tilespmem:$0x14400] =	vst v63  }
0x9d: {  	_ = 	snop  }
0x9e: {  	[tilespmem:s14], [sflag:$0x1] =	stream.indirect_vreg.gather [hbm4b:s3+s2], $0x80, v3, vm0, $0xb8;
	[tilespmem:$0x14400] =	vst v63  }
0x9f: {  	_ = 	snop  }
0xa0: {  	[tilespmem:s15], [sflag:$0x1] =	stream.indirect_vreg.gather [hbm4b:s5+s2], $0x80, v3, vm0, $0xb8;
	[tilespmem:$0x14400] =	vst v63  }
0xa1: {  	_ = 	snop  }
0xa2: {  	[tilespmem:s16], [sflag:$0x1] =	stream.indirect_vreg.gather [hbm4b:s6+s2], $0x80, v3, vm1, $0xb8;
	[tilespmem:$0x14400] =	vst v63  }
0xa3: {  	v3 =	vld [tilespmem:s1+$0x20];
	_ =	sdelay $0x4  }
0xa4: {  	v62 =	vshrl.u32 v3, $0x3  }
0xa5: {  	v4 =	vmul.u32 $0x28, v62  }
0xa6: {  	v3 =	vand.u32 $0x7, v3  }
0xa7: {  	v3 =	vor.u32 v3, v4  }
0xa8: {  	v4 =	vperm.xlane v3, v0;
	_ =	sdelay $0x1  }
0xa9: {  	v4 =	vadd.s32 v1, v4;
	_ =	sdelay $0x3  }
0xaa: {  	v3 =	vperm.xlane v3, v2  }
0xab: {  	[tilespmem:s17], [sflag:$0x1] =	stream.indirect_vreg.gather [hbm4b:s3+s2], $0x80, v4, vm0, $0xb8;
	[tilespmem:$0x14400] =	vst v63  }
0xac: {  	v3 =	vadd.s32 v1, v3  }
0xad: {  	[tilespmem:s18], [sflag:$0x1] =	stream.indirect_vreg.gather [hbm4b:s5+s2], $0x80, v4, vm0, $0xb8;
	[tilespmem:$0x14400] =	vst v63  }
0xae: {  	_ = 	snop  }
0xaf: {  	[tilespmem:s19], [sflag:$0x1] =	stream.indirect_vreg.gather [hbm4b:s6+s2], $0x80, v4, vm1, $0xb8;
	[tilespmem:$0x14400] =	vst v63  }
0xb0: {  	_ = 	snop  }
0xb1: {  	[tilespmem:s20], [sflag:$0x1] =	stream.indirect_vreg.gather [hbm4b:s3+s2], $0x80, v3, vm0, $0xb8;
	[tilespmem:$0x14400] =	vst v63  }
0xb2: {  	_ = 	snop  }
0xb3: {  	[tilespmem:s21], [sflag:$0x1] =	stream.indirect_vreg.gather [hbm4b:s5+s2], $0x80, v3, vm0, $0xb8;
	[tilespmem:$0x14400] =	vst v63  }
0xb4: {  	_ = 	snop  }
0xb5: {  	[tilespmem:s22], [sflag:$0x1] =	stream.indirect_vreg.gather [hbm4b:s6+s2], $0x80, v3, vm1, $0xb8;
	[tilespmem:$0x14400] =	vst v63  }
0xb6: {  	v3 =	vld [tilespmem:s1+$0x30];
	_ =	sdelay $0x4  }
0xb7: {  	v63 =	vshrl.u32 v3, $0x3  }
0xb8: {  	v4 =	vmul.u32 $0x28, v63  }
0xb9: {  	v3 =	vand.u32 $0x7, v3  }
0xba: {  	v3 =	vor.u32 v3, v4  }
0xbb: {  	v4 =	vperm.xlane v3, v0;
	_ =	sdelay $0x1  }
0xbc: {  	v4 =	vadd.s32 v1, v4;
	_ =	sdelay $0x3  }
0xbd: {  	v3 =	vperm.xlane v3, v2  }
0xbe: {  	[tilespmem:s23], [sflag:$0x1] =	stream.indirect_vreg.gather [hbm4b:s3+s2], $0x80, v4, vm0, $0xb8;
	[tilespmem:$0x14400] =	vst v63  }
0xbf: {  	v3 =	vadd.s32 v1, v3  }
0xc0: {  	[tilespmem:s24], [sflag:$0x1] =	stream.indirect_vreg.gather [hbm4b:s5+s2], $0x80, v4, vm0, $0xb8;
	[tilespmem:$0x14400] =	vst v63  }
0xc1: {  	_ = 	snop  }
0xc2: {  	[tilespmem:s25], [sflag:$0x1] =	stream.indirect_vreg.gather [hbm4b:s6+s2], $0x80, v4, vm1, $0xb8;
	[tilespmem:$0x14400] =	vst v63  }
0xc3: {  	_ = 	snop  }
0xc4: {  	[tilespmem:s26], [sflag:$0x1] =	stream.indirect_vreg.gather [hbm4b:s3+s2], $0x80, v3, vm0, $0xb8;
	[tilespmem:$0x14400] =	vst v63  }
0xc5: {  	_ = 	snop  }
0xc6: {  	[tilespmem:s28], [sflag:$0x1] =	stream.indirect_vreg.gather [hbm4b:s5+s2], $0x80, v3, vm0, $0xb8;
	[tilespmem:$0x14400] =	vst v63  }
0xc7: {  	_ = 	snop  }
0xc8: {  	[tilespmem:s29], [sflag:$0x1] =	stream.indirect_vreg.gather [hbm4b:s6+s2], $0x80, v3, vm1, $0xb8;
	[tilespmem:$0x14400] =	vst v63  }
0xc9: {  	_ =	swait.ge [sflag:s30], $0x14000  }
0xca: {  	p0 =	sne.s32 s0, $0x11800;
	s7 =	rddreg [dreg:$0x2];
	[sflag:s30] =	ssyncset.done $0x0  }
.Ltmp0:
0xcb: {  	[sflag:s30] =	ssyncadd.s32 $0xFFFEC000;
	s4 =	sadd.s32 s0, s7;
	(pc) =	sbr.rel @p0 .LBB2_2-.Ltmp0, $4  }
0xcc: {  	[hbm4b:s4+s2] =	stream.linear.scatter [tilespmem:s9], [sflag:$0x2], $0x14000, $0x38;
	[tilespmem:$0x14400] =	vst v63  }
0xcd: {  	_ =	swait.ge [sflag:s8], $0x14000  }
0xce: {  	[sflag:s8] =	ssyncset.done $0x0  }
0xcf: {  	s1 =	sadd.s32 $0x80, s1;
	s0 =	sadd.s32 $0x2800, s0;
	[sflag:s8] =	ssyncadd.s32 $0xFFFEC000  }
0xd0: {  	s0 =	sld [smem:$0x7FD];
	_ =	sdelay $0x1  }
0xd1: {  	s31 =	sadd.s32 $0x1, s31  }
0xd2: {  	p0 =	sne.s32 s31, s0  }
.Ltmp1:
0xd3: {  	_ = 	snop;
	(pc) =	sbr.rel @p0 .LBB2_1-.Ltmp1, $1  }
0xd4: {  	_ =	sdelay $0x3  }
0xd5: {  	_ =	sfence.sel $0x180000  }
0xd6: {  	[bflag:$0x0] =	sbarrier.arrive $0xFFFF  }
0xd7: {  	_ =	strace $0x9000004A  }
0xd8: {  	s0 =	stileid.u32;
	[bflag:$0x2] =	sbarrier.arrive $0xFFFF  }
0xd9: {  	p0 =	sne.s32 s0, $0x0;
	s0 =	rddreg [dreg:$0x1]  }
0xda: {  	s0 =	sadd.s32 @!p0 $0x100000, s0  }
0xdb: {  	[sflag:s0] =	ssyncadd.tile.s32 @!p0 $0x1;
	_ =	shalt  }
.Lfunc_end2:
_tile_overlayer_lowered:
.L_overlay_start_2:
0xdc: {  	(tag) =	ssettag $0x2  }
0xdd: {  	s0 =	rddreg [dreg:$0x0];
	s2 =	stileid.u32  }
0xde: {  	s1 =	rddreg [dreg:$0x1];
	p0 =	sne.s32 s2, $0x0  }
0xdf: {  	s3 =	rddreg [dreg:$0x2];
	[bflag:$0x3] =	sbarrier.arrive $0xFFFF;
	s2 =	simm.s32 @!p0 $0x1C02  }
0xe0: {  	[timem:s3], [sflag:s2] =	dma.local @!p0 [hbm:s0], s1  }
0xe1: {  	s0 =	simm.s32 @!p0 $0x2  }
0xe2: {  	_ =	swait.ge @!p0 [sflag:s0], s1  }
0xe3: {  	s1 =	ssub.s32 @!p0 $0x0, s1;
	[sflag:s0] =	ssyncset.done @!p0 $0x0  }
0xe4: {  	[sflag:s0] =	ssyncadd.s32 @!p0 s1  }
0xe5: {  	[bflag:$0x3] =	sbarrier.arrive $0xFFFF  }
0xe6: {  	_ =	shalt  }

// kernel: kernel.20.cloned.1.call-start
scs
__scs_entry_jumppad:
0x0: {  	(pc) =	sbr.rel $0x88, $3  }
0x1: {  	(tag) =	ssettag $0x0;
	lr =	simm.s32 $0x1  }
0x2: {  	[smem:$0x3F93] =	sst lr;
	_ =	strace $0xD0000000  }
0x3: {  	_ = 	snop  }
0x4: {  	_ = 	snop  }
0x5: {  	_ = 	snop  }
0x6: {  	_ = 	snop  }
0x7: {  	_ = 	snop  }
__scs_overlays_trampoline_lowered:
0x8: {  	[smem:$0x3FA2] =	sst s0  }
0x9: {  	[smem:$0x3FA3] =	sst s1  }
0xa: {  	[smem:$0x3FA4] =	sst s2  }
0xb: {  	[smem:$0x3FA5] =	sst s3  }
0xc: {  	[smem:$0x3FA6] =	sst s4  }
0xd: {  	[smem:$0x3FA7] =	sst s5  }
0xe: {  	[smem:$0x3FA8] =	sst s6  }
0xf: {  	[smem:$0x3FA9] =	sst s7  }
0x10: {  	[smem:$0x3FAA] =	sst s8  }
0x11: {  	[smem:$0x3FAB] =	sst s9;
	s0 =	simm.s32 @!p0 $0x0  }
0x12: {  	s1 =	sld [smem:$0x3F91];
	s0 =	simm.s32 @p0 $0x1  }
0x13: {  	[smem:$0x3FAC] =	sst s0;
	s0 =	simm.s32 @!p1 $0x0  }
0x14: {  	s2 =	sld [smem:$0x3F90];
	s0 =	simm.s32 @p1 $0x1  }
0x15: {  	[smem:$0x3FAD] =	sst s0;
	s0 =	simm.s32 @!p2 $0x0  }
0x16: {  	s3 =	sld [smem:$0x3FDB];
	s0 =	simm.s32 @p2 $0x1  }
0x17: {  	s4 =	simm.s32 $0x1BF5;
	[smem:$0x3FAF] =	sst s0  }
0x18: {  	s0 =	sld [smem:$0x3F92];
	_ =	swait.ge [sflag:s4], $0x0  }
0x19: {  	s7 =	sld [smem:$0x3F93]  }
0x1a: {  	s8 =	sadd.s32 $0xFFFFE003, lr  }
0x1b: {  	s9 =	sadd.s32 $0xFFFFFEF7, lr;
	s5 =	simm.s32 $0xFFFFFFFF;
	p2 =	slt.u32 s8, $0xFFFFF086  }
0x1c: {  	p1 =	slt.u32 s9, $0xF7A;
	s5 =	simm.s32 @!p2 $0x0  }
0x1d: {  	s5 =	simm.s32 @p1 $0x1;
	p0 =	seq.s32 s7, s2  }
0x1e: {  	s7 =	smul.u32 @!p0 $0xF7A, s2;
	p2 =	seq.s32 @!p0 s5, $0x0  }
0x1f: {  	s9 =	smul.u32 $0xF7A, s1;
	s8 =	simm.s32 @!p0 $0x1BF5;
	p2 =	por !p2, p0  }
0x20: {  	[sflag:s8] =	ssyncset.s32 @!p0 $0xFFFFF086;
	s6 =	sadd.s32 @!p0 s3, s7;
	s7 =	simm.s32 @!p0 $0x108  }
0x21: {  	s3 =	sadd.s32 s3, s9;
	s6 =	sadd.s32 @!p0 $0x88, s6;
	s7 =	simm.s32 @p2 $0x1082  }
0x22: {  	[simem:s7], [sflag:s8] =	dma.local @!p0 [hbm:s6], $0xF7A  }
0x23: {  	s9 =	sor.u32 $0xD0000000, s2;
	s6 =	simm.s32 $0x108;
	_ =	swait.ge @!p0 [sflag:s8], $0x0  }
0x24: {  	s3 =	sadd.s32 $0x88, s3;
	s6 =	simm.s32 @!p1 $0x1082;
	[sflag:s4] =	ssyncset.s32 $0xFFFFF086  }
0x25: {  	[simem:s6], [sflag:s4] =	dma.local [hbm:s3], $0xF7A  }
0x26: {  	[smem:$0x3F93] =	sst s1;
	(tag) =	ssettag s2;
	_ =	strace s9  }
0x27: {  	s1 =	sld [smem:$0x3FA3]  }
0x28: {  	s2 =	sld [smem:$0x3FA4]  }
0x29: {  	s4 =	sld [smem:$0x3FA6]  }
0x2a: {  	p0 =	seq.s32 s5, $0x0;
	s5 =	sld [smem:$0x3FA7]  }
0x2b: {  	s6 =	sld [smem:$0x3FA8]  }
0x2c: {  	s7 =	sld [smem:$0x3FA9]  }
0x2d: {  	s3 =	simm.s32 $0x108;
	s8 =	sld [smem:$0x3FAA]  }
0x2e: {  	s3 =	simm.s32 @!p0 $0x1082;
	s9 =	sld [smem:$0x3FAB]  }
0x2f: {  	lr =	sadd.s32 s0, s3;
	s0 =	sld [smem:$0x3FA2]  }
0x30: {  	s3 =	sld [smem:$0x3FA5]  }
0x31: {  	[smem:$0x3FAE] =	sst s10  }
0x32: {  	s10 =	sld [smem:$0x3FAC];
	_ =	sdelay $0x3  }
0x33: {  	p0 =	seq.s32 s10, $0x1;
	s10 =	sld [smem:$0x3FAE];
	_ =	sdelay $0x3  }
0x34: {  	[smem:$0x3FAE] =	sst s10  }
0x35: {  	s10 =	sld [smem:$0x3FAD];
	_ =	sdelay $0x3  }
0x36: {  	p1 =	seq.s32 s10, $0x1;
	s10 =	sld [smem:$0x3FAE];
	_ =	sdelay $0x3  }
0x37: {  	[smem:$0x3FAE] =	sst s10  }
0x38: {  	s10 =	sld [smem:$0x3FAF]  }
0x39: {  	_ = 	snop;
	(pc) =	sbr.ind lr, $3  }
0x3a: {  	_ = 	snop  }
0x3b: {  	_ = 	snop  }
0x3c: {  	p2 =	seq.s32 s10, $0x1;
	s10 =	sld [smem:$0x3FAE]  }
0x3d: {  	_ =	shalt  }
0x3e: {  	_ =	shalt  }
0x3f: {  	_ =	shalt  }
0x40: {  	_ =	shalt  }
0x41: {  	_ =	shalt  }
0x42: {  	_ =	shalt  }
0x43: {  	_ =	shalt  }
0x44: {  	_ =	shalt  }
0x45: {  	_ =	shalt  }
0x46: {  	_ =	shalt  }
0x47: {  	_ =	shalt  }
0x48: {  	_ =	shalt  }
0x49: {  	_ =	shalt  }
0x4a: {  	_ =	shalt  }
0x4b: {  	_ =	shalt  }
0x4c: {  	_ =	shalt  }
0x4d: {  	_ =	shalt  }
0x4e: {  	_ =	shalt  }
0x4f: {  	_ =	shalt  }
0x50: {  	_ =	shalt  }
0x51: {  	_ =	shalt  }
0x52: {  	_ =	shalt  }
0x53: {  	_ =	shalt  }
0x54: {  	_ =	shalt  }
0x55: {  	_ =	shalt  }
0x56: {  	_ =	shalt  }
0x57: {  	_ =	shalt  }
0x58: {  	_ =	shalt  }
0x59: {  	_ =	shalt  }
0x5a: {  	_ =	shalt  }
0x5b: {  	_ =	shalt  }
0x5c: {  	_ =	shalt  }
0x5d: {  	_ =	shalt  }
0x5e: {  	_ =	shalt  }
0x5f: {  	_ =	shalt  }
0x60: {  	_ =	shalt  }
0x61: {  	_ =	shalt  }
0x62: {  	_ =	shalt  }
0x63: {  	_ =	shalt  }
0x64: {  	_ =	shalt  }
0x65: {  	_ =	shalt  }
0x66: {  	_ =	shalt  }
0x67: {  	_ =	shalt  }
0x68: {  	_ =	shalt  }
0x69: {  	_ =	shalt  }
0x6a: {  	_ =	shalt  }
0x6b: {  	_ =	shalt  }
0x6c: {  	_ =	shalt  }
0x6d: {  	_ =	shalt  }
0x6e: {  	_ =	shalt  }
0x6f: {  	_ =	shalt  }
0x70: {  	_ =	shalt  }
0x71: {  	_ =	shalt  }
0x72: {  	_ =	shalt  }
0x73: {  	_ =	shalt  }
0x74: {  	_ =	shalt  }
0x75: {  	_ =	shalt  }
0x76: {  	_ =	shalt  }
0x77: {  	_ =	shalt  }
0x78: {  	_ =	shalt  }
0x79: {  	_ =	shalt  }
0x7a: {  	_ =	shalt  }
0x7b: {  	_ =	shalt  }
0x7c: {  	_ =	shalt  }
0x7d: {  	_ =	shalt  }
0x7e: {  	_ =	shalt  }
0x7f: {  	_ =	shalt  }
0x80: {  	_ =	shalt  }
0x81: {  	_ =	shalt  }
0x82: {  	_ =	shalt  }
0x83: {  	_ =	shalt  }
0x84: {  	_ =	shalt  }
0x85: {  	_ =	shalt  }
0x86: {  	_ =	shalt  }
0x87: {  	_ =	shalt  }
.Lfunc_end0:
.L_simem_size_0:
called_computation.2_lowered:
.L_overlay_start_0:
0x88: {  	s2 =	sld [smem:$0x3FD9]  }
0x89: {  	s3 =	sld [smem:$0x3FFE];
	_ =	sdelay $0x1  }
0x8a: {  	s1 =	srdreg.scid  }
0x8b: {  	s0 =	sand.u32 $0x1, s1  }
0x8c: {  	s17 =	sshll.u32 s0, $0xA;
	s2 =	sadd.s32 s3, s2  }
0x8d: {  	s2 =	sadd.s32 s2, s17  }
0x8e: {  	[smem:$0x3FBA] =	sst s2  }
0x8f: {  	_ = 	snop  }
0x90: {  	(tm) =	ssettm $0x1  }
0x91: {  	s18 =	sld [smem:$0x3FFB];
	_ =	sdelay $0x3  }
0x92: {  	_ =	strace s18  }
0x93: {  	s2 =	sld [smem:$0x3FFC];
	_ =	sdelay $0x3  }
0x94: {  	_ =	strace s2  }
0x95: {  	s2 =	sld [smem:$0x3FFD];
	_ =	sdelay $0x3  }
0x96: {  	_ =	strace s2  }
0x97: {  	_ =	strace $0x8FFFFFFF  }
0x98: {  	s19 =	sld [smem:$0x3FDB];
	_ =	sdelay $0x1  }
0x99: {  	s20 =	simm.s32 $_scs_section_size  }
0x9a: {  	s4 =	simm.s32 $_size__tile_overlayer_lowered;
	s5 =	simm.s32 $_tile_overlayer_lowered  }
0x9b: {  	s6 =	simm.s32 $0x1BFF;
	s21 =	sshll.u32 s5, $0x1;
	s3 =	sadd.s32 s20, s19  }
0x9c: {  	s22 =	simm.s32 $0x0;
	s4 =	sshll.u32 s4, $0x1;
	s5 =	sadd.s32 s21, s3  }
0x9d: {  	[timem:s22], [sflag:s6] =	dma.local [hbm:s5], s4  }
0x9e: {  	_ =	swait.ge [sflag:s6], s4  }
0x9f: {  	s4 =	ssub.s32 $0x0, s4;
	[sflag:s6] =	ssyncset.done $0x0  }
0xa0: {  	[sflag:s6] =	ssyncadd.s32 s4;
	_ =	sdelay $0x1  }
0xa1: {  	s23 =	simm.s32 $0x1B8B  }
0xa2: {  	_ =	swait.ge [sflag:s23], $0x1  }
0xa3: {  	[sflag:s23] =	ssyncset.done $0x0  }
0xa4: {  	[sflag:s23] =	ssyncadd.s32 $0xFFFFFFFF  }
0xa5: {  	s4 =	sld [smem:$0x0]  }
0xa6: {  	s5 =	sand.u32 $0xFFFFFFFE, s1  }
0xa7: {  	p0 =	sne.s32 s1, s5  }
0xa8: {  	s5 =	sshll.u32 @p0 s5, $0xE  }
0xa9: {  	s5 =	sadd.s32 @p0 $0x11B8D, s5;
	s6 =	sshll.u32 @p0 s4, $0x11  }
0xaa: {  	s5 =	sor.u32 @p0 s6, s5  }
0xab: {  	[sflag:s5] =	ssyncadd.remote.s32 @p0 $0x1;
	_ =	sdelay $0x1  }
0xac: {  	s5 =	simm.s32 @p0 $0x1B8D  }
0xad: {  	_ =	swait.eq @p0 [sflag:s5], $0x1  }
0xae: {  	[sflag:s5] =	ssyncadd.s32 @p0 $0xFFFFFFFF  }
0xaf: {  	s6 =	sshll.u32 @!p0 s1, $0xE  }
0xb0: {  	s6 =	sor.u32 @!p0 $0x4000, s6;
	s5 =	simm.s32 @!p0 $0x1B8D  }
0xb1: {  	s4 =	sshll.u32 @!p0 s4, $0x11;
	s6 =	sadd.s32 @!p0 $0x11B8D, s6;
	_ =	swait.eq @!p0 [sflag:s5], $0x1  }
0xb2: {  	s4 =	sor.u32 @!p0 s4, s6;
	[sflag:s5] =	ssyncadd.s32 @!p0 $0xFFFFFFFF  }
0xb3: {  	s25 =	simm.s32 $0x1B8E;
	s24 =	sld [smem:$0x3FFE];
	[sflag:s4] =	ssyncadd.remote.s32 @!p0 $0x1  }
0xb4: {  	s26 =	simm.s32 $execute0_lowered;
	[smem:$0x3FD2] =	sst s25  }
0xb5: {  	s5 =	sshll.u32 s26, $0x1;
	_ =	strace $0x8000004C;
	[dreg:$0x1] =	wrdreg $0xFFFFFFFF  }
0xb6: {  	s28 =	simm.s32 $_size_execute0_lowered;
	s3 =	sadd.s32 s3, s5;
	[dreg:$0x0] =	wrdreg $0x0  }
0xb7: {  	s5 =	sshll.u32 s28, $0x1;
	[dreg:$0x2] =	wrdreg s3  }
0xb8: {  	[dreg:$0x3] =	wrdreg s5  }
0xb9: {  	[dreg:$0x4] =	wrdreg $0xC0  }
0xba: {  	_ =	task [dreg:s22], $0x5FFFF  }
0xbb: {  	[dreg:$0x1] =	wrdreg $0xFFFFFFFF  }
0xbc: {  	[dreg:$0x0] =	wrdreg $0x60  }
0xbd: {  	[dreg:$0x2] =	wrdreg s24  }
0xbe: {  	[dreg:$0x3] =	wrdreg $0xB  }
0xbf: {  	_ =	task.clear_ibuf [dreg:s22], $0x4FFFF;
	_ =	strace $0x9000004C  }
0xc0: {  	s29 =	simm.s32 $0xB;
	_ =	strace $0x8000004E  }
0xc1: {  	_ =	swait.ge [sflag:s29], $0x1  }
0xc2: {  	[sflag:s29] =	ssyncadd.s32 $0xFFFFFFFF  }
0xc3: {  	_ =	strace $0x9000004E  }
0xc4: {  	_ =	sfence  }
0xc5: {  	s30 =	sld [smem:$0x0];
	_ =	sdelay $0x2  }
0xc6: {  	s31 =	sshll.u32 s1, $0xD;
	s1 =	sshrl.u32 s1, $0x2  }
0xc7: {  	s4 =	sand.u32 $0x4000, s31;
	s1 =	sadd.s32 s1, s30  }
0xc8: {  	s0 =	sor.u32 s4, s0;
	s1 =	sshll.u32 s1, $0x11  }
0xc9: {  	s0 =	sor.u32 s1, s0  }
0xca: {  	s0 =	sadd.s32 $0x8F2B, s0  }
0xcb: {  	[sflag:s0] =	ssyncadd.remote.s32 $0x1  }
0xcc: {  	_ =	sfence.sel $0xFFFF  }
0xcd: {  	[dreg:$0x0] =	wrdreg $0xFFFFFFFF;
	(pc) =	sbr.abs _section_cstart, $3  }
0xce: {  	[dreg:$0x1] =	wrdreg $0xFFFFFFFF  }
0xcf: {  	_ =	task.clear_ibuf [dreg:s22], $0x2FFFF;
	_ =	strace $0x9FFFFFFF  }
0xd0: {  	(tm) =	ssettm $0x7FFFFFFF  }
0xd1: {  	_ =	shalt  }
tec
execute0_lowered:
.L_overlay_start_1:
0x0: {  	(tag) =	ssettag $0x1  }
0x1: {  	s0 =	srdreg.scid  }
0x2: {  	s4 =	stileid.u32;
	s1 =	sand.u32 $0x1, s0  }
0x3: {  	s21 =	sshll.u32 s4, $0xB;
	s2 =	sshll.u32 s1, $0xA  }
0x4: {  	s0 =	sor.u32 s2, s21  }
0x5: {  	s2 =	sshrl.u32 s0, $0x3  }
0x6: {  	s0 =	rddreg [dreg:$0x0];
	s3 =	smul.u32 $0x280, s2;
	s2 =	simm.s32 $0x0  }
0x7: {  	s22 =	simm.s32 $0xC00;
	[smem:$0x7FF] =	sst s2  }
0x8: {  	s23 =	simm.s32 $0x1400;
	_ =	strace $0x8000004D;
	[dreg:$0x3] =	wrdreg s22  }
0x9: {  	s24 =	simm.s32 $0x1800;
	[dreg:$0x4] =	wrdreg s23  }
0xa: {  	s25 =	simm.s32 $0x2000;
	[dreg:$0x5] =	wrdreg s24  }
0xb: {  	s26 =	simm.s32 $0x2800;
	[dreg:$0x6] =	wrdreg s25  }
0xc: {  	s5 =	simm.s32 $0x2C00;
	[dreg:$0x7] =	wrdreg s26  }
0xd: {  	s6 =	simm.s32 $0x3400;
	[dreg:$0x8] =	wrdreg s5  }
0xe: {  	s7 =	simm.s32 $0x3C00;
	[dreg:$0x9] =	wrdreg s6  }
0xf: {  	s8 =	simm.s32 $0x4000;
	[dreg:$0xa] =	wrdreg s7  }
0x10: {  	s9 =	simm.s32 $0x4800;
	[dreg:$0xb] =	wrdreg s8  }
0x11: {  	s10 =	simm.s32 $0x5000;
	[dreg:$0xc] =	wrdreg s9  }
0x12: {  	s11 =	simm.s32 $0x5400;
	[dreg:$0xd] =	wrdreg s10  }
0x13: {  	s12 =	simm.s32 $0x5C00;
	[dreg:$0xe] =	wrdreg s11  }
0x14: {  	s13 =	simm.s32 $0x6400;
	[dreg:$0xf] =	wrdreg s12  }
0x15: {  	s14 =	simm.s32 $0x6800;
	s15 =	simm.s32 $0x7000;
	[dreg:$0x10] =	wrdreg s13  }
0x16: {  	s16 =	simm.s32 $0x7800;
	s17 =	simm.s32 $0x7C00;
	[dreg:$0x11] =	wrdreg s14  }
0x17: {  	s18 =	simm.s32 $0x8400;
	s19 =	simm.s32 $0x8C00;
	[dreg:$0x12] =	wrdreg s15  }
0x18: {  	s20 =	simm.s32 $0x9000;
	s28 =	simm.s32 $0x13800;
	[dreg:$0x13] =	wrdreg s16  }
0x19: {  	s29 =	simm.s32 $0x14000;
	s30 =	simm.s32 $0x1;
	[dreg:$0x14] =	wrdreg s17  }
0x1a: {  	s31 =	simm.s32 $0x0;
	s4 =	sshll.u32 s4, $0x8;
	[dreg:$0x15] =	wrdreg s18  }
0x1b: {  	s21 =	simm.s32 $0x9800;
	s3 =	sadd.s32 s3, s0;
	[dreg:$0x16] =	wrdreg s19  }
0x1c: {  	s5 =	sshll.u32 s1, $0x7;
	s1 =	ssub.s32 $0x2, s1;
	[dreg:$0x17] =	wrdreg s20  }
0x1d: {  	[dreg:$0x18] =	wrdreg s21;
	s22 =	simm.s32 $0xA000;
	s23 =	simm.s32 $0xA400  }
0x1e: {  	s24 =	simm.s32 $0xAC00;
	s7 =	simm.s32 $0xB400;
	s25 =	simm.s32 $0xB800  }
0x1f: {  	s26 =	simm.s32 $0xC000;
	s8 =	simm.s32 $0x2;
	s9 =	simm.s32 $0x400  }
0x20: {  	s10 =	simm.s32 $0xC800;
	s11 =	simm.s32 $0xCC00;
	s12 =	simm.s32 $0xD400  }
0x21: {  	s13 =	simm.s32 $0xDC00;
	s14 =	simm.s32 $0xE000;
	s15 =	simm.s32 $0xE800  }
0x22: {  	s16 =	simm.s32 $0xF000;
	s17 =	simm.s32 $0xF400;
	[dreg:$0x19] =	wrdreg s22  }
0x23: {  	s18 =	simm.s32 $0xFC00;
	s19 =	simm.s32 $0x10400;
	[dreg:$0x1a] =	wrdreg s23  }
0x24: {  	s20 =	simm.s32 $0x10800;
	s21 =	simm.s32 $0x11000;
	[dreg:$0x1b] =	wrdreg s24  }
0x25: {  	s3 =	sadd.s32 $0x69E400, s3;
	s4 =	sor.u32 s5, s4;
	[dreg:$0x1c] =	wrdreg s7  }
0x26: {  	s6 =	sshrl.u32 s1, $0x1;
	s5 =	sadd.s32 $0x63D500, s0;
	[dreg:$0x1d] =	wrdreg s25  }
0x27: {  	[dreg:$0x1e] =	wrdreg s26;
	s22 =	simm.s32 $0x11800;
	s23 =	simm.s32 $0x11C00  }
0x28: {  	s24 =	simm.s32 $0x12400;
	s25 =	simm.s32 $0x12C00;
	s4 =	sadd.s32 s4, s0  }
0x29: {  	v2 =	vlaneseq.u32;
	[dreg:$0x2] =	wrdreg s3;
	s1 =	ssub.s32 s1, s6;
	s4 =	sadd.s32 $0x69D400, s4  }
0x2a: {  	vm0 =	vmmov $0xffff;
	vm1 =	vmmov $0xff;
	v1 =	vshrl.u32 v2, $0x3;
	s3 =	sadd.s32 $0x63D400, s0;
	s1 =	smax.u32 s1, $0x1;
	[dreg:$0x1f] =	wrdreg s4  }
0x2b: {  	v0 =	vand.u32 $0x7, v2;
	v2 =	vor.u32 $0x8, v2;
	v1 =	vmul.u32 $0x8, v1;
	s26 =	simm.s32 $0x13000;
	s6 =	sadd.s32 $0x63D600, s0;
	[smem:$0x7FD] =	sst s1  }
.LBB2_1:
0x2c: {  	s0 =	rddreg [dreg:$0x1f]  }
0x2d: {  	[tilespmem:s2], [sflag:$0x2] =	stream.linear.gather [hbm4b:s0+s2], $0x400, $0x38;
	[tilespmem:$0x14400] =	vst v63  }
0x2e: {  	_ =	swait.ge [sflag:s8], $0x400  }
0x2f: {  	[sflag:s8] =	ssyncset.done $0x0  }
0x30: {  	s1 =	simm.s32 $0x40;
	s0 =	simm.s32 $0x0;
	[sflag:s8] =	ssyncadd.s32 $0xFFFFFC00  }
.LBB2_2:
0x31: {  	v3 =	vld [tilespmem:s1+$0xFFFFFFC0];
	_ =	sdelay $0x4  }
0x32: {  	v4 =	vshrl.u32 v3, $0x3  }
0x33: {  	v4 =	vmul.u32 $0x28, v4  }
0x34: {  	v3 =	vand.u32 $0x7, v3  }
0x35: {  	v3 =	vor.u32 v3, v4  }
0x36: {  	v4 =	vperm.xlane v3, v0;
	_ =	sdelay $0x1  }
0x37: {  	v4 =	vadd.s32 v1, v4;
	_ =	sdelay $0x3  }
0x38: {  	v3 =	vperm.xlane v3, v2  }
0x39: {  	[tilespmem:s9], [sflag:$0x1] =	stream.indirect_vreg.gather [hbm4b:s3+s2], $0x80, v4, vm0, $0xb8;
	[tilespmem:$0x14400] =	vst v63  }
0x3a: {  	s4 =	rddreg [dreg:$0x3];
	v3 =	vadd.s32 v1, v3  }
0x3b: {  	[tilespmem:s4], [sflag:$0x1] =	stream.indirect_vreg.gather [hbm4b:s5+s2], $0x80, v4, vm0, $0xb8;
	[tilespmem:$0x14400] =	vst v63  }
0x3c: {  	s7 =	rddreg [dreg:$0x4]  }
0x3d: {  	[tilespmem:s7], [sflag:$0x1] =	stream.indirect_vreg.gather [hbm4b:s6+s2], $0x80, v4, vm1, $0xb8;
	[tilespmem:$0x14400] =	vst v63  }
0x3e: {  	s4 =	rddreg [dreg:$0x5]  }
0x3f: {  	[tilespmem:s4], [sflag:$0x1] =	stream.indirect_vreg.gather [hbm4b:s3+s2], $0x80, v3, vm0, $0xb8;
	[tilespmem:$0x14400] =	vst v63  }
0x40: {  	s7 =	rddreg [dreg:$0x6]  }
0x41: {  	[tilespmem:s7], [sflag:$0x1] =	stream.indirect_vreg.gather [hbm4b:s5+s2], $0x80, v3, vm0, $0xb8;
	[tilespmem:$0x14400] =	vst v63  }
0x42: {  	s4 =	rddreg [dreg:$0x7]  }
0x43: {  	[tilespmem:s4], [sflag:$0x1] =	stream.indirect_vreg.gather [hbm4b:s6+s2], $0x80, v3, vm1, $0xb8;
	[tilespmem:$0x14400] =	vst v63  }
0x44: {  	v3 =	vld [tilespmem:s1+$0xFFFFFFD0];
	_ =	sdelay $0x4  }
0x45: {  	v57 =	vshrl.u32 v3, $0x3  }
0x46: {  	v4 =	vmul.u32 $0x28, v57  }
0x47: {  	v3 =	vand.u32 $0x7, v3  }
0x48: {  	v3 =	vor.u32 v3, v4  }
0x49: {  	v4 =	vperm.xlane v3, v0;
	_ =	sdelay $0x1  }
0x4a: {  	v4 =	vadd.s32 v1, v4;
	_ =	sdelay $0x3  }
0x4b: {  	s4 =	rddreg [dreg:$0x8];
	v3 =	vperm.xlane v3, v2  }
0x4c: {  	[tilespmem:s4], [sflag:$0x1] =	stream.indirect_vreg.gather [hbm4b:s3+s2], $0x80, v4, vm0, $0xb8;
	[tilespmem:$0x14400] =	vst v63  }
0x4d: {  	s7 =	rddreg [dreg:$0x9];
	v3 =	vadd.s32 v1, v3  }
0x4e: {  	[tilespmem:s7], [sflag:$0x1] =	stream.indirect_vreg.gather [hbm4b:s5+s2], $0x80, v4, vm0, $0xb8;
	[tilespmem:$0x14400] =	vst v63  }
0x4f: {  	s4 =	rddreg [dreg:$0xa]  }
0x50: {  	[tilespmem:s4], [sflag:$0x1] =	stream.indirect_vreg.gather [hbm4b:s6+s2], $0x80, v4, vm1, $0xb8;
	[tilespmem:$0x14400] =	vst v63  }
0x51: {  	s7 =	rddreg [dreg:$0xb]  }
0x52: {  	[tilespmem:s7], [sflag:$0x1] =	stream.indirect_vreg.gather [hbm4b:s3+s2], $0x80, v3, vm0, $0xb8;
	[tilespmem:$0x14400] =	vst v63  }
0x53: {  	s4 =	rddreg [dreg:$0xc]  }
0x54: {  	[tilespmem:s4], [sflag:$0x1] =	stream.indirect_vreg.gather [hbm4b:s5+s2], $0x80, v3, vm0, $0xb8;
	[tilespmem:$0x14400] =	vst v63  }
0x55: {  	s7 =	rddreg [dreg:$0xd]  }
0x56: {  	[tilespmem:s7], [sflag:$0x1] =	stream.indirect_vreg.gather [hbm4b:s6+s2], $0x80, v3, vm1, $0xb8;
	[tilespmem:$0x14400] =	vst v63  }
0x57: {  	v3 =	vld [tilespmem:s1+$0xFFFFFFE0];
	_ =	sdelay $0x4  }
0x58: {  	v58 =	vshrl.u32 v3, $0x3  }
0x59: {  	v4 =	vmul.u32 $0x28, v58  }
0x5a: {  	v3 =	vand.u32 $0x7, v3  }
0x5b: {  	v3 =	vor.u32 v3, v4  }
0x5c: {  	v4 =	vperm.xlane v3, v0;
	_ =	sdelay $0x1  }
0x5d: {  	v4 =	vadd.s32 v1, v4;
	_ =	sdelay $0x3  }
0x5e: {  	s4 =	rddreg [dreg:$0xe];
	v3 =	vperm.xlane v3, v2  }
0x5f: {  	[tilespmem:s4], [sflag:$0x1] =	stream.indirect_vreg.gather [hbm4b:s3+s2], $0x80, v4, vm0, $0xb8;
	[tilespmem:$0x14400] =	vst v63  }
0x60: {  	s7 =	rddreg [dreg:$0xf];
	v3 =	vadd.s32 v1, v3  }
0x61: {  	[tilespmem:s7], [sflag:$0x1] =	stream.indirect_vreg.gather [hbm4b:s5+s2], $0x80, v4, vm0, $0xb8;
	[tilespmem:$0x14400] =	vst v63  }
0x62: {  	s4 =	rddreg [dreg:$0x10]  }
0x63: {  	[tilespmem:s4], [sflag:$0x1] =	stream.indirect_vreg.gather [hbm4b:s6+s2], $0x80, v4, vm1, $0xb8;
	[tilespmem:$0x14400] =	vst v63  }
0x64: {  	s7 =	rddreg [dreg:$0x11]  }
0x65: {  	[tilespmem:s7], [sflag:$0x1] =	stream.indirect_vreg.gather [hbm4b:s3+s2], $0x80, v3, vm0, $0xb8;
	[tilespmem:$0x14400] =	vst v63  }
0x66: {  	s4 =	rddreg [dreg:$0x12]  }
0x67: {  	[tilespmem:s4], [sflag:$0x1] =	stream.indirect_vreg.gather [hbm4b:s5+s2], $0x80, v3, vm0, $0xb8;
	[tilespmem:$0x14400] =	vst v63  }
0x68: {  	s7 =	rddreg [dreg:$0x13]  }
0x69: {  	[tilespmem:s7], [sflag:$0x1] =	stream.indirect_vreg.gather [hbm4b:s6+s2], $0x80, v3, vm1, $0xb8;
	[tilespmem:$0x14400] =	vst v63  }
0x6a: {  	v3 =	vld [tilespmem:s1+$0xFFFFFFF0];
	_ =	sdelay $0x4  }
0x6b: {  	v59 =	vshrl.u32 v3, $0x3  }
0x6c: {  	v4 =	vmul.u32 $0x28, v59  }
0x6d: {  	v3 =	vand.u32 $0x7, v3  }
0x6e: {  	v3 =	vor.u32 v3, v4  }
0x6f: {  	v4 =	vperm.xlane v3, v0;
	_ =	sdelay $0x1  }
0x70: {  	v4 =	vadd.s32 v1, v4;
	_ =	sdelay $0x3  }
0x71: {  	s4 =	rddreg [dreg:$0x14];
	v3 =	vperm.xlane v3, v2  }
0x72: {  	[tilespmem:s4], [sflag:$0x1] =	stream.indirect_vreg.gather [hbm4b:s3+s2], $0x80, v4, vm0, $0xb8;
	[tilespmem:$0x14400] =	vst v63  }
0x73: {  	s7 =	rddreg [dreg:$0x15];
	v3 =	vadd.s32 v1, v3  }
0x74: {  	[tilespmem:s7], [sflag:$0x1] =	stream.indirect_vreg.gather [hbm4b:s5+s2], $0x80, v4, vm0, $0xb8;
	[tilespmem:$0x14400] =	vst v63  }
0x75: {  	s4 =	rddreg [dreg:$0x16]  }
0x76: {  	[tilespmem:s4], [sflag:$0x1] =	stream.indirect_vreg.gather [hbm4b:s6+s2], $0x80, v4, vm1, $0xb8;
	[tilespmem:$0x14400] =	vst v63  }
0x77: {  	s7 =	rddreg [dreg:$0x17]  }
0x78: {  	[tilespmem:s7], [sflag:$0x1] =	stream.indirect_vreg.gather [hbm4b:s3+s2], $0x80, v3, vm0, $0xb8;
	[tilespmem:$0x14400] =	vst v63  }
0x79: {  	s4 =	rddreg [dreg:$0x18]  }
0x7a: {  	[tilespmem:s4], [sflag:$0x1] =	stream.indirect_vreg.gather [hbm4b:s5+s2], $0x80, v3, vm0, $0xb8;
	[tilespmem:$0x14400] =	vst v63  }
0x7b: {  	s7 =	rddreg [dreg:$0x19]  }
0x7c: {  	[tilespmem:s7], [sflag:$0x1] =	stream.indirect_vreg.gather [hbm4b:s6+s2], $0x80, v3, vm1, $0xb8;
	[tilespmem:$0x14400] =	vst v63  }
0x7d: {  	v3 =	vld [tilespmem:s1+$0x0];
	_ =	sdelay $0x4  }
0x7e: {  	v60 =	vshrl.u32 v3, $0x3  }
0x7f: {  	v4 =	vmul.u32 $0x28, v60  }
0x80: {  	v3 =	vand.u32 $0x7, v3  }
0x81: {  	v3 =	vor.u32 v3, v4  }
0x82: {  	v4 =	vperm.xlane v3, v0;
	_ =	sdelay $0x1  }
0x83: {  	v4 =	vadd.s32 v1, v4;
	_ =	sdelay $0x3  }
0x84: {  	s4 =	rddreg [dreg:$0x1a];
	v3 =	vperm.xlane v3, v2  }
0x85: {  	[tilespmem:s4], [sflag:$0x1] =	stream.indirect_vreg.gather [hbm4b:s3+s2], $0x80, v4, vm0, $0xb8;
	[tilespmem:$0x14400] =	vst v63  }
0x86: {  	s7 =	rddreg [dreg:$0x1b];
	v3 =	vadd.s32 v1, v3  }
0x87: {  	[tilespmem:s7], [sflag:$0x1] =	stream.indirect_vreg.gather [hbm4b:s5+s2], $0x80, v4, vm0, $0xb8;
	[tilespmem:$0x14400] =	vst v63  }
0x88: {  	s4 =	rddreg [dreg:$0x1c]  }
0x89: {  	[tilespmem:s4], [sflag:$0x1] =	stream.indirect_vreg.gather [hbm4b:s6+s2], $0x80, v4, vm1, $0xb8;
	[tilespmem:$0x14400] =	vst v63  }
0x8a: {  	s7 =	rddreg [dreg:$0x1d]  }
0x8b: {  	[tilespmem:s7], [sflag:$0x1] =	stream.indirect_vreg.gather [hbm4b:s3+s2], $0x80, v3, vm0, $0xb8;
	[tilespmem:$0x14400] =	vst v63  }
0x8c: {  	s4 =	rddreg [dreg:$0x1e]  }
0x8d: {  	[tilespmem:s4], [sflag:$0x1] =	stream.indirect_vreg.gather [hbm4b:s5+s2], $0x80, v3, vm0, $0xb8;
	[tilespmem:$0x14400] =	vst v63  }
0x8e: {  	_ = 	snop  }
0x8f: {  	[tilespmem:s10], [sflag:$0x1] =	stream.indirect_vreg.gather [hbm4b:s6+s2], $0x80, v3, vm1, $0xb8;
	[tilespmem:$0x14400] =	vst v63  }
0x90: {  	v3 =	vld [tilespmem:s1+$0x10];
	_ =	sdelay $0x4  }
0x91: {  	v61 =	vshrl.u32 v3, $0x3  }
0x92: {  	v4 =	vmul.u32 $0x28, v61  }
0x93: {  	v3 =	vand.u32 $0x7, v3  }
0x94: {  	v3 =	vor.u32 v3, v4  }
0x95: {  	v4 =	vperm.xlane v3, v0;
	_ =	sdelay $0x1  }
0x96: {  	v4 =	vadd.s32 v1, v4;
	_ =	sdelay $0x3  }
0x97: {  	v3 =	vperm.xlane v3, v2  }
0x98: {  	[tilespmem:s11], [sflag:$0x1] =	stream.indirect_vreg.gather [hbm4b:s3+s2], $0x80, v4, vm0, $0xb8;
	[tilespmem:$0x14400] =	vst v63  }
0x99: {  	v3 =	vadd.s32 v1, v3  }
0x9a: {  	[tilespmem:s12], [sflag:$0x1] =	stream.indirect_vreg.gather [hbm4b:s5+s2], $0x80, v4, vm0, $0xb8;
	[tilespmem:$0x14400] =	vst v63  }
0x9b: {  	_ = 	snop  }
0x9c: {  	[tilespmem:s13], [sflag:$0x1] =	stream.indirect_vreg.gather [hbm4b:s6+s2], $0x80, v4, vm1, $0xb8;
	[tilespmem:$0x14400] =	vst v63  }
0x9d: {  	_ = 	snop  }
0x9e: {  	[tilespmem:s14], [sflag:$0x1] =	stream.indirect_vreg.gather [hbm4b:s3+s2], $0x80, v3, vm0, $0xb8;
	[tilespmem:$0x14400] =	vst v63  }
0x9f: {  	_ = 	snop  }
0xa0: {  	[tilespmem:s15], [sflag:$0x1] =	stream.indirect_vreg.gather [hbm4b:s5+s2], $0x80, v3, vm0, $0xb8;
	[tilespmem:$0x14400] =	vst v63  }
0xa1: {  	_ = 	snop  }
0xa2: {  	[tilespmem:s16], [sflag:$0x1] =	stream.indirect_vreg.gather [hbm4b:s6+s2], $0x80, v3, vm1, $0xb8;
	[tilespmem:$0x14400] =	vst v63  }
0xa3: {  	v3 =	vld [tilespmem:s1+$0x20];
	_ =	sdelay $0x4  }
0xa4: {  	v62 =	vshrl.u32 v3, $0x3  }
0xa5: {  	v4 =	vmul.u32 $0x28, v62  }
0xa6: {  	v3 =	vand.u32 $0x7, v3  }
0xa7: {  	v3 =	vor.u32 v3, v4  }
0xa8: {  	v4 =	vperm.xlane v3, v0;
	_ =	sdelay $0x1  }
0xa9: {  	v4 =	vadd.s32 v1, v4;
	_ =	sdelay $0x3  }
0xaa: {  	v3 =	vperm.xlane v3, v2  }
0xab: {  	[tilespmem:s17], [sflag:$0x1] =	stream.indirect_vreg.gather [hbm4b:s3+s2], $0x80, v4, vm0, $0xb8;
	[tilespmem:$0x14400] =	vst v63  }
0xac: {  	v3 =	vadd.s32 v1, v3  }
0xad: {  	[tilespmem:s18], [sflag:$0x1] =	stream.indirect_vreg.gather [hbm4b:s5+s2], $0x80, v4, vm0, $0xb8;
	[tilespmem:$0x14400] =	vst v63  }
0xae: {  	_ = 	snop  }
0xaf: {  	[tilespmem:s19], [sflag:$0x1] =	stream.indirect_vreg.gather [hbm4b:s6+s2], $0x80, v4, vm1, $0xb8;
	[tilespmem:$0x14400] =	vst v63  }
0xb0: {  	_ = 	snop  }
0xb1: {  	[tilespmem:s20], [sflag:$0x1] =	stream.indirect_vreg.gather [hbm4b:s3+s2], $0x80, v3, vm0, $0xb8;
	[tilespmem:$0x14400] =	vst v63  }
0xb2: {  	_ = 	snop  }
0xb3: {  	[tilespmem:s21], [sflag:$0x1] =	stream.indirect_vreg.gather [hbm4b:s5+s2], $0x80, v3, vm0, $0xb8;
	[tilespmem:$0x14400] =	vst v63  }
0xb4: {  	_ = 	snop  }
0xb5: {  	[tilespmem:s22], [sflag:$0x1] =	stream.indirect_vreg.gather [hbm4b:s6+s2], $0x80, v3, vm1, $0xb8;
	[tilespmem:$0x14400] =	vst v63  }
0xb6: {  	v3 =	vld [tilespmem:s1+$0x30];
	_ =	sdelay $0x4  }
0xb7: {  	v63 =	vshrl.u32 v3, $0x3  }
0xb8: {  	v4 =	vmul.u32 $0x28, v63  }
0xb9: {  	v3 =	vand.u32 $0x7, v3  }
0xba: {  	v3 =	vor.u32 v3, v4  }
0xbb: {  	v4 =	vperm.xlane v3, v0;
	_ =	sdelay $0x1  }
0xbc: {  	v4 =	vadd.s32 v1, v4;
	_ =	sdelay $0x3  }
0xbd: {  	v3 =	vperm.xlane v3, v2  }
0xbe: {  	[tilespmem:s23], [sflag:$0x1] =	stream.indirect_vreg.gather [hbm4b:s3+s2], $0x80, v4, vm0, $0xb8;
	[tilespmem:$0x14400] =	vst v63  }
0xbf: {  	v3 =	vadd.s32 v1, v3  }
0xc0: {  	[tilespmem:s24], [sflag:$0x1] =	stream.indirect_vreg.gather [hbm4b:s5+s2], $0x80, v4, vm0, $0xb8;
	[tilespmem:$0x14400] =	vst v63  }
0xc1: {  	_ = 	snop  }
0xc2: {  	[tilespmem:s25], [sflag:$0x1] =	stream.indirect_vreg.gather [hbm4b:s6+s2], $0x80, v4, vm1, $0xb8;
	[tilespmem:$0x14400] =	vst v63  }
0xc3: {  	_ = 	snop  }
0xc4: {  	[tilespmem:s26], [sflag:$0x1] =	stream.indirect_vreg.gather [hbm4b:s3+s2], $0x80, v3, vm0, $0xb8;
	[tilespmem:$0x14400] =	vst v63  }
0xc5: {  	_ = 	snop  }
0xc6: {  	[tilespmem:s28], [sflag:$0x1] =	stream.indirect_vreg.gather [hbm4b:s5+s2], $0x80, v3, vm0, $0xb8;
	[tilespmem:$0x14400] =	vst v63  }
0xc7: {  	_ = 	snop  }
0xc8: {  	[tilespmem:s29], [sflag:$0x1] =	stream.indirect_vreg.gather [hbm4b:s6+s2], $0x80, v3, vm1, $0xb8;
	[tilespmem:$0x14400] =	vst v63  }
0xc9: {  	_ =	swait.ge [sflag:s30], $0x14000  }
0xca: {  	p0 =	sne.s32 s0, $0x11800;
	s7 =	rddreg [dreg:$0x2];
	[sflag:s30] =	ssyncset.done $0x0  }
.Ltmp0:
0xcb: {  	[sflag:s30] =	ssyncadd.s32 $0xFFFEC000;
	s4 =	sadd.s32 s0, s7;
	(pc) =	sbr.rel @p0 .LBB2_2-.Ltmp0, $4  }
0xcc: {  	[hbm4b:s4+s2] =	stream.linear.scatter [tilespmem:s9], [sflag:$0x2], $0x14000, $0x38;
	[tilespmem:$0x14400] =	vst v63  }
0xcd: {  	_ =	swait.ge [sflag:s8], $0x14000  }
0xce: {  	[sflag:s8] =	ssyncset.done $0x0  }
0xcf: {  	s1 =	sadd.s32 $0x80, s1;
	s0 =	sadd.s32 $0x2800, s0;
	[sflag:s8] =	ssyncadd.s32 $0xFFFEC000  }
0xd0: {  	s0 =	sld [smem:$0x7FD];
	_ =	sdelay $0x1  }
0xd1: {  	s31 =	sadd.s32 $0x1, s31  }
0xd2: {  	p0 =	sne.s32 s31, s0  }
.Ltmp1:
0xd3: {  	_ = 	snop;
	(pc) =	sbr.rel @p0 .LBB2_1-.Ltmp1, $1  }
0xd4: {  	_ =	sdelay $0x3  }
0xd5: {  	_ =	sfence.sel $0x180000  }
0xd6: {  	[bflag:$0x0] =	sbarrier.arrive $0xFFFF  }
0xd7: {  	_ =	strace $0x9000004D  }
0xd8: {  	s0 =	stileid.u32;
	[bflag:$0x2] =	sbarrier.arrive $0xFFFF  }
0xd9: {  	p0 =	sne.s32 s0, $0x0;
	s0 =	rddreg [dreg:$0x1]  }
0xda: {  	s0 =	sadd.s32 @!p0 $0x100000, s0  }
0xdb: {  	[sflag:s0] =	ssyncadd.tile.s32 @!p0 $0x1;
	_ =	shalt  }
.Lfunc_end2:
_tile_overlayer_lowered:
.L_overlay_start_2:
0xdc: {  	(tag) =	ssettag $0x2  }
0xdd: {  	s0 =	rddreg [dreg:$0x0];
	s2 =	stileid.u32  }
0xde: {  	s1 =	rddreg [dreg:$0x1];
	p0 =	sne.s32 s2, $0x0  }
0xdf: {  	s3 =	rddreg [dreg:$0x2];
	[bflag:$0x3] =	sbarrier.arrive $0xFFFF;
	s2 =	simm.s32 @!p0 $0x1C02  }
0xe0: {  	[timem:s3], [sflag:s2] =	dma.local @!p0 [hbm:s0], s1  }
0xe1: {  	s0 =	simm.s32 @!p0 $0x2  }
0xe2: {  	_ =	swait.ge @!p0 [sflag:s0], s1  }
0xe3: {  	s1 =	ssub.s32 @!p0 $0x0, s1;
	[sflag:s0] =	ssyncset.done @!p0 $0x0  }
0xe4: {  	[sflag:s0] =	ssyncadd.s32 @!p0 s1  }
0xe5: {  	[bflag:$0x3] =	sbarrier.arrive $0xFFFF  }
0xe6: {  	_ =	shalt  }

// kernel: kernel.23.cloned.1.call-start
scs
__scs_entry_jumppad:
0x0: {  	(pc) =	sbr.rel $0x88, $3  }
0x1: {  	(tag) =	ssettag $0x0;
	lr =	simm.s32 $0x1  }
0x2: {  	[smem:$0x3F93] =	sst lr;
	_ =	strace $0xD0000000  }
0x3: {  	_ = 	snop  }
0x4: {  	_ = 	snop  }
0x5: {  	_ = 	snop  }
0x6: {  	_ = 	snop  }
0x7: {  	_ = 	snop  }
__scs_overlays_trampoline_lowered:
0x8: {  	[smem:$0x3FA2] =	sst s0  }
0x9: {  	[smem:$0x3FA3] =	sst s1  }
0xa: {  	[smem:$0x3FA4] =	sst s2  }
0xb: {  	[smem:$0x3FA5] =	sst s3  }
0xc: {  	[smem:$0x3FA6] =	sst s4  }
0xd: {  	[smem:$0x3FA7] =	sst s5  }
0xe: {  	[smem:$0x3FA8] =	sst s6  }
0xf: {  	[smem:$0x3FA9] =	sst s7  }
0x10: {  	[smem:$0x3FAA] =	sst s8  }
0x11: {  	[smem:$0x3FAB] =	sst s9;
	s0 =	simm.s32 @!p0 $0x0  }
0x12: {  	s1 =	sld [smem:$0x3F91];
	s0 =	simm.s32 @p0 $0x1  }
0x13: {  	[smem:$0x3FAC] =	sst s0;
	s0 =	simm.s32 @!p1 $0x0  }
0x14: {  	s2 =	sld [smem:$0x3F90];
	s0 =	simm.s32 @p1 $0x1  }
0x15: {  	[smem:$0x3FAD] =	sst s0;
	s0 =	simm.s32 @!p2 $0x0  }
0x16: {  	s3 =	sld [smem:$0x3FDB];
	s0 =	simm.s32 @p2 $0x1  }
0x17: {  	s4 =	simm.s32 $0x1BF5;
	[smem:$0x3FAF] =	sst s0  }
0x18: {  	s0 =	sld [smem:$0x3F92];
	_ =	swait.ge [sflag:s4], $0x0  }
0x19: {  	s7 =	sld [smem:$0x3F93]  }
0x1a: {  	s8 =	sadd.s32 $0xFFFFE003, lr  }
0x1b: {  	s9 =	sadd.s32 $0xFFFFFEF7, lr;
	s5 =	simm.s32 $0xFFFFFFFF;
	p2 =	slt.u32 s8, $0xFFFFF086  }
0x1c: {  	p1 =	slt.u32 s9, $0xF7A;
	s5 =	simm.s32 @!p2 $0x0  }
0x1d: {  	s5 =	simm.s32 @p1 $0x1;
	p0 =	seq.s32 s7, s2  }
0x1e: {  	s7 =	smul.u32 @!p0 $0xF7A, s2;
	p2 =	seq.s32 @!p0 s5, $0x0  }
0x1f: {  	s9 =	smul.u32 $0xF7A, s1;
	s8 =	simm.s32 @!p0 $0x1BF5;
	p2 =	por !p2, p0  }
0x20: {  	[sflag:s8] =	ssyncset.s32 @!p0 $0xFFFFF086;
	s6 =	sadd.s32 @!p0 s3, s7;
	s7 =	simm.s32 @!p0 $0x108  }
0x21: {  	s3 =	sadd.s32 s3, s9;
	s6 =	sadd.s32 @!p0 $0x88, s6;
	s7 =	simm.s32 @p2 $0x1082  }
0x22: {  	[simem:s7], [sflag:s8] =	dma.local @!p0 [hbm:s6], $0xF7A  }
0x23: {  	s9 =	sor.u32 $0xD0000000, s2;
	s6 =	simm.s32 $0x108;
	_ =	swait.ge @!p0 [sflag:s8], $0x0  }
0x24: {  	s3 =	sadd.s32 $0x88, s3;
	s6 =	simm.s32 @!p1 $0x1082;
	[sflag:s4] =	ssyncset.s32 $0xFFFFF086  }
0x25: {  	[simem:s6], [sflag:s4] =	dma.local [hbm:s3], $0xF7A  }
0x26: {  	[smem:$0x3F93] =	sst s1;
	(tag) =	ssettag s2;
	_ =	strace s9  }
0x27: {  	s1 =	sld [smem:$0x3FA3]  }
0x28: {  	s2 =	sld [smem:$0x3FA4]  }
0x29: {  	s4 =	sld [smem:$0x3FA6]  }
0x2a: {  	p0 =	seq.s32 s5, $0x0;
	s5 =	sld [smem:$0x3FA7]  }
0x2b: {  	s6 =	sld [smem:$0x3FA8]  }
0x2c: {  	s7 =	sld [smem:$0x3FA9]  }
0x2d: {  	s3 =	simm.s32 $0x108;
	s8 =	sld [smem:$0x3FAA]  }
0x2e: {  	s3 =	simm.s32 @!p0 $0x1082;
	s9 =	sld [smem:$0x3FAB]  }
0x2f: {  	lr =	sadd.s32 s0, s3;
	s0 =	sld [smem:$0x3FA2]  }
0x30: {  	s3 =	sld [smem:$0x3FA5]  }
0x31: {  	[smem:$0x3FAE] =	sst s10  }
0x32: {  	s10 =	sld [smem:$0x3FAC];
	_ =	sdelay $0x3  }
0x33: {  	p0 =	seq.s32 s10, $0x1;
	s10 =	sld [smem:$0x3FAE];
	_ =	sdelay $0x3  }
0x34: {  	[smem:$0x3FAE] =	sst s10  }
0x35: {  	s10 =	sld [smem:$0x3FAD];
	_ =	sdelay $0x3  }
0x36: {  	p1 =	seq.s32 s10, $0x1;
	s10 =	sld [smem:$0x3FAE];
	_ =	sdelay $0x3  }
0x37: {  	[smem:$0x3FAE] =	sst s10  }
0x38: {  	s10 =	sld [smem:$0x3FAF]  }
0x39: {  	_ = 	snop;
	(pc) =	sbr.ind lr, $3  }
0x3a: {  	_ = 	snop  }
0x3b: {  	_ = 	snop  }
0x3c: {  	p2 =	seq.s32 s10, $0x1;
	s10 =	sld [smem:$0x3FAE]  }
0x3d: {  	_ =	shalt  }
0x3e: {  	_ =	shalt  }
0x3f: {  	_ =	shalt  }
0x40: {  	_ =	shalt  }
0x41: {  	_ =	shalt  }
0x42: {  	_ =	shalt  }
0x43: {  	_ =	shalt  }
0x44: {  	_ =	shalt  }
0x45: {  	_ =	shalt  }
0x46: {  	_ =	shalt  }
0x47: {  	_ =	shalt  }
0x48: {  	_ =	shalt  }
0x49: {  	_ =	shalt  }
0x4a: {  	_ =	shalt  }
0x4b: {  	_ =	shalt  }
0x4c: {  	_ =	shalt  }
0x4d: {  	_ =	shalt  }
0x4e: {  	_ =	shalt  }
0x4f: {  	_ =	shalt  }
0x50: {  	_ =	shalt  }
0x51: {  	_ =	shalt  }
0x52: {  	_ =	shalt  }
0x53: {  	_ =	shalt  }
0x54: {  	_ =	shalt  }
0x55: {  	_ =	shalt  }
0x56: {  	_ =	shalt  }
0x57: {  	_ =	shalt  }
0x58: {  	_ =	shalt  }
0x59: {  	_ =	shalt  }
0x5a: {  	_ =	shalt  }
0x5b: {  	_ =	shalt  }
0x5c: {  	_ =	shalt  }
0x5d: {  	_ =	shalt  }
0x5e: {  	_ =	shalt  }
0x5f: {  	_ =	shalt  }
0x60: {  	_ =	shalt  }
0x61: {  	_ =	shalt  }
0x62: {  	_ =	shalt  }
0x63: {  	_ =	shalt  }
0x64: {  	_ =	shalt  }
0x65: {  	_ =	shalt  }
0x66: {  	_ =	shalt  }
0x67: {  	_ =	shalt  }
0x68: {  	_ =	shalt  }
0x69: {  	_ =	shalt  }
0x6a: {  	_ =	shalt  }
0x6b: {  	_ =	shalt  }
0x6c: {  	_ =	shalt  }
0x6d: {  	_ =	shalt  }
0x6e: {  	_ =	shalt  }
0x6f: {  	_ =	shalt  }
0x70: {  	_ =	shalt  }
0x71: {  	_ =	shalt  }
0x72: {  	_ =	shalt  }
0x73: {  	_ =	shalt  }
0x74: {  	_ =	shalt  }
0x75: {  	_ =	shalt  }
0x76: {  	_ =	shalt  }
0x77: {  	_ =	shalt  }
0x78: {  	_ =	shalt  }
0x79: {  	_ =	shalt  }
0x7a: {  	_ =	shalt  }
0x7b: {  	_ =	shalt  }
0x7c: {  	_ =	shalt  }
0x7d: {  	_ =	shalt  }
0x7e: {  	_ =	shalt  }
0x7f: {  	_ =	shalt  }
0x80: {  	_ =	shalt  }
0x81: {  	_ =	shalt  }
0x82: {  	_ =	shalt  }
0x83: {  	_ =	shalt  }
0x84: {  	_ =	shalt  }
0x85: {  	_ =	shalt  }
0x86: {  	_ =	shalt  }
0x87: {  	_ =	shalt  }
.Lfunc_end0:
.L_simem_size_0:
called_computation.3_lowered:
.L_overlay_start_0:
0x88: {  	s2 =	sld [smem:$0x3FD9]  }
0x89: {  	s3 =	sld [smem:$0x3FFE];
	_ =	sdelay $0x1  }
0x8a: {  	s1 =	srdreg.scid  }
0x8b: {  	s0 =	sand.u32 $0x1, s1  }
0x8c: {  	s17 =	sshll.u32 s0, $0xA;
	s2 =	sadd.s32 s3, s2  }
0x8d: {  	s2 =	sadd.s32 s2, s17  }
0x8e: {  	[smem:$0x3FBA] =	sst s2  }
0x8f: {  	_ = 	snop  }
0x90: {  	s18 =	sld [smem:$0x3FD0];
	(tm) =	ssettm $0x1  }
0x91: {  	s19 =	sld [smem:$0x3FFB];
	_ =	sdelay $0x3  }
0x92: {  	_ =	strace s19  }
0x93: {  	s2 =	sld [smem:$0x3FFC];
	_ =	sdelay $0x3  }
0x94: {  	_ =	strace s2  }
0x95: {  	s2 =	sld [smem:$0x3FFD];
	_ =	sdelay $0x3  }
0x96: {  	_ =	strace s2  }
0x97: {  	_ =	strace $0x8FFFFFFF  }
0x98: {  	s20 =	sld [smem:$0x3FDB];
	_ =	sdelay $0x1  }
0x99: {  	s4 =	simm.s32 $_scs_section_size  }
0x9a: {  	s5 =	simm.s32 $_size__tile_overlayer_lowered;
	s6 =	simm.s32 $_tile_overlayer_lowered  }
0x9b: {  	s7 =	simm.s32 $0x1BFF;
	s21 =	sshll.u32 s6, $0x1;
	s4 =	sadd.s32 s4, s20  }
0x9c: {  	s22 =	simm.s32 $0x0;
	s5 =	sshll.u32 s5, $0x1;
	s6 =	sadd.s32 s21, s4  }
0x9d: {  	[timem:s22], [sflag:s7] =	dma.local [hbm:s6], s5  }
0x9e: {  	_ =	swait.ge [sflag:s7], s5  }
0x9f: {  	s5 =	ssub.s32 $0x0, s5;
	[sflag:s7] =	ssyncset.done $0x0  }
0xa0: {  	[sflag:s7] =	ssyncadd.s32 s5;
	_ =	sdelay $0x1  }
0xa1: {  	s23 =	simm.s32 $0x1B8B  }
0xa2: {  	_ =	swait.ge [sflag:s23], $0x1  }
0xa3: {  	[sflag:s23] =	ssyncset.done $0x0  }
0xa4: {  	[sflag:s23] =	ssyncadd.s32 $0xFFFFFFFF  }
0xa5: {  	s5 =	sld [smem:$0x0]  }
0xa6: {  	s6 =	sand.u32 $0xFFFFFFFE, s1  }
0xa7: {  	p0 =	sne.s32 s1, s6  }
0xa8: {  	s6 =	sshll.u32 @p0 s6, $0xE  }
0xa9: {  	s6 =	sadd.s32 @p0 $0x11B8D, s6;
	s7 =	sshll.u32 @p0 s5, $0x11  }
0xaa: {  	s6 =	sor.u32 @p0 s7, s6  }
0xab: {  	[sflag:s6] =	ssyncadd.remote.s32 @p0 $0x1;
	_ =	sdelay $0x1  }
0xac: {  	s6 =	simm.s32 @p0 $0x1B8D  }
0xad: {  	_ =	swait.eq @p0 [sflag:s6], $0x1  }
0xae: {  	[sflag:s6] =	ssyncadd.s32 @p0 $0xFFFFFFFF  }
0xaf: {  	s7 =	sshll.u32 @!p0 s1, $0xE  }
0xb0: {  	s7 =	sor.u32 @!p0 $0x4000, s7;
	s6 =	simm.s32 @!p0 $0x1B8D  }
0xb1: {  	s5 =	sshll.u32 @!p0 s5, $0x11;
	s7 =	sadd.s32 @!p0 $0x11B8D, s7;
	_ =	swait.eq @!p0 [sflag:s6], $0x1  }
0xb2: {  	s5 =	sor.u32 @!p0 s5, s7;
	[sflag:s6] =	ssyncadd.s32 @!p0 $0xFFFFFFFF  }
0xb3: {  	s25 =	simm.s32 $0x1B8E;
	s24 =	sld [smem:$0x3FFE];
	[sflag:s5] =	ssyncadd.remote.s32 @!p0 $0x1  }
0xb4: {  	s26 =	simm.s32 $execute0_lowered;
	[smem:$0x3FD2] =	sst s25  }
0xb5: {  	s6 =	sshll.u32 s26, $0x1;
	_ =	strace $0x8000004F;
	[dreg:$0x1] =	wrdreg $0xFFFFFFFF  }
0xb6: {  	s28 =	simm.s32 $_size_execute0_lowered;
	s4 =	sadd.s32 s4, s6;
	[dreg:$0x0] =	wrdreg $0x0  }
0xb7: {  	s6 =	sshll.u32 s28, $0x1;
	[dreg:$0x2] =	wrdreg s4  }
0xb8: {  	[dreg:$0x3] =	wrdreg s6  }
0xb9: {  	[dreg:$0x4] =	wrdreg $0xC0  }
0xba: {  	_ =	task [dreg:s22], $0x5FFFF  }
0xbb: {  	[dreg:$0x1] =	wrdreg $0xFFFFFFFF  }
0xbc: {  	[dreg:$0x0] =	wrdreg $0x60  }
0xbd: {  	[dreg:$0x2] =	wrdreg s24  }
0xbe: {  	[dreg:$0x3] =	wrdreg s18  }
0xbf: {  	[dreg:$0x4] =	wrdreg $0xC  }
0xc0: {  	_ =	task.clear_ibuf [dreg:s22], $0x5FFFF;
	_ =	strace $0x9000004F  }
0xc1: {  	s29 =	simm.s32 $0xC;
	_ =	strace $0x80000051  }
0xc2: {  	_ =	swait.ge [sflag:s29], $0x1  }
0xc3: {  	[sflag:s29] =	ssyncadd.s32 $0xFFFFFFFF  }
0xc4: {  	_ =	strace $0x90000051  }
0xc5: {  	_ =	sfence  }
0xc6: {  	s30 =	sld [smem:$0x0];
	_ =	sdelay $0x2  }
0xc7: {  	s31 =	sshll.u32 s1, $0xD;
	s1 =	sshrl.u32 s1, $0x2  }
0xc8: {  	s4 =	sand.u32 $0x4000, s31;
	s1 =	sadd.s32 s1, s30  }
0xc9: {  	s0 =	sor.u32 s4, s0;
	s1 =	sshll.u32 s1, $0x11  }
0xca: {  	s0 =	sor.u32 s1, s0  }
0xcb: {  	s0 =	sadd.s32 $0x8F2B, s0  }
0xcc: {  	[sflag:s0] =	ssyncadd.remote.s32 $0x1  }
0xcd: {  	_ =	sfence.sel $0xFFFF  }
0xce: {  	[dreg:$0x0] =	wrdreg $0xFFFFFFFF;
	(pc) =	sbr.abs _section_cstart, $3  }
0xcf: {  	[dreg:$0x1] =	wrdreg $0xFFFFFFFF  }
0xd0: {  	_ =	task.clear_ibuf [dreg:s22], $0x2FFFF;
	_ =	strace $0x9FFFFFFF  }
0xd1: {  	(tm) =	ssettm $0x7FFFFFFF  }
tec
execute0_lowered:
.L_overlay_start_1:
0x0: {  	(tag) =	ssettag $0x1  }
0x1: {  	s0 =	srdreg.scid;
	s5 =	stileid.u32  }
0x2: {  	s4 =	rddreg [dreg:$0x0];
	s3 =	simm.s32 $0x0;
	s0 =	sand.u32 $0x1, s0  }
0x3: {  	s1 =	sshll.u32 s5, $0xB;
	[smem:$0x7FF] =	sst s3;
	s2 =	sshll.u32 s0, $0xA  }
0x4: {  	s19 =	simm.s32 $0xC00;
	s1 =	sor.u32 s2, s1;
	s2 =	rddreg [dreg:$0x1]  }
0x5: {  	s20 =	simm.s32 $0x1400;
	_ =	strace $0x80000050;
	[dreg:$0x4] =	wrdreg s19  }
0x6: {  	s21 =	simm.s32 $0x1800;
	[dreg:$0x5] =	wrdreg s20  }
0x7: {  	s22 =	simm.s32 $0x2000;
	[dreg:$0x6] =	wrdreg s21  }
0x8: {  	s23 =	simm.s32 $0x2800;
	[dreg:$0x7] =	wrdreg s22  }
0x9: {  	s24 =	simm.s32 $0x2C00;
	[dreg:$0x8] =	wrdreg s23  }
0xa: {  	s25 =	simm.s32 $0x3400;
	[dreg:$0x9] =	wrdreg s24  }
0xb: {  	s26 =	simm.s32 $0x3C00;
	[dreg:$0xa] =	wrdreg s25  }
0xc: {  	s6 =	simm.s32 $0x4000;
	[dreg:$0xb] =	wrdreg s26  }
0xd: {  	s7 =	simm.s32 $0x4800;
	[dreg:$0xc] =	wrdreg s6  }
0xe: {  	s8 =	simm.s32 $0x5000;
	[dreg:$0xd] =	wrdreg s7  }
0xf: {  	s9 =	simm.s32 $0x5400;
	[dreg:$0xe] =	wrdreg s8  }
0x10: {  	s10 =	simm.s32 $0x5C00;
	[dreg:$0xf] =	wrdreg s9  }
0x11: {  	s11 =	simm.s32 $0x6400;
	[dreg:$0x10] =	wrdreg s10  }
0x12: {  	s12 =	simm.s32 $0x6800;
	[dreg:$0x11] =	wrdreg s11  }
0x13: {  	s13 =	simm.s32 $0x7000;
	[dreg:$0x12] =	wrdreg s12  }
0x14: {  	s14 =	simm.s32 $0x7800;
	s15 =	simm.s32 $0x7C00;
	[dreg:$0x13] =	wrdreg s13  }
0x15: {  	s16 =	simm.s32 $0x8400;
	s17 =	simm.s32 $0x8C00;
	[dreg:$0x14] =	wrdreg s14  }
0x16: {  	s18 =	simm.s32 $0x9000;
	s28 =	simm.s32 $0x13800;
	[dreg:$0x15] =	wrdreg s15  }
0x17: {  	s29 =	simm.s32 $0x14000;
	s30 =	simm.s32 $0x1;
	[dreg:$0x16] =	wrdreg s16  }
0x18: {  	s31 =	simm.s32 $0x0;
	s5 =	sshll.u32 s5, $0x8;
	[dreg:$0x17] =	wrdreg s17  }
0x19: {  	s6 =	sshll.u32 s0, $0x7;
	s0 =	ssub.s32 $0x2, s0;
	[dreg:$0x18] =	wrdreg s18  }
0x1a: {  	s19 =	simm.s32 $0x9800;
	s21 =	simm.s32 $0xA000;
	s22 =	simm.s32 $0xA400  }
0x1b: {  	s23 =	simm.s32 $0xAC00;
	s24 =	simm.s32 $0xB400;
	s25 =	simm.s32 $0xB800  }
0x1c: {  	s26 =	simm.s32 $0xC000;
	s8 =	simm.s32 $0x2;
	s9 =	simm.s32 $0x400  }
0x1d: {  	s10 =	simm.s32 $0xC800;
	s11 =	simm.s32 $0xCC00;
	[dreg:$0x19] =	wrdreg s19  }
0x1e: {  	s12 =	simm.s32 $0xD400;
	s13 =	simm.s32 $0xDC00;
	[dreg:$0x1a] =	wrdreg s21  }
0x1f: {  	s14 =	simm.s32 $0xE000;
	s15 =	simm.s32 $0xE800;
	[dreg:$0x1b] =	wrdreg s22  }
0x20: {  	s16 =	simm.s32 $0xF000;
	s17 =	simm.s32 $0xF400;
	[dreg:$0x1c] =	wrdreg s23  }
0x21: {  	s18 =	simm.s32 $0xFC00;
	s1 =	sshrl.u32 s1, $0x3;
	[dreg:$0x1d] =	wrdreg s24  }
0x22: {  	s5 =	sor.u32 s6, s5;
	s20 =	sshrl.u32 s0, $0x1;
	[dreg:$0x1e] =	wrdreg s25  }
0x23: {  	s6 =	sadd.s32 $0x200, s2;
	[dreg:$0x1f] =	wrdreg s26;
	s19 =	simm.s32 $0x10400  }
0x24: {  	s21 =	simm.s32 $0x11000;
	s22 =	simm.s32 $0x11800;
	s1 =	smul.u32 $0x280, s1  }
0x25: {  	s23 =	simm.s32 $0x11C00;
	s24 =	simm.s32 $0x12400;
	s0 =	ssub.s32 s0, s20  }
0x26: {  	s25 =	simm.s32 $0x12C00;
	s0 =	smax.u32 s0, $0x1;
	s1 =	sadd.s32 s1, s4  }
0x27: {  	v2 =	vlaneseq.u32;
	s4 =	sadd.s32 s5, s4;
	[smem:$0x7FD] =	sst s0;
	s1 =	sadd.s32 $0x967400, s1  }
0x28: {  	vm0 =	vmmov $0xffff;
	vm1 =	vmmov $0xff;
	v1 =	vshrl.u32 v2, $0x3;
	s26 =	simm.s32 $0x13000;
	s4 =	sadd.s32 $0x966400, s4;
	[dreg:$0x3] =	wrdreg s1  }
0x29: {  	v0 =	vand.u32 $0x7, v2;
	v2 =	vor.u32 $0x8, v2;
	v1 =	vmul.u32 $0x8, v1;
	s20 =	simm.s32 $0x10800;
	s5 =	sadd.s32 $0x100, s2;
	[smem:$0x7FC] =	sst s4  }
.LBB2_1:
0x2a: {  	s0 =	sld [smem:$0x7FC];
	_ =	sdelay $0x2  }
0x2b: {  	[tilespmem:s3], [sflag:$0x2] =	stream.linear.gather [hbm4b:s0+s3], $0x400, $0x38;
	[tilespmem:$0x14400] =	vst v63  }
0x2c: {  	_ =	swait.ge [sflag:s8], $0x400  }
0x2d: {  	[sflag:s8] =	ssyncset.done $0x0  }
0x2e: {  	s1 =	simm.s32 $0x40;
	s0 =	simm.s32 $0x0;
	[sflag:s8] =	ssyncadd.s32 $0xFFFFFC00  }
.LBB2_2:
0x2f: {  	v3 =	vld [tilespmem:s1+$0xFFFFFFC0];
	_ =	sdelay $0x4  }
0x30: {  	v4 =	vshrl.u32 v3, $0x3  }
0x31: {  	v4 =	vmul.u32 $0x28, v4  }
0x32: {  	v3 =	vand.u32 $0x7, v3  }
0x33: {  	v3 =	vor.u32 v3, v4  }
0x34: {  	v4 =	vperm.xlane v3, v0;
	_ =	sdelay $0x1  }
0x35: {  	v4 =	vadd.s32 v1, v4;
	_ =	sdelay $0x3  }
0x36: {  	v3 =	vperm.xlane v3, v2  }
0x37: {  	[tilespmem:s9], [sflag:$0x1] =	stream.indirect_vreg.gather [hbm4b:s2+s3], $0x80, v4, vm0, $0xb8;
	[tilespmem:$0x14400] =	vst v63  }
0x38: {  	s4 =	rddreg [dreg:$0x4];
	v3 =	vadd.s32 v1, v3  }
0x39: {  	[tilespmem:s4], [sflag:$0x1] =	stream.indirect_vreg.gather [hbm4b:s5+s3], $0x80, v4, vm0, $0xb8;
	[tilespmem:$0x14400] =	vst v63  }
0x3a: {  	s7 =	rddreg [dreg:$0x5]  }
0x3b: {  	[tilespmem:s7], [sflag:$0x1] =	stream.indirect_vreg.gather [hbm4b:s6+s3], $0x80, v4, vm1, $0xb8;
	[tilespmem:$0x14400] =	vst v63  }
0x3c: {  	s4 =	rddreg [dreg:$0x6]  }
0x3d: {  	[tilespmem:s4], [sflag:$0x1] =	stream.indirect_vreg.gather [hbm4b:s2+s3], $0x80, v3, vm0, $0xb8;
	[tilespmem:$0x14400] =	vst v63  }
0x3e: {  	s7 =	rddreg [dreg:$0x7]  }
0x3f: {  	[tilespmem:s7], [sflag:$0x1] =	stream.indirect_vreg.gather [hbm4b:s5+s3], $0x80, v3, vm0, $0xb8;
	[tilespmem:$0x14400] =	vst v63  }
0x40: {  	s4 =	rddreg [dreg:$0x8]  }
0x41: {  	[tilespmem:s4], [sflag:$0x1] =	stream.indirect_vreg.gather [hbm4b:s6+s3], $0x80, v3, vm1, $0xb8;
	[tilespmem:$0x14400] =	vst v63  }
0x42: {  	v3 =	vld [tilespmem:s1+$0xFFFFFFD0];
	_ =	sdelay $0x4  }
0x43: {  	v57 =	vshrl.u32 v3, $0x3  }
0x44: {  	v4 =	vmul.u32 $0x28, v57  }
0x45: {  	v3 =	vand.u32 $0x7, v3  }
0x46: {  	v3 =	vor.u32 v3, v4  }
0x47: {  	v4 =	vperm.xlane v3, v0;
	_ =	sdelay $0x1  }
0x48: {  	v4 =	vadd.s32 v1, v4;
	_ =	sdelay $0x3  }
0x49: {  	s4 =	rddreg [dreg:$0x9];
	v3 =	vperm.xlane v3, v2  }
0x4a: {  	[tilespmem:s4], [sflag:$0x1] =	stream.indirect_vreg.gather [hbm4b:s2+s3], $0x80, v4, vm0, $0xb8;
	[tilespmem:$0x14400] =	vst v63  }
0x4b: {  	s7 =	rddreg [dreg:$0xa];
	v3 =	vadd.s32 v1, v3  }
0x4c: {  	[tilespmem:s7], [sflag:$0x1] =	stream.indirect_vreg.gather [hbm4b:s5+s3], $0x80, v4, vm0, $0xb8;
	[tilespmem:$0x14400] =	vst v63  }
0x4d: {  	s4 =	rddreg [dreg:$0xb]  }
0x4e: {  	[tilespmem:s4], [sflag:$0x1] =	stream.indirect_vreg.gather [hbm4b:s6+s3], $0x80, v4, vm1, $0xb8;
	[tilespmem:$0x14400] =	vst v63  }
0x4f: {  	s7 =	rddreg [dreg:$0xc]  }
0x50: {  	[tilespmem:s7], [sflag:$0x1] =	stream.indirect_vreg.gather [hbm4b:s2+s3], $0x80, v3, vm0, $0xb8;
	[tilespmem:$0x14400] =	vst v63  }
0x51: {  	s4 =	rddreg [dreg:$0xd]  }
0x52: {  	[tilespmem:s4], [sflag:$0x1] =	stream.indirect_vreg.gather [hbm4b:s5+s3], $0x80, v3, vm0, $0xb8;
	[tilespmem:$0x14400] =	vst v63  }
0x53: {  	s7 =	rddreg [dreg:$0xe]  }
0x54: {  	[tilespmem:s7], [sflag:$0x1] =	stream.indirect_vreg.gather [hbm4b:s6+s3], $0x80, v3, vm1, $0xb8;
	[tilespmem:$0x14400] =	vst v63  }
0x55: {  	v3 =	vld [tilespmem:s1+$0xFFFFFFE0];
	_ =	sdelay $0x4  }
0x56: {  	v58 =	vshrl.u32 v3, $0x3  }
0x57: {  	v4 =	vmul.u32 $0x28, v58  }
0x58: {  	v3 =	vand.u32 $0x7, v3  }
0x59: {  	v3 =	vor.u32 v3, v4  }
0x5a: {  	v4 =	vperm.xlane v3, v0;
	_ =	sdelay $0x1  }
0x5b: {  	v4 =	vadd.s32 v1, v4;
	_ =	sdelay $0x3  }
0x5c: {  	s4 =	rddreg [dreg:$0xf];
	v3 =	vperm.xlane v3, v2  }
0x5d: {  	[tilespmem:s4], [sflag:$0x1] =	stream.indirect_vreg.gather [hbm4b:s2+s3], $0x80, v4, vm0, $0xb8;
	[tilespmem:$0x14400] =	vst v63  }
0x5e: {  	s7 =	rddreg [dreg:$0x10];
	v3 =	vadd.s32 v1, v3  }
0x5f: {  	[tilespmem:s7], [sflag:$0x1] =	stream.indirect_vreg.gather [hbm4b:s5+s3], $0x80, v4, vm0, $0xb8;
	[tilespmem:$0x14400] =	vst v63  }
0x60: {  	s4 =	rddreg [dreg:$0x11]  }
0x61: {  	[tilespmem:s4], [sflag:$0x1] =	stream.indirect_vreg.gather [hbm4b:s6+s3], $0x80, v4, vm1, $0xb8;
	[tilespmem:$0x14400] =	vst v63  }
0x62: {  	s7 =	rddreg [dreg:$0x12]  }
0x63: {  	[tilespmem:s7], [sflag:$0x1] =	stream.indirect_vreg.gather [hbm4b:s2+s3], $0x80, v3, vm0, $0xb8;
	[tilespmem:$0x14400] =	vst v63  }
0x64: {  	s4 =	rddreg [dreg:$0x13]  }
0x65: {  	[tilespmem:s4], [sflag:$0x1] =	stream.indirect_vreg.gather [hbm4b:s5+s3], $0x80, v3, vm0, $0xb8;
	[tilespmem:$0x14400] =	vst v63  }
0x66: {  	s7 =	rddreg [dreg:$0x14]  }
0x67: {  	[tilespmem:s7], [sflag:$0x1] =	stream.indirect_vreg.gather [hbm4b:s6+s3], $0x80, v3, vm1, $0xb8;
	[tilespmem:$0x14400] =	vst v63  }
0x68: {  	v3 =	vld [tilespmem:s1+$0xFFFFFFF0];
	_ =	sdelay $0x4  }
0x69: {  	v59 =	vshrl.u32 v3, $0x3  }
0x6a: {  	v4 =	vmul.u32 $0x28, v59  }
0x6b: {  	v3 =	vand.u32 $0x7, v3  }
0x6c: {  	v3 =	vor.u32 v3, v4  }
0x6d: {  	v4 =	vperm.xlane v3, v0;
	_ =	sdelay $0x1  }
0x6e: {  	v4 =	vadd.s32 v1, v4;
	_ =	sdelay $0x3  }
0x6f: {  	s4 =	rddreg [dreg:$0x15];
	v3 =	vperm.xlane v3, v2  }
0x70: {  	[tilespmem:s4], [sflag:$0x1] =	stream.indirect_vreg.gather [hbm4b:s2+s3], $0x80, v4, vm0, $0xb8;
	[tilespmem:$0x14400] =	vst v63  }
0x71: {  	s7 =	rddreg [dreg:$0x16];
	v3 =	vadd.s32 v1, v3  }
0x72: {  	[tilespmem:s7], [sflag:$0x1] =	stream.indirect_vreg.gather [hbm4b:s5+s3], $0x80, v4, vm0, $0xb8;
	[tilespmem:$0x14400] =	vst v63  }
0x73: {  	s4 =	rddreg [dreg:$0x17]  }
0x74: {  	[tilespmem:s4], [sflag:$0x1] =	stream.indirect_vreg.gather [hbm4b:s6+s3], $0x80, v4, vm1, $0xb8;
	[tilespmem:$0x14400] =	vst v63  }
0x75: {  	s7 =	rddreg [dreg:$0x18]  }
0x76: {  	[tilespmem:s7], [sflag:$0x1] =	stream.indirect_vreg.gather [hbm4b:s2+s3], $0x80, v3, vm0, $0xb8;
	[tilespmem:$0x14400] =	vst v63  }
0x77: {  	s4 =	rddreg [dreg:$0x19]  }
0x78: {  	[tilespmem:s4], [sflag:$0x1] =	stream.indirect_vreg.gather [hbm4b:s5+s3], $0x80, v3, vm0, $0xb8;
	[tilespmem:$0x14400] =	vst v63  }
0x79: {  	s7 =	rddreg [dreg:$0x1a]  }
0x7a: {  	[tilespmem:s7], [sflag:$0x1] =	stream.indirect_vreg.gather [hbm4b:s6+s3], $0x80, v3, vm1, $0xb8;
	[tilespmem:$0x14400] =	vst v63  }
0x7b: {  	v3 =	vld [tilespmem:s1+$0x0];
	_ =	sdelay $0x4  }
0x7c: {  	v60 =	vshrl.u32 v3, $0x3  }
0x7d: {  	v4 =	vmul.u32 $0x28, v60  }
0x7e: {  	v3 =	vand.u32 $0x7, v3  }
0x7f: {  	v3 =	vor.u32 v3, v4  }
0x80: {  	v4 =	vperm.xlane v3, v0;
	_ =	sdelay $0x1  }
0x81: {  	v4 =	vadd.s32 v1, v4;
	_ =	sdelay $0x3  }
0x82: {  	s4 =	rddreg [dreg:$0x1b];
	v3 =	vperm.xlane v3, v2  }
0x83: {  	[tilespmem:s4], [sflag:$0x1] =	stream.indirect_vreg.gather [hbm4b:s2+s3], $0x80, v4, vm0, $0xb8;
	[tilespmem:$0x14400] =	vst v63  }
0x84: {  	s7 =	rddreg [dreg:$0x1c];
	v3 =	vadd.s32 v1, v3  }
0x85: {  	[tilespmem:s7], [sflag:$0x1] =	stream.indirect_vreg.gather [hbm4b:s5+s3], $0x80, v4, vm0, $0xb8;
	[tilespmem:$0x14400] =	vst v63  }
0x86: {  	s4 =	rddreg [dreg:$0x1d]  }
0x87: {  	[tilespmem:s4], [sflag:$0x1] =	stream.indirect_vreg.gather [hbm4b:s6+s3], $0x80, v4, vm1, $0xb8;
	[tilespmem:$0x14400] =	vst v63  }
0x88: {  	s7 =	rddreg [dreg:$0x1e]  }
0x89: {  	[tilespmem:s7], [sflag:$0x1] =	stream.indirect_vreg.gather [hbm4b:s2+s3], $0x80, v3, vm0, $0xb8;
	[tilespmem:$0x14400] =	vst v63  }
0x8a: {  	s4 =	rddreg [dreg:$0x1f]  }
0x8b: {  	[tilespmem:s4], [sflag:$0x1] =	stream.indirect_vreg.gather [hbm4b:s5+s3], $0x80, v3, vm0, $0xb8;
	[tilespmem:$0x14400] =	vst v63  }
0x8c: {  	_ = 	snop  }
0x8d: {  	[tilespmem:s10], [sflag:$0x1] =	stream.indirect_vreg.gather [hbm4b:s6+s3], $0x80, v3, vm1, $0xb8;
	[tilespmem:$0x14400] =	vst v63  }
0x8e: {  	v3 =	vld [tilespmem:s1+$0x10];
	_ =	sdelay $0x4  }
0x8f: {  	v61 =	vshrl.u32 v3, $0x3  }
0x90: {  	v4 =	vmul.u32 $0x28, v61  }
0x91: {  	v3 =	vand.u32 $0x7, v3  }
0x92: {  	v3 =	vor.u32 v3, v4  }
0x93: {  	v4 =	vperm.xlane v3, v0;
	_ =	sdelay $0x1  }
0x94: {  	v4 =	vadd.s32 v1, v4;
	_ =	sdelay $0x3  }
0x95: {  	v3 =	vperm.xlane v3, v2  }
0x96: {  	[tilespmem:s11], [sflag:$0x1] =	stream.indirect_vreg.gather [hbm4b:s2+s3], $0x80, v4, vm0, $0xb8;
	[tilespmem:$0x14400] =	vst v63  }
0x97: {  	v3 =	vadd.s32 v1, v3  }
0x98: {  	[tilespmem:s12], [sflag:$0x1] =	stream.indirect_vreg.gather [hbm4b:s5+s3], $0x80, v4, vm0, $0xb8;
	[tilespmem:$0x14400] =	vst v63  }
0x99: {  	_ = 	snop  }
0x9a: {  	[tilespmem:s13], [sflag:$0x1] =	stream.indirect_vreg.gather [hbm4b:s6+s3], $0x80, v4, vm1, $0xb8;
	[tilespmem:$0x14400] =	vst v63  }
0x9b: {  	_ = 	snop  }
0x9c: {  	[tilespmem:s14], [sflag:$0x1] =	stream.indirect_vreg.gather [hbm4b:s2+s3], $0x80, v3, vm0, $0xb8;
	[tilespmem:$0x14400] =	vst v63  }
0x9d: {  	_ = 	snop  }
0x9e: {  	[tilespmem:s15], [sflag:$0x1] =	stream.indirect_vreg.gather [hbm4b:s5+s3], $0x80, v3, vm0, $0xb8;
	[tilespmem:$0x14400] =	vst v63  }
0x9f: {  	_ = 	snop  }
0xa0: {  	[tilespmem:s16], [sflag:$0x1] =	stream.indirect_vreg.gather [hbm4b:s6+s3], $0x80, v3, vm1, $0xb8;
	[tilespmem:$0x14400] =	vst v63  }
0xa1: {  	v3 =	vld [tilespmem:s1+$0x20];
	_ =	sdelay $0x4  }
0xa2: {  	v62 =	vshrl.u32 v3, $0x3  }
0xa3: {  	v4 =	vmul.u32 $0x28, v62  }
0xa4: {  	v3 =	vand.u32 $0x7, v3  }
0xa5: {  	v3 =	vor.u32 v3, v4  }
0xa6: {  	v4 =	vperm.xlane v3, v0;
	_ =	sdelay $0x1  }
0xa7: {  	v4 =	vadd.s32 v1, v4;
	_ =	sdelay $0x3  }
0xa8: {  	v3 =	vperm.xlane v3, v2  }
0xa9: {  	[tilespmem:s17], [sflag:$0x1] =	stream.indirect_vreg.gather [hbm4b:s2+s3], $0x80, v4, vm0, $0xb8;
	[tilespmem:$0x14400] =	vst v63  }
0xaa: {  	v3 =	vadd.s32 v1, v3  }
0xab: {  	[tilespmem:s18], [sflag:$0x1] =	stream.indirect_vreg.gather [hbm4b:s5+s3], $0x80, v4, vm0, $0xb8;
	[tilespmem:$0x14400] =	vst v63  }
0xac: {  	_ = 	snop  }
0xad: {  	[tilespmem:s19], [sflag:$0x1] =	stream.indirect_vreg.gather [hbm4b:s6+s3], $0x80, v4, vm1, $0xb8;
	[tilespmem:$0x14400] =	vst v63  }
0xae: {  	_ = 	snop  }
0xaf: {  	[tilespmem:s20], [sflag:$0x1] =	stream.indirect_vreg.gather [hbm4b:s2+s3], $0x80, v3, vm0, $0xb8;
	[tilespmem:$0x14400] =	vst v63  }
0xb0: {  	_ = 	snop  }
0xb1: {  	[tilespmem:s21], [sflag:$0x1] =	stream.indirect_vreg.gather [hbm4b:s5+s3], $0x80, v3, vm0, $0xb8;
	[tilespmem:$0x14400] =	vst v63  }
0xb2: {  	_ = 	snop  }
0xb3: {  	[tilespmem:s22], [sflag:$0x1] =	stream.indirect_vreg.gather [hbm4b:s6+s3], $0x80, v3, vm1, $0xb8;
	[tilespmem:$0x14400] =	vst v63  }
0xb4: {  	v3 =	vld [tilespmem:s1+$0x30];
	_ =	sdelay $0x4  }
0xb5: {  	v63 =	vshrl.u32 v3, $0x3  }
0xb6: {  	v4 =	vmul.u32 $0x28, v63  }
0xb7: {  	v3 =	vand.u32 $0x7, v3  }
0xb8: {  	v3 =	vor.u32 v3, v4  }
0xb9: {  	v4 =	vperm.xlane v3, v0;
	_ =	sdelay $0x1  }
0xba: {  	v4 =	vadd.s32 v1, v4;
	_ =	sdelay $0x3  }
0xbb: {  	v3 =	vperm.xlane v3, v2  }
0xbc: {  	[tilespmem:s23], [sflag:$0x1] =	stream.indirect_vreg.gather [hbm4b:s2+s3], $0x80, v4, vm0, $0xb8;
	[tilespmem:$0x14400] =	vst v63  }
0xbd: {  	v3 =	vadd.s32 v1, v3  }
0xbe: {  	[tilespmem:s24], [sflag:$0x1] =	stream.indirect_vreg.gather [hbm4b:s5+s3], $0x80, v4, vm0, $0xb8;
	[tilespmem:$0x14400] =	vst v63  }
0xbf: {  	_ = 	snop  }
0xc0: {  	[tilespmem:s25], [sflag:$0x1] =	stream.indirect_vreg.gather [hbm4b:s6+s3], $0x80, v4, vm1, $0xb8;
	[tilespmem:$0x14400] =	vst v63  }
0xc1: {  	_ = 	snop  }
0xc2: {  	[tilespmem:s26], [sflag:$0x1] =	stream.indirect_vreg.gather [hbm4b:s2+s3], $0x80, v3, vm0, $0xb8;
	[tilespmem:$0x14400] =	vst v63  }
0xc3: {  	_ = 	snop  }
0xc4: {  	[tilespmem:s28], [sflag:$0x1] =	stream.indirect_vreg.gather [hbm4b:s5+s3], $0x80, v3, vm0, $0xb8;
	[tilespmem:$0x14400] =	vst v63  }
0xc5: {  	_ = 	snop  }
0xc6: {  	[tilespmem:s29], [sflag:$0x1] =	stream.indirect_vreg.gather [hbm4b:s6+s3], $0x80, v3, vm1, $0xb8;
	[tilespmem:$0x14400] =	vst v63  }
0xc7: {  	_ =	swait.ge [sflag:s30], $0x14000  }
0xc8: {  	p0 =	sne.s32 s0, $0x11800;
	s7 =	rddreg [dreg:$0x3];
	[sflag:s30] =	ssyncset.done $0x0  }
.Ltmp0:
0xc9: {  	[sflag:s30] =	ssyncadd.s32 $0xFFFEC000;
	s4 =	sadd.s32 s0, s7;
	(pc) =	sbr.rel @p0 .LBB2_2-.Ltmp0, $4  }
0xca: {  	[hbm4b:s4+s3] =	stream.linear.scatter [tilespmem:s9], [sflag:$0x2], $0x14000, $0x38;
	[tilespmem:$0x14400] =	vst v63  }
0xcb: {  	_ =	swait.ge [sflag:s8], $0x14000  }
0xcc: {  	[sflag:s8] =	ssyncset.done $0x0  }
0xcd: {  	s1 =	sadd.s32 $0x80, s1;
	s0 =	sadd.s32 $0x2800, s0;
	[sflag:s8] =	ssyncadd.s32 $0xFFFEC000  }
0xce: {  	s0 =	sld [smem:$0x7FD];
	_ =	sdelay $0x1  }
0xcf: {  	s31 =	sadd.s32 $0x1, s31  }
0xd0: {  	p0 =	sne.s32 s31, s0  }
.Ltmp1:
0xd1: {  	_ = 	snop;
	(pc) =	sbr.rel @p0 .LBB2_1-.Ltmp1, $1  }
0xd2: {  	_ =	sdelay $0x3  }
0xd3: {  	_ =	sfence.sel $0x180000  }
0xd4: {  	[bflag:$0x0] =	sbarrier.arrive $0xFFFF  }
0xd5: {  	_ =	strace $0x90000050  }
0xd6: {  	s0 =	stileid.u32;
	[bflag:$0x2] =	sbarrier.arrive $0xFFFF  }
0xd7: {  	p0 =	sne.s32 s0, $0x0;
	s0 =	rddreg [dreg:$0x2]  }
0xd8: {  	s0 =	sadd.s32 @!p0 $0x100000, s0  }
0xd9: {  	[sflag:s0] =	ssyncadd.tile.s32 @!p0 $0x1;
	_ =	shalt  }
.Lfunc_end2:
_tile_overlayer_lowered:
.L_overlay_start_2:
0xda: {  	(tag) =	ssettag $0x2  }
0xdb: {  	s0 =	rddreg [dreg:$0x0];
	s2 =	stileid.u32  }
0xdc: {  	s1 =	rddreg [dreg:$0x1];
	p0 =	sne.s32 s2, $0x0  }
0xdd: {  	s3 =	rddreg [dreg:$0x2];
	[bflag:$0x3] =	sbarrier.arrive $0xFFFF;
	s2 =	simm.s32 @!p0 $0x1C02  }
0xde: {  	[timem:s3], [sflag:s2] =	dma.local @!p0 [hbm:s0], s1  }
0xdf: {  	s0 =	simm.s32 @!p0 $0x2  }
0xe0: {  	_ =	swait.ge @!p0 [sflag:s0], s1  }
0xe1: {  	s1 =	ssub.s32 @!p0 $0x0, s1;
	[sflag:s0] =	ssyncset.done @!p0 $0x0  }
0xe2: {  	[sflag:s0] =	ssyncadd.s32 @!p0 s1  }
0xe3: {  	[bflag:$0x3] =	sbarrier.arrive $0xFFFF  }
0xe4: {  	_ =	shalt  }

</sc_bundles>
